<compile_context>
chip_gen: v7x
topology: tpu7x:2x2x1
jax: 0.10.2.dev20260603
libtpu: 0.0.44.dev20260713+nightly
codegen_flags: <defaults>
</compile_context>

<pallas_src>
import functools

import jax
import jax.numpy as jnp
from jax import lax
from jax.experimental import pallas as pl
from jax.experimental.pallas import tpu as pltpu
from jax.experimental.pallas import tpu_sc as plsc

B, C, NF, L = 32, 8, 4096, 8192
P = B * C
GL = 2 * L
FBUF = NF + 16
SW = 4 * L
CL = 2048
NCH = GL // CL
NC, NS = 2, 16
NW = NC * NS
TPW = P // NW


@functools.partial(
    pl.kernel,
    mesh=plsc.VectorSubcoreMesh(core_axis_name="c", subcore_axis_name="s"),
    out_type=jax.ShapeDtypeStruct((NW, 16), jnp.float32),
    scratch_types=[
        pltpu.VMEM((FBUF,), jnp.int32),
        pltpu.VMEM((FBUF,), jnp.int32),
        pltpu.VMEM((FBUF,), jnp.int32),
        pltpu.VMEM((2 * NF,), jnp.float32),
        pltpu.VMEM((2 * NF,), jnp.float32),
        pltpu.VMEM((GL,), jnp.int32),
        pltpu.VMEM((2 * CL,), jnp.float32),
        pltpu.VMEM((2 * CL,), jnp.float32),
        pltpu.VMEM((2 * CL,), jnp.float32),
        pltpu.VMEM((2 * CL,), jnp.float32),
        pltpu.VMEM((16,), jnp.float32),
        pltpu.SemaphoreType.DMA,
        pltpu.SemaphoreType.DMA,
        pltpu.SemaphoreType.DMA,
        pltpu.SemaphoreType.DMA,
        pltpu.SemaphoreType.DMA,
        pltpu.SemaphoreType.DMA,
    ],
    compiler_params=pltpu.CompilerParams(needs_layout_passes=False),
)
def _sc_loss(iff, tff, iss, tss, pidx, out, if_v, tf_v, ew_v, fs_i, fs_t,
             px_v, is_v0, is_v1, ts_v0, ts_v1, acc_v, si0, st0, si1, st1,
             sfi, sft):
    wid = lax.axis_index("s") * NC + lax.axis_index("c")
    zero16 = jnp.zeros((16,), jnp.float32)
    izero16 = jnp.zeros((16,), jnp.int32)
    sems = ((si0, st0), (si1, st1))
    sbufs = ((is_v0, ts_v0), (is_v1, ts_v1))

    pltpu.sync_copy(pidx, px_v)

    def s_copies(p, c, bi):
        off = p * SW + c * (2 * CL)
        return (
            pltpu.make_async_copy(iss.at[pl.ds(off, 2 * CL)], sbufs[bi][0],
                                  sems[bi][0]),
            pltpu.make_async_copy(tss.at[pl.ds(off, 2 * CL)], sbufs[bi][1],
                                  sems[bi][1]),
        )

    def pack_pass():
        def pk_body(g, _):
            o = ((g >> 3) << 8) + ((g & 7) << 4)
            air = fs_i[pl.ds(o, 16)]
            aii = fs_i[pl.ds(o + 128, 16)]
            btr = fs_t[pl.ds(o, 16)]
            bti = fs_t[pl.ds(o + 128, 16)]
            eer = air - 2.0 * btr
            eei = aii - 2.0 * bti

            def pkw(re, im):
                u0 = plsc.bitcast(re, jnp.int32)
                u1 = plsc.bitcast(im, jnp.int32)
                return (((u0 + 32768) >> 16) & 0xFFFF) \
                    | ((u1 + 32768) & -65536)

            if_v[pl.ds(g * 16, 16)] = pkw(air, aii)
            tf_v[pl.ds(g * 16, 16)] = pkw(btr, bti)
            ew_v[pl.ds(g * 16, 16)] = pkw(eer, eei)
            return 0
        lax.fori_loop(0, NF // 16, pk_body, 0)

    def task_body(t, tot):
        p = wid * TPW + t
        for h in s_copies(p, 0, 0):
            h.start()
        hfi = pltpu.make_async_copy(iff.at[pl.ds(p * 2 * NF, 2 * NF)],
                                    fs_i, sfi)
        hft = pltpu.make_async_copy(tff.at[pl.ds(p * 2 * NF, 2 * NF)],
                                    fs_t, sft)
        hfi.start()
        hft.start()
        hfi.wait()
        hft.wait()
        pack_pass()
        if_v[pl.ds(NF, 16)] = izero16
        tf_v[pl.ds(NF, 16)] = izero16
        ew_v[pl.ds(NF, 16)] = izero16

        for c in range(NCH):
            bi = c % 2
            if c + 1 < NCH:
                for h in s_copies(p, c + 1, 1 - bi):
                    h.start()
            for h in s_copies(p, c, bi):
                h.wait()
            isb, tsb = sbufs[bi]

            def group_body(g, tot3, _c=c, _isb=isb, _tsb=tsb):
                ar, ai = tot3
                o = ((g >> 3) << 8) + ((g & 7) << 4)
                pk = px_v[pl.ds(_c * CL + g * 16, 16)]
                i0 = pk & 0xFFFF
                i1 = pk >> 16
                Ew = plsc.load_gather(ew_v, [i0])
                Bw = plsc.load_gather(tf_v, [i0])
                Cw = plsc.load_gather(if_v, [i1])
                Dw = plsc.load_gather(tf_v, [i1])
                Er = plsc.bitcast(Ew << 16, jnp.float32)
                Ei = plsc.bitcast(Ew & -65536, jnp.float32)
                Br = plsc.bitcast(Bw << 16, jnp.float32)
                Bi = plsc.bitcast(Bw & -65536, jnp.float32)
                Cr = plsc.bitcast(Cw << 16, jnp.float32)
                Ci = plsc.bitcast(Cw & -65536, jnp.float32)
                Dr = plsc.bitcast(Dw << 16, jnp.float32)
                Di = plsc.bitcast(Dw & -65536, jnp.float32)
                err_r = (Er * Dr + Ei * Di) + (Br * Cr + Bi * Ci)
                err_i = (Ei * Dr - Er * Di) + (Bi * Cr - Br * Ci)
                isr = _isb[pl.ds(o, 16)]
                isi = _isb[pl.ds(o + 128, 16)]
                tsr = _tsb[pl.ds(o, 16)]
                tsi = _tsb[pl.ds(o + 128, 16)]
                gr = isr - tsr - err_r
                gi = isi - tsi - err_i
                return ar + gr * gr, ai + gi * gi

            tot = plsc.parallel_loop(0, CL // 16, 1, unroll=2,
                                     carry=tot)(group_body)
        return tot

    tr, ti = lax.fori_loop(0, TPW, task_body, (zero16, zero16))
    acc_v[...] = tr + ti
    pltpu.sync_copy(acc_v, out.at[wid])


def kernel(i_f, i_s, t_f, t_s, xi_idx0, xi_idx1, ks0, ks1):
    def flat_s(x):
        return x.reshape(B, C, GL // 128, 128, 2) \
                .transpose(0, 1, 2, 4, 3).reshape(-1)

    def flat_f(x):
        return x.reshape(B, C, NF // 128, 128, 2) \
                .transpose(0, 1, 2, 4, 3).reshape(-1)

    def pack(xi, ks):
        m = (ks[:, 0] > 0) | (ks[:, 1] > 0)
        a0 = jnp.where(m, NF, xi[:, 0])
        a1 = jnp.where(m, NF, xi[:, 1])
        return (a0 | (a1 << 16)).astype(jnp.int32)

    pidx = jnp.concatenate([pack(xi_idx0, ks0), pack(xi_idx1, ks1)])
    out = _sc_loss(flat_f(i_f), flat_f(t_f), flat_s(i_s), flat_s(t_s), pidx)
    return jnp.sum(out) * (1.0 / (P * GL))

# --- scband reference (transcript-rebuilt; emitter-appended) ---
"""Pipeline reference for scband-mseloss-24386824307099 (READ-ONLY COPY).

The authoritative reference and input builder live on the scoring server;
editing this copy changes nothing except your own understanding.
"""

import jax, jax.numpy as jnp
import numpy as np


def cplx_mul(a, b):
    re = a[..., 0] * b[..., 0] - a[..., 1] * b[..., 1]
    im = a[..., 0] * b[..., 1] + a[..., 1] * b[..., 0]
    return jnp.stack([re, im], axis=-1)


def cplx_conjugate(a):
    return jnp.stack([a[..., 0], -a[..., 1]], axis=-1)


def setup_inputs(seed: int = 0):
    key = jax.random.key(seed)
    ks_ = jax.random.split(key, 8)
    B, C, NF, L = 32, 8, 4096, 8192
    i_f = jax.random.normal(ks_[0], (B, C, NF, 2), dtype=jnp.float32)
    i_s = jax.random.normal(ks_[1], (B, C, 2 * L, 2), dtype=jnp.float32)
    t_f = jax.random.normal(ks_[2], (B, C, NF, 2), dtype=jnp.float32)
    t_s = jax.random.normal(ks_[3], (B, C, 2 * L, 2), dtype=jnp.float32)
    xi_idx0 = jax.random.randint(ks_[4], (L, 2), 0, NF)
    xi_idx1 = jax.random.randint(ks_[5], (L, 2), 0, NF)
    ks0 = jax.random.normal(ks_[6], (L, 2), dtype=jnp.float32)
    ks1 = jax.random.normal(ks_[7], (L, 2), dtype=jnp.float32)
    return {"i_f": i_f, "i_s": i_s, "t_f": t_f, "t_s": t_s,
            "xi_idx0": xi_idx0, "xi_idx1": xi_idx1, "ks0": ks0, "ks1": ks1}


def reference(i_f, i_s, t_f, t_s, xi_idx0, xi_idx1, ks0, ks1):
    f_gap = i_f - t_f
    s_gap = i_s - t_s
    gaps = []
    start = 0
    for xi_idx, ks in ((xi_idx0, ks0), (xi_idx1, ks1)):
        f_gap0 = jnp.take(f_gap, xi_idx[:, 0], axis=2)
        f_gap1 = jnp.take(f_gap, xi_idx[:, 1], axis=2)
        t_f0 = jnp.take(t_f, xi_idx[:, 0], axis=2)
        t_f1 = jnp.take(t_f, xi_idx[:, 1], axis=2)
        m0 = (ks[..., 0] > 0)[None, None, :, None]
        m1 = (ks[..., 1] > 0)[None, None, :, None]
        f_gap0 = jnp.where(m0, 0.0, f_gap0)
        f_gap1 = jnp.where(m1, 0.0, f_gap1)
        t_f0 = jnp.where(m0, 0.0, t_f0)
        t_f1 = jnp.where(m1, 0.0, t_f1)
        err_fst0 = cplx_mul(f_gap0, cplx_conjugate(t_f1))
        err_fst1 = cplx_mul(t_f0, cplx_conjugate(f_gap1))
        l = xi_idx.shape[0]
        g = s_gap[:, :, start:start + l] - err_fst0 - err_fst1
        start += l
        gaps.append(g)
    gap = jnp.concatenate(gaps, axis=2)
    sq_err = (gap ** 2).sum(-1)
    return jnp.mean(sq_err.reshape(-1))

if __name__ == "__main__":
    import jax
    _d = setup_inputs()
    print(jax.jit(kernel)(*tuple(_d.values())))

</pallas_src>

<mosaic_0001>
#map = affine_map<(d0, d1) -> (0)>
#map1 = affine_map<(d0, d1) -> (0, 0)>
module attributes {stable_mosaic.version = 14 : i64} {
  func.func @_sc_loss(%arg0: i32, %arg1: i32, %arg2: memref<2097152xf32, #tpu.memory_space<hbm>>, %arg3: memref<2097152xf32, #tpu.memory_space<hbm>>, %arg4: memref<8388608xf32, #tpu.memory_space<hbm>>, %arg5: memref<8388608xf32, #tpu.memory_space<hbm>>, %arg6: memref<16384xi32, #tpu.memory_space<hbm>>, %arg7: memref<32x16xf32, #tpu.memory_space<hbm>>, %arg8: memref<4112xi32, #tpu.memory_space<vmem>>, %arg9: memref<4112xi32, #tpu.memory_space<vmem>>, %arg10: memref<4112xi32, #tpu.memory_space<vmem>>, %arg11: memref<8192xf32, #tpu.memory_space<vmem>>, %arg12: memref<8192xf32, #tpu.memory_space<vmem>>, %arg13: memref<16384xi32, #tpu.memory_space<vmem>>, %arg14: memref<4096xf32, #tpu.memory_space<vmem>>, %arg15: memref<4096xf32, #tpu.memory_space<vmem>>, %arg16: memref<4096xf32, #tpu.memory_space<vmem>>, %arg17: memref<4096xf32, #tpu.memory_space<vmem>>, %arg18: memref<16xf32, #tpu.memory_space<vmem>>, %arg19: memref<!tpu.dma_semaphore, #tpu.memory_space<semaphore_mem>>, %arg20: memref<!tpu.dma_semaphore, #tpu.memory_space<semaphore_mem>>, %arg21: memref<!tpu.dma_semaphore, #tpu.memory_space<semaphore_mem>>, %arg22: memref<!tpu.dma_semaphore, #tpu.memory_space<semaphore_mem>>, %arg23: memref<!tpu.dma_semaphore, #tpu.memory_space<semaphore_mem>>, %arg24: memref<!tpu.dma_semaphore, #tpu.memory_space<semaphore_mem>>) attributes {dimension_semantics = [#tpu.dimension_semantics<core_parallel>, #tpu.dimension_semantics<subcore_parallel>], iteration_bounds = array<i64: 2, 16>, scalar_prefetch = 0 : i64, scratch_operands = 17 : i64, tpu.core_type = #tpu.core_type<sc_vector_subcore>, window_params = [{transform_indices = #map}, {transform_indices = #map}, {transform_indices = #map}, {transform_indices = #map}, {transform_indices = #map}, {transform_indices = #map1}]} {
    %mul3A = arith.constant 2 : i32
    %mul3A_0 = arith.muli %arg1, %mul3A : i32
    %add3A = arith.addi %mul3A_0, %arg0 : i32
    %broadcast_in_dim3A = arith.constant 0.000000e+00 : f32
    %broadcast_in_dim3A_1 = vector.broadcast %broadcast_in_dim3A : f32 to vector<16xf32>
    %broadcast_in_dim3A_2 = arith.constant 0 : i32
    %broadcast_in_dim3A_3 = vector.broadcast %broadcast_in_dim3A_2 : i32 to vector<16xi32>
    "tpu.region"() ({
      %run_scoped3A = tpu.sem_alloc : memref<!tpu.dma_semaphore, #tpu.memory_space<semaphore_mem>>
      tpu.enqueue_dma source(%arg6 : memref<16384xi32, #tpu.memory_space<hbm>>) target(%arg13 : memref<16384xi32, #tpu.memory_space<vmem>>) target_semaphore(%run_scoped3A : memref<!tpu.dma_semaphore, #tpu.memory_space<semaphore_mem>>)
      tpu.wait_dma2 semaphore(%run_scoped3A : memref<!tpu.dma_semaphore, #tpu.memory_space<semaphore_mem>>) src(%arg6 : memref<16384xi32, #tpu.memory_space<hbm>>) dst(%arg13 : memref<16384xi32, #tpu.memory_space<vmem>>)
      tpu.yield
    }) : () -> ()
    %scan3A = arith.constant 0 : i32
    %scan3A_4 = arith.constant 8 : i32
    %scan3A_5 = arith.addi %scan3A, %scan3A_4 : i32
    %scan3A_6 = arith.constant 1 : i32
    %scan3A_7:2 = scf.for %scan3A_11 = %scan3A to %scan3A_5 step %scan3A_6 iter_args(%scan3A_12 = %broadcast_in_dim3A_1, %scan3A_13 = %broadcast_in_dim3A_1) -> (vector<16xf32>, vector<16xf32>)  : i32 {
      %mul3A_14 = arith.constant 8 : i32
      %mul3A_15 = arith.muli %add3A, %mul3A_14 : i32
      %add3A_16 = arith.addi %mul3A_15, %scan3A_11 : i32
      %mul3A_17 = arith.constant 32768 : i32
      %mul3A_18 = arith.muli %add3A_16, %mul3A_17 : i32
      %add3A_19 = arith.constant 0 : i32
      %add3A_20 = arith.addi %mul3A_18, %add3A_19 : i32
      %dma_start3A = tpu.memref_slice %arg4[%add3A_20] : memref<8388608xf32, #tpu.memory_space<hbm>> -> memref<4096xf32, #tpu.memory_space<hbm>>
      %dma_start3A_21 = tpu.memref_slice %arg4[%add3A_20] : memref<8388608xf32, #tpu.memory_space<hbm>> -> memref<4096xf32, #tpu.memory_space<hbm>>
      tpu.enqueue_dma source(%dma_start3A_21 : memref<4096xf32, #tpu.memory_space<hbm>>) target(%arg14 : memref<4096xf32, #tpu.memory_space<vmem>>) target_semaphore(%arg19 : memref<!tpu.dma_semaphore, #tpu.memory_space<semaphore_mem>>)
      %dma_start3A_22 = tpu.memref_slice %arg5[%add3A_20] : memref<8388608xf32, #tpu.memory_space<hbm>> -> memref<4096xf32, #tpu.memory_space<hbm>>
      %dma_start3A_23 = tpu.memref_slice %arg5[%add3A_20] : memref<8388608xf32, #tpu.memory_space<hbm>> -> memref<4096xf32, #tpu.memory_space<hbm>>
      tpu.enqueue_dma source(%dma_start3A_23 : memref<4096xf32, #tpu.memory_space<hbm>>) target(%arg16 : memref<4096xf32, #tpu.memory_space<vmem>>) target_semaphore(%arg20 : memref<!tpu.dma_semaphore, #tpu.memory_space<semaphore_mem>>)
      %mul3A_24 = arith.constant 2 : i32
      %mul3A_25 = arith.muli %add3A_16, %mul3A_24 : i32
      %mul3A_26 = arith.constant 4096 : i32
      %mul3A_27 = arith.muli %mul3A_25, %mul3A_26 : i32
      %mul3A_28 = arith.constant 2 : i32
      %mul3A_29 = arith.muli %add3A_16, %mul3A_28 : i32
      %mul3A_30 = arith.constant 4096 : i32
      %mul3A_31 = arith.muli %mul3A_29, %mul3A_30 : i32
      %dma_start3A_32 = tpu.memref_slice %arg2[%mul3A_27] : memref<2097152xf32, #tpu.memory_space<hbm>> -> memref<8192xf32, #tpu.memory_space<hbm>>
      %dma_start3A_33 = tpu.memref_slice %arg2[%mul3A_27] : memref<2097152xf32, #tpu.memory_space<hbm>> -> memref<8192xf32, #tpu.memory_space<hbm>>
      tpu.enqueue_dma source(%dma_start3A_33 : memref<8192xf32, #tpu.memory_space<hbm>>) target(%arg11 : memref<8192xf32, #tpu.memory_space<vmem>>) target_semaphore(%arg23 : memref<!tpu.dma_semaphore, #tpu.memory_space<semaphore_mem>>)
      %dma_start3A_34 = tpu.memref_slice %arg3[%mul3A_31] : memref<2097152xf32, #tpu.memory_space<hbm>> -> memref<8192xf32, #tpu.memory_space<hbm>>
      %dma_start3A_35 = tpu.memref_slice %arg3[%mul3A_31] : memref<2097152xf32, #tpu.memory_space<hbm>> -> memref<8192xf32, #tpu.memory_space<hbm>>
      tpu.enqueue_dma source(%dma_start3A_35 : memref<8192xf32, #tpu.memory_space<hbm>>) target(%arg12 : memref<8192xf32, #tpu.memory_space<vmem>>) target_semaphore(%arg24 : memref<!tpu.dma_semaphore, #tpu.memory_space<semaphore_mem>>)
      %dma_wait3A = tpu.memref_slice %arg2[%mul3A_27] : memref<2097152xf32, #tpu.memory_space<hbm>> -> memref<8192xf32, #tpu.memory_space<hbm>>
      %dma_wait3A_36 = tpu.memref_slice %arg2[%mul3A_27] : memref<2097152xf32, #tpu.memory_space<hbm>> -> memref<8192xf32, #tpu.memory_space<hbm>>
      tpu.wait_dma2 semaphore(%arg23 : memref<!tpu.dma_semaphore, #tpu.memory_space<semaphore_mem>>) src(%dma_wait3A_36 : memref<8192xf32, #tpu.memory_space<hbm>>) dst(%arg11 : memref<8192xf32, #tpu.memory_space<vmem>>)
      %dma_wait3A_37 = tpu.memref_slice %arg3[%mul3A_31] : memref<2097152xf32, #tpu.memory_space<hbm>> -> memref<8192xf32, #tpu.memory_space<hbm>>
      %dma_wait3A_38 = tpu.memref_slice %arg3[%mul3A_31] : memref<2097152xf32, #tpu.memory_space<hbm>> -> memref<8192xf32, #tpu.memory_space<hbm>>
      tpu.wait_dma2 semaphore(%arg24 : memref<!tpu.dma_semaphore, #tpu.memory_space<semaphore_mem>>) src(%dma_wait3A_38 : memref<8192xf32, #tpu.memory_space<hbm>>) dst(%arg12 : memref<8192xf32, #tpu.memory_space<vmem>>)
      %scan3A_39 = arith.constant 0 : i32
      %scan3A_40 = arith.constant 0 : i32
      %scan3A_41 = arith.constant 256 : i32
      %scan3A_42 = arith.addi %scan3A_40, %scan3A_41 : i32
      %scan3A_43 = arith.constant 1 : i32
      %scan3A_44 = scf.for %scan3A_203 = %scan3A_40 to %scan3A_42 step %scan3A_43 iter_args(%scan3A_204 = %scan3A_39) -> (i32)  : i32 {
        %shift_right_arithmetic3A = arith.constant 3 : i32
        %shift_right_arithmetic3A_205 = arith.shrsi %scan3A_203, %shift_right_arithmetic3A : i32
        %shift_left3A = arith.constant 8 : i32
        %shift_left3A_206 = arith.shli %shift_right_arithmetic3A_205, %shift_left3A : i32
        %and3A = arith.constant 7 : i32
        %and3A_207 = arith.andi %scan3A_203, %and3A : i32
        %shift_left3A_208 = arith.constant 4 : i32
        %shift_left3A_209 = arith.shli %and3A_207, %shift_left3A_208 : i32
        %add3A_210 = arith.addi %shift_left3A_206, %shift_left3A_209 : i32
        %get3A = arith.index_cast %add3A_210 : i32 to index
        %get3A_211 = tpu.vector_load %arg11[%get3A] {strides = array<i32>} : memref<8192xf32, #tpu.memory_space<vmem>>, vector<16xf32>,
        %add3A_212 = arith.constant 128 : i32
        %add3A_213 = arith.addi %add3A_210, %add3A_212 : i32
        %get3A_214 = arith.index_cast %add3A_213 : i32 to index
        %get3A_215 = tpu.vector_load %arg11[%get3A_214] {strides = array<i32>} : memref<8192xf32, #tpu.memory_space<vmem>>, vector<16xf32>,
        %get3A_216 = arith.index_cast %add3A_210 : i32 to index
        %get3A_217 = tpu.vector_load %arg12[%get3A_216] {strides = array<i32>} : memref<8192xf32, #tpu.memory_space<vmem>>, vector<16xf32>,
        %add3A_218 = arith.constant 128 : i32
        %add3A_219 = arith.addi %add3A_210, %add3A_218 : i32
        %get3A_220 = arith.index_cast %add3A_219 : i32 to index
        %get3A_221 = tpu.vector_load %arg12[%get3A_220] {strides = array<i32>} : memref<8192xf32, #tpu.memory_space<vmem>>, vector<16xf32>,
        %mul3A_222 = arith.constant 2.000000e+00 : f32
        %mul3A_223 = vector.broadcast %mul3A_222 : f32 to vector<16xf32>
        %mul3A_224 = arith.mulf %mul3A_223, %get3A_217 : vector<16xf32>
        %sub3A = arith.subf %get3A_211, %mul3A_224 : vector<16xf32>
        %mul3A_225 = arith.constant 2.000000e+00 : f32
        %mul3A_226 = vector.broadcast %mul3A_225 : f32 to vector<16xf32>
        %mul3A_227 = arith.mulf %mul3A_226, %get3A_221 : vector<16xf32>
        %sub3A_228 = arith.subf %get3A_215, %mul3A_227 : vector<16xf32>
        %bitcast3A = vector.bitcast %get3A_211 : vector<16xf32> to vector<16xi32>
        %bitcast3A_229 = vector.bitcast %get3A_215 : vector<16xf32> to vector<16xi32>
        %add3A_230 = arith.constant 32768 : i32
        %add3A_231 = vector.broadcast %add3A_230 : i32 to vector<16xi32>
        %add3A_232 = arith.addi %bitcast3A, %add3A_231 : vector<16xi32>
        %shift_right_arithmetic3A_233 = arith.constant 16 : i32
        %shift_right_arithmetic3A_234 = vector.broadcast %shift_right_arithmetic3A_233 : i32 to vector<16xi32>
        %shift_right_arithmetic3A_235 = arith.shrsi %add3A_232, %shift_right_arithmetic3A_234 : vector<16xi32>
        %and3A_236 = arith.constant 65535 : i32
        %and3A_237 = vector.broadcast %and3A_236 : i32 to vector<16xi32>
        %and3A_238 = arith.andi %shift_right_arithmetic3A_235, %and3A_237 : vector<16xi32>
        %add3A_239 = arith.constant 32768 : i32
        %add3A_240 = vector.broadcast %add3A_239 : i32 to vector<16xi32>
        %add3A_241 = arith.addi %bitcast3A_229, %add3A_240 : vector<16xi32>
        %and3A_242 = arith.constant -65536 : i32
        %and3A_243 = vector.broadcast %and3A_242 : i32 to vector<16xi32>
        %and3A_244 = arith.andi %add3A_241, %and3A_243 : vector<16xi32>
        %or3A = arith.ori %and3A_238, %and3A_244 : vector<16xi32>
        %mul3A_245 = arith.constant 16 : i32
        %mul3A_246 = arith.muli %scan3A_203, %mul3A_245 : i32
        %swap3A_247 = arith.index_cast %mul3A_246 : i32 to index
        %swap3A_248 = tpu.vector_load %arg8[%swap3A_247] {strides = array<i32>} : memref<4112xi32, #tpu.memory_space<vmem>>, vector<16xi32>,
        tpu.vector_store %arg8[%swap3A_247], %or3A {strides = array<i32>} : memref<4112xi32, #tpu.memory_space<vmem>>, vector<16xi32>,
        %bitcast3A_249 = vector.bitcast %get3A_217 : vector<16xf32> to vector<16xi32>
        %bitcast3A_250 = vector.bitcast %get3A_221 : vector<16xf32> to vector<16xi32>
        %add3A_251 = arith.constant 32768 : i32
        %add3A_252 = vector.broadcast %add3A_251 : i32 to vector<16xi32>
        %add3A_253 = arith.addi %bitcast3A_249, %add3A_252 : vector<16xi32>
        %shift_right_arithmetic3A_254 = arith.constant 16 : i32
        %shift_right_arithmetic3A_255 = vector.broadcast %shift_right_arithmetic3A_254 : i32 to vector<16xi32>
        %shift_right_arithmetic3A_256 = arith.shrsi %add3A_253, %shift_right_arithmetic3A_255 : vector<16xi32>
        %and3A_257 = arith.constant 65535 : i32
        %and3A_258 = vector.broadcast %and3A_257 : i32 to vector<16xi32>
        %and3A_259 = arith.andi %shift_right_arithmetic3A_256, %and3A_258 : vector<16xi32>
        %add3A_260 = arith.constant 32768 : i32
        %add3A_261 = vector.broadcast %add3A_260 : i32 to vector<16xi32>
        %add3A_262 = arith.addi %bitcast3A_250, %add3A_261 : vector<16xi32>
        %and3A_263 = arith.constant -65536 : i32
        %and3A_264 = vector.broadcast %and3A_263 : i32 to vector<16xi32>
        %and3A_265 = arith.andi %add3A_262, %and3A_264 : vector<16xi32>
        %or3A_266 = arith.ori %and3A_259, %and3A_265 : vector<16xi32>
        %mul3A_267 = arith.constant 16 : i32
        %mul3A_268 = arith.muli %scan3A_203, %mul3A_267 : i32
        %swap3A_269 = arith.index_cast %mul3A_268 : i32 to index
        %swap3A_270 = tpu.vector_load %arg9[%swap3A_269] {strides = array<i32>} : memref<4112xi32, #tpu.memory_space<vmem>>, vector<16xi32>,
        tpu.vector_store %arg9[%swap3A_269], %or3A_266 {strides = array<i32>} : memref<4112xi32, #tpu.memory_space<vmem>>, vector<16xi32>,
        %bitcast3A_271 = vector.bitcast %sub3A : vector<16xf32> to vector<16xi32>
        %bitcast3A_272 = vector.bitcast %sub3A_228 : vector<16xf32> to vector<16xi32>
        %add3A_273 = arith.constant 32768 : i32
        %add3A_274 = vector.broadcast %add3A_273 : i32 to vector<16xi32>
        %add3A_275 = arith.addi %bitcast3A_271, %add3A_274 : vector<16xi32>
        %shift_right_arithmetic3A_276 = arith.constant 16 : i32
        %shift_right_arithmetic3A_277 = vector.broadcast %shift_right_arithmetic3A_276 : i32 to vector<16xi32>
        %shift_right_arithmetic3A_278 = arith.shrsi %add3A_275, %shift_right_arithmetic3A_277 : vector<16xi32>
        %and3A_279 = arith.constant 65535 : i32
        %and3A_280 = vector.broadcast %and3A_279 : i32 to vector<16xi32>
        %and3A_281 = arith.andi %shift_right_arithmetic3A_278, %and3A_280 : vector<16xi32>
        %add3A_282 = arith.constant 32768 : i32
        %add3A_283 = vector.broadcast %add3A_282 : i32 to vector<16xi32>
        %add3A_284 = arith.addi %bitcast3A_272, %add3A_283 : vector<16xi32>
        %and3A_285 = arith.constant -65536 : i32
        %and3A_286 = vector.broadcast %and3A_285 : i32 to vector<16xi32>
        %and3A_287 = arith.andi %add3A_284, %and3A_286 : vector<16xi32>
        %or3A_288 = arith.ori %and3A_281, %and3A_287 : vector<16xi32>
        %mul3A_289 = arith.constant 16 : i32
        %mul3A_290 = arith.muli %scan3A_203, %mul3A_289 : i32
        %swap3A_291 = arith.index_cast %mul3A_290 : i32 to index
        %swap3A_292 = tpu.vector_load %arg10[%swap3A_291] {strides = array<i32>} : memref<4112xi32, #tpu.memory_space<vmem>>, vector<16xi32>,
        tpu.vector_store %arg10[%swap3A_291], %or3A_288 {strides = array<i32>} : memref<4112xi32, #tpu.memory_space<vmem>>, vector<16xi32>,
        %scan3A_293 = arith.constant 0 : i32
        scf.yield %scan3A_293 : i32
      }
      %scan3A_45 = arith.constant 256 : i32
      %swap3A_46 = arith.constant 4096 : index
      %swap3A_47 = tpu.vector_load %arg8[%swap3A_46] {strides = array<i32>} : memref<4112xi32, #tpu.memory_space<vmem>>, vector<16xi32>,
      tpu.vector_store %arg8[%swap3A_46], %broadcast_in_dim3A_3 {strides = array<i32>} : memref<4112xi32, #tpu.memory_space<vmem>>, vector<16xi32>,
      %swap3A_48 = arith.constant 4096 : index
      %swap3A_49 = tpu.vector_load %arg9[%swap3A_48] {strides = array<i32>} : memref<4112xi32, #tpu.memory_space<vmem>>, vector<16xi32>,
      tpu.vector_store %arg9[%swap3A_48], %broadcast_in_dim3A_3 {strides = array<i32>} : memref<4112xi32, #tpu.memory_space<vmem>>, vector<16xi32>,
      %swap3A_50 = arith.constant 4096 : index
      %swap3A_51 = tpu.vector_load %arg10[%swap3A_50] {strides = array<i32>} : memref<4112xi32, #tpu.memory_space<vmem>>, vector<16xi32>,
      tpu.vector_store %arg10[%swap3A_50], %broadcast_in_dim3A_3 {strides = array<i32>} : memref<4112xi32, #tpu.memory_space<vmem>>, vector<16xi32>,
      %mul3A_52 = arith.constant 32768 : i32
      %mul3A_53 = arith.muli %add3A_16, %mul3A_52 : i32
      %add3A_54 = arith.constant 4096 : i32
      %add3A_55 = arith.addi %mul3A_53, %add3A_54 : i32
      %dma_start3A_56 = tpu.memref_slice %arg4[%add3A_55] : memref<8388608xf32, #tpu.memory_space<hbm>> -> memref<4096xf32, #tpu.memory_space<hbm>>
      %dma_start3A_57 = tpu.memref_slice %arg4[%add3A_55] : memref<8388608xf32, #tpu.memory_space<hbm>> -> memref<4096xf32, #tpu.memory_space<hbm>>
      tpu.enqueue_dma source(%dma_start3A_57 : memref<4096xf32, #tpu.memory_space<hbm>>) target(%arg15 : memref<4096xf32, #tpu.memory_space<vmem>>) target_semaphore(%arg21 : memref<!tpu.dma_semaphore, #tpu.memory_space<semaphore_mem>>)
      %dma_start3A_58 = tpu.memref_slice %arg5[%add3A_55] : memref<8388608xf32, #tpu.memory_space<hbm>> -> memref<4096xf32, #tpu.memory_space<hbm>>
      %dma_start3A_59 = tpu.memref_slice %arg5[%add3A_55] : memref<8388608xf32, #tpu.memory_space<hbm>> -> memref<4096xf32, #tpu.memory_space<hbm>>
      tpu.enqueue_dma source(%dma_start3A_59 : memref<4096xf32, #tpu.memory_space<hbm>>) target(%arg17 : memref<4096xf32, #tpu.memory_space<vmem>>) target_semaphore(%arg22 : memref<!tpu.dma_semaphore, #tpu.memory_space<semaphore_mem>>)
      %mul3A_60 = arith.constant 32768 : i32
      %mul3A_61 = arith.muli %add3A_16, %mul3A_60 : i32
      %add3A_62 = arith.constant 0 : i32
      %add3A_63 = arith.addi %mul3A_61, %add3A_62 : i32
      %dma_wait3A_64 = tpu.memref_slice %arg4[%add3A_63] : memref<8388608xf32, #tpu.memory_space<hbm>> -> memref<4096xf32, #tpu.memory_space<hbm>>
      %dma_wait3A_65 = tpu.memref_slice %arg4[%add3A_63] : memref<8388608xf32, #tpu.memory_space<hbm>> -> memref<4096xf32, #tpu.memory_space<hbm>>
      tpu.wait_dma2 semaphore(%arg19 : memref<!tpu.dma_semaphore, #tpu.memory_space<semaphore_mem>>) src(%dma_wait3A_65 : memref<4096xf32, #tpu.memory_space<hbm>>) dst(%arg14 : memref<4096xf32, #tpu.memory_space<vmem>>)
      %dma_wait3A_66 = tpu.memref_slice %arg5[%add3A_63] : memref<8388608xf32, #tpu.memory_space<hbm>> -> memref<4096xf32, #tpu.memory_space<hbm>>
      %dma_wait3A_67 = tpu.memref_slice %arg5[%add3A_63] : memref<8388608xf32, #tpu.memory_space<hbm>> -> memref<4096xf32, #tpu.memory_space<hbm>>
      tpu.wait_dma2 semaphore(%arg20 : memref<!tpu.dma_semaphore, #tpu.memory_space<semaphore_mem>>) src(%dma_wait3A_67 : memref<4096xf32, #tpu.memory_space<hbm>>) dst(%arg16 : memref<4096xf32, #tpu.memory_space<vmem>>)
      %parallel_loop3A = arith.constant 0 : i32
      %parallel_loop3A_68 = arith.constant 128 : i32
      %parallel_loop3A_69 = arith.constant 1 : i32
      %parallel_loop3A_70:2 = scf.for %parallel_loop3A_203 = %parallel_loop3A to %parallel_loop3A_68 step %parallel_loop3A_69 iter_args(%parallel_loop3A_204 = %scan3A_12, %parallel_loop3A_205 = %scan3A_13) -> (vector<16xf32>, vector<16xf32>)  : i32 {
        %parallel_loop3A_206 = arith.constant 3 : i32
        %parallel_loop3A_207 = arith.shrsi %parallel_loop3A_203, %parallel_loop3A_206 : i32
        %parallel_loop3A_208 = arith.constant 8 : i32
        %parallel_loop3A_209 = arith.shli %parallel_loop3A_207, %parallel_loop3A_208 : i32
        %parallel_loop3A_210 = arith.constant 7 : i32
        %parallel_loop3A_211 = arith.andi %parallel_loop3A_203, %parallel_loop3A_210 : i32
        %parallel_loop3A_212 = arith.constant 4 : i32
        %parallel_loop3A_213 = arith.shli %parallel_loop3A_211, %parallel_loop3A_212 : i32
        %parallel_loop3A_214 = arith.addi %parallel_loop3A_209, %parallel_loop3A_213 : i32
        %parallel_loop3A_215 = arith.constant 16 : i32
        %parallel_loop3A_216 = arith.muli %parallel_loop3A_203, %parallel_loop3A_215 : i32
        %parallel_loop3A_217 = arith.constant 0 : i32
        %parallel_loop3A_218 = arith.addi %parallel_loop3A_217, %parallel_loop3A_216 : i32
        %parallel_loop3A_219 = arith.index_cast %parallel_loop3A_218 : i32 to index
        %parallel_loop3A_220 = tpu.vector_load %arg13[%parallel_loop3A_219] {strides = array<i32>} : memref<16384xi32, #tpu.memory_space<vmem>>, vector<16xi32>,
        %parallel_loop3A_221 = arith.constant 65535 : i32
        %parallel_loop3A_222 = vector.broadcast %parallel_loop3A_221 : i32 to vector<16xi32>
        %parallel_loop3A_223 = arith.andi %parallel_loop3A_220, %parallel_loop3A_222 : vector<16xi32>
        %parallel_loop3A_224 = arith.constant 16 : i32
        %parallel_loop3A_225 = vector.broadcast %parallel_loop3A_224 : i32 to vector<16xi32>
        %parallel_loop3A_226 = arith.shrsi %parallel_loop3A_220, %parallel_loop3A_225 : vector<16xi32>
        %parallel_loop3A_227 = tpu.vector_load_idx %arg10[%parallel_loop3A_223] : memref<4112xi32, #tpu.memory_space<vmem>>[vector<16xi32>], vector<16xi32>,
        %parallel_loop3A_228 = tpu.vector_load_idx %arg9[%parallel_loop3A_223] : memref<4112xi32, #tpu.memory_space<vmem>>[vector<16xi32>], vector<16xi32>,
        %parallel_loop3A_229 = tpu.vector_load_idx %arg8[%parallel_loop3A_226] : memref<4112xi32, #tpu.memory_space<vmem>>[vector<16xi32>], vector<16xi32>,
        %parallel_loop3A_230 = tpu.vector_load_idx %arg9[%parallel_loop3A_226] : memref<4112xi32, #tpu.memory_space<vmem>>[vector<16xi32>], vector<16xi32>,
        %parallel_loop3A_231 = arith.constant 16 : i32
        %parallel_loop3A_232 = vector.broadcast %parallel_loop3A_231 : i32 to vector<16xi32>
        %parallel_loop3A_233 = arith.shli %parallel_loop3A_227, %parallel_loop3A_232 : vector<16xi32>
        %parallel_loop3A_234 = vector.bitcast %parallel_loop3A_233 : vector<16xi32> to vector<16xf32>
        %parallel_loop3A_235 = arith.constant -65536 : i32
        %parallel_loop3A_236 = vector.broadcast %parallel_loop3A_235 : i32 to vector<16xi32>
        %parallel_loop3A_237 = arith.andi %parallel_loop3A_227, %parallel_loop3A_236 : vector<16xi32>
        %parallel_loop3A_238 = vector.bitcast %parallel_loop3A_237 : vector<16xi32> to vector<16xf32>
        %parallel_loop3A_239 = arith.constant 16 : i32
        %parallel_loop3A_240 = vector.broadcast %parallel_loop3A_239 : i32 to vector<16xi32>
        %parallel_loop3A_241 = arith.shli %parallel_loop3A_228, %parallel_loop3A_240 : vector<16xi32>
        %parallel_loop3A_242 = vector.bitcast %parallel_loop3A_241 : vector<16xi32> to vector<16xf32>
        %parallel_loop3A_243 = arith.constant -65536 : i32
        %parallel_loop3A_244 = vector.broadcast %parallel_loop3A_243 : i32 to vector<16xi32>
        %parallel_loop3A_245 = arith.andi %parallel_loop3A_228, %parallel_loop3A_244 : vector<16xi32>
        %parallel_loop3A_246 = vector.bitcast %parallel_loop3A_245 : vector<16xi32> to vector<16xf32>
        %parallel_loop3A_247 = arith.constant 16 : i32
        %parallel_loop3A_248 = vector.broadcast %parallel_loop3A_247 : i32 to vector<16xi32>
        %parallel_loop3A_249 = arith.shli %parallel_loop3A_229, %parallel_loop3A_248 : vector<16xi32>
        %parallel_loop3A_250 = vector.bitcast %parallel_loop3A_249 : vector<16xi32> to vector<16xf32>
        %parallel_loop3A_251 = arith.constant -65536 : i32
        %parallel_loop3A_252 = vector.broadcast %parallel_loop3A_251 : i32 to vector<16xi32>
        %parallel_loop3A_253 = arith.andi %parallel_loop3A_229, %parallel_loop3A_252 : vector<16xi32>
        %parallel_loop3A_254 = vector.bitcast %parallel_loop3A_253 : vector<16xi32> to vector<16xf32>
        %parallel_loop3A_255 = arith.constant 16 : i32
        %parallel_loop3A_256 = vector.broadcast %parallel_loop3A_255 : i32 to vector<16xi32>
        %parallel_loop3A_257 = arith.shli %parallel_loop3A_230, %parallel_loop3A_256 : vector<16xi32>
        %parallel_loop3A_258 = vector.bitcast %parallel_loop3A_257 : vector<16xi32> to vector<16xf32>
        %parallel_loop3A_259 = arith.constant -65536 : i32
        %parallel_loop3A_260 = vector.broadcast %parallel_loop3A_259 : i32 to vector<16xi32>
        %parallel_loop3A_261 = arith.andi %parallel_loop3A_230, %parallel_loop3A_260 : vector<16xi32>
        %parallel_loop3A_262 = vector.bitcast %parallel_loop3A_261 : vector<16xi32> to vector<16xf32>
        %parallel_loop3A_263 = arith.mulf %parallel_loop3A_234, %parallel_loop3A_258 : vector<16xf32>
        %parallel_loop3A_264 = arith.mulf %parallel_loop3A_238, %parallel_loop3A_262 : vector<16xf32>
        %parallel_loop3A_265 = arith.addf %parallel_loop3A_263, %parallel_loop3A_264 : vector<16xf32>
        %parallel_loop3A_266 = arith.mulf %parallel_loop3A_242, %parallel_loop3A_250 : vector<16xf32>
        %parallel_loop3A_267 = arith.mulf %parallel_loop3A_246, %parallel_loop3A_254 : vector<16xf32>
        %parallel_loop3A_268 = arith.addf %parallel_loop3A_266, %parallel_loop3A_267 : vector<16xf32>
        %parallel_loop3A_269 = arith.addf %parallel_loop3A_265, %parallel_loop3A_268 : vector<16xf32>
        %parallel_loop3A_270 = arith.mulf %parallel_loop3A_238, %parallel_loop3A_258 : vector<16xf32>
        %parallel_loop3A_271 = arith.mulf %parallel_loop3A_234, %parallel_loop3A_262 : vector<16xf32>
        %parallel_loop3A_272 = arith.subf %parallel_loop3A_270, %parallel_loop3A_271 : vector<16xf32>
        %parallel_loop3A_273 = arith.mulf %parallel_loop3A_246, %parallel_loop3A_250 : vector<16xf32>
        %parallel_loop3A_274 = arith.mulf %parallel_loop3A_242, %parallel_loop3A_254 : vector<16xf32>
        %parallel_loop3A_275 = arith.subf %parallel_loop3A_273, %parallel_loop3A_274 : vector<16xf32>
        %parallel_loop3A_276 = arith.addf %parallel_loop3A_272, %parallel_loop3A_275 : vector<16xf32>
        %parallel_loop3A_277 = arith.index_cast %parallel_loop3A_214 : i32 to index
        %parallel_loop3A_278 = tpu.vector_load %arg14[%parallel_loop3A_277] {strides = array<i32>} : memref<4096xf32, #tpu.memory_space<vmem>>, vector<16xf32>,
        %parallel_loop3A_279 = arith.constant 128 : i32
        %parallel_loop3A_280 = arith.addi %parallel_loop3A_214, %parallel_loop3A_279 : i32
        %parallel_loop3A_281 = arith.index_cast %parallel_loop3A_280 : i32 to index
        %parallel_loop3A_282 = tpu.vector_load %arg14[%parallel_loop3A_281] {strides = array<i32>} : memref<4096xf32, #tpu.memory_space<vmem>>, vector<16xf32>,
        %parallel_loop3A_283 = arith.index_cast %parallel_loop3A_214 : i32 to index
        %parallel_loop3A_284 = tpu.vector_load %arg16[%parallel_loop3A_283] {strides = array<i32>} : memref<4096xf32, #tpu.memory_space<vmem>>, vector<16xf32>,
        %parallel_loop3A_285 = arith.constant 128 : i32
        %parallel_loop3A_286 = arith.addi %parallel_loop3A_214, %parallel_loop3A_285 : i32
        %parallel_loop3A_287 = arith.index_cast %parallel_loop3A_286 : i32 to index
        %parallel_loop3A_288 = tpu.vector_load %arg16[%parallel_loop3A_287] {strides = array<i32>} : memref<4096xf32, #tpu.memory_space<vmem>>, vector<16xf32>,
        %parallel_loop3A_289 = arith.subf %parallel_loop3A_278, %parallel_loop3A_284 : vector<16xf32>
        %parallel_loop3A_290 = arith.subf %parallel_loop3A_289, %parallel_loop3A_269 : vector<16xf32>
        %parallel_loop3A_291 = arith.subf %parallel_loop3A_282, %parallel_loop3A_288 : vector<16xf32>
        %parallel_loop3A_292 = arith.subf %parallel_loop3A_291, %parallel_loop3A_276 : vector<16xf32>
        %parallel_loop3A_293 = arith.mulf %parallel_loop3A_290, %parallel_loop3A_290 : vector<16xf32>
        %parallel_loop3A_294 = arith.addf %parallel_loop3A_204, %parallel_loop3A_293 : vector<16xf32>
        %parallel_loop3A_295 = arith.mulf %parallel_loop3A_292, %parallel_loop3A_292 : vector<16xf32>
        %parallel_loop3A_296 = arith.addf %parallel_loop3A_205, %parallel_loop3A_295 : vector<16xf32>
        scf.yield %parallel_loop3A_294, %parallel_loop3A_296 : vector<16xf32>, vector<16xf32>
      } {sc.loop_unroll_factor = 2 : i64, sc.parallel_access}
      %mul3A_71 = arith.constant 32768 : i32
      %mul3A_72 = arith.muli %add3A_16, %mul3A_71 : i32
      %add3A_73 = arith.constant 8192 : i32
      %add3A_74 = arith.addi %mul3A_72, %add3A_73 : i32
      %dma_start3A_75 = tpu.memref_slice %arg4[%add3A_74] : memref<8388608xf32, #tpu.memory_space<hbm>> -> memref<4096xf32, #tpu.memory_space<hbm>>
      %dma_start3A_76 = tpu.memref_slice %arg4[%add3A_74] : memref<8388608xf32, #tpu.memory_space<hbm>> -> memref<4096xf32, #tpu.memory_space<hbm>>
      tpu.enqueue_dma source(%dma_start3A_76 : memref<4096xf32, #tpu.memory_space<hbm>>) target(%arg14 : memref<4096xf32, #tpu.memory_space<vmem>>) target_semaphore(%arg19 : memref<!tpu.dma_semaphore, #tpu.memory_space<semaphore_mem>>)
      %dma_start3A_77 = tpu.memref_slice %arg5[%add3A_74] : memref<8388608xf32, #tpu.memory_space<hbm>> -> memref<4096xf32, #tpu.memory_space<hbm>>
      %dma_start3A_78 = tpu.memref_slice %arg5[%add3A_74] : memref<8388608xf32, #tpu.memory_space<hbm>> -> memref<4096xf32, #tpu.memory_space<hbm>>
      tpu.enqueue_dma source(%dma_start3A_78 : memref<4096xf32, #tpu.memory_space<hbm>>) target(%arg16 : memref<4096xf32, #tpu.memory_space<vmem>>) target_semaphore(%arg20 : memref<!tpu.dma_semaphore, #tpu.memory_space<semaphore_mem>>)
      %mul3A_79 = arith.constant 32768 : i32
      %mul3A_80 = arith.muli %add3A_16, %mul3A_79 : i32
      %add3A_81 = arith.constant 4096 : i32
      %add3A_82 = arith.addi %mul3A_80, %add3A_81 : i32
      %dma_wait3A_83 = tpu.memref_slice %arg4[%add3A_82] : memref<8388608xf32, #tpu.memory_space<hbm>> -> memref<4096xf32, #tpu.memory_space<hbm>>
      %dma_wait3A_84 = tpu.memref_slice %arg4[%add3A_82] : memref<8388608xf32, #tpu.memory_space<hbm>> -> memref<4096xf32, #tpu.memory_space<hbm>>
      tpu.wait_dma2 semaphore(%arg21 : memref<!tpu.dma_semaphore, #tpu.memory_space<semaphore_mem>>) src(%dma_wait3A_84 : memref<4096xf32, #tpu.memory_space<hbm>>) dst(%arg15 : memref<4096xf32, #tpu.memory_space<vmem>>)
      %dma_wait3A_85 = tpu.memref_slice %arg5[%add3A_82] : memref<8388608xf32, #tpu.memory_space<hbm>> -> memref<4096xf32, #tpu.memory_space<hbm>>
      %dma_wait3A_86 = tpu.memref_slice %arg5[%add3A_82] : memref<8388608xf32, #tpu.memory_space<hbm>> -> memref<4096xf32, #tpu.memory_space<hbm>>
      tpu.wait_dma2 semaphore(%arg22 : memref<!tpu.dma_semaphore, #tpu.memory_space<semaphore_mem>>) src(%dma_wait3A_86 : memref<4096xf32, #tpu.memory_space<hbm>>) dst(%arg17 : memref<4096xf32, #tpu.memory_space<vmem>>)
      %parallel_loop3A_87 = arith.constant 0 : i32
      %parallel_loop3A_88 = arith.constant 128 : i32
      %parallel_loop3A_89 = arith.constant 1 : i32
      %parallel_loop3A_90:2 = scf.for %parallel_loop3A_203 = %parallel_loop3A_87 to %parallel_loop3A_88 step %parallel_loop3A_89 iter_args(%parallel_loop3A_204 = %parallel_loop3A_70#0, %parallel_loop3A_205 = %parallel_loop3A_70#1) -> (vector<16xf32>, vector<16xf32>)  : i32 {
        %parallel_loop3A_206 = arith.constant 3 : i32
        %parallel_loop3A_207 = arith.shrsi %parallel_loop3A_203, %parallel_loop3A_206 : i32
        %parallel_loop3A_208 = arith.constant 8 : i32
        %parallel_loop3A_209 = arith.shli %parallel_loop3A_207, %parallel_loop3A_208 : i32
        %parallel_loop3A_210 = arith.constant 7 : i32
        %parallel_loop3A_211 = arith.andi %parallel_loop3A_203, %parallel_loop3A_210 : i32
        %parallel_loop3A_212 = arith.constant 4 : i32
        %parallel_loop3A_213 = arith.shli %parallel_loop3A_211, %parallel_loop3A_212 : i32
        %parallel_loop3A_214 = arith.addi %parallel_loop3A_209, %parallel_loop3A_213 : i32
        %parallel_loop3A_215 = arith.constant 16 : i32
        %parallel_loop3A_216 = arith.muli %parallel_loop3A_203, %parallel_loop3A_215 : i32
        %parallel_loop3A_217 = arith.constant 2048 : i32
        %parallel_loop3A_218 = arith.addi %parallel_loop3A_217, %parallel_loop3A_216 : i32
        %parallel_loop3A_219 = arith.index_cast %parallel_loop3A_218 : i32 to index
        %parallel_loop3A_220 = tpu.vector_load %arg13[%parallel_loop3A_219] {strides = array<i32>} : memref<16384xi32, #tpu.memory_space<vmem>>, vector<16xi32>,
        %parallel_loop3A_221 = arith.constant 65535 : i32
        %parallel_loop3A_222 = vector.broadcast %parallel_loop3A_221 : i32 to vector<16xi32>
        %parallel_loop3A_223 = arith.andi %parallel_loop3A_220, %parallel_loop3A_222 : vector<16xi32>
        %parallel_loop3A_224 = arith.constant 16 : i32
        %parallel_loop3A_225 = vector.broadcast %parallel_loop3A_224 : i32 to vector<16xi32>
        %parallel_loop3A_226 = arith.shrsi %parallel_loop3A_220, %parallel_loop3A_225 : vector<16xi32>
        %parallel_loop3A_227 = tpu.vector_load_idx %arg10[%parallel_loop3A_223] : memref<4112xi32, #tpu.memory_space<vmem>>[vector<16xi32>], vector<16xi32>,
        %parallel_loop3A_228 = tpu.vector_load_idx %arg9[%parallel_loop3A_223] : memref<4112xi32, #tpu.memory_space<vmem>>[vector<16xi32>], vector<16xi32>,
        %parallel_loop3A_229 = tpu.vector_load_idx %arg8[%parallel_loop3A_226] : memref<4112xi32, #tpu.memory_space<vmem>>[vector<16xi32>], vector<16xi32>,
        %parallel_loop3A_230 = tpu.vector_load_idx %arg9[%parallel_loop3A_226] : memref<4112xi32, #tpu.memory_space<vmem>>[vector<16xi32>], vector<16xi32>,
        %parallel_loop3A_231 = arith.constant 16 : i32
        %parallel_loop3A_232 = vector.broadcast %parallel_loop3A_231 : i32 to vector<16xi32>
        %parallel_loop3A_233 = arith.shli %parallel_loop3A_227, %parallel_loop3A_232 : vector<16xi32>
        %parallel_loop3A_234 = vector.bitcast %parallel_loop3A_233 : vector<16xi32> to vector<16xf32>
        %parallel_loop3A_235 = arith.constant -65536 : i32
        %parallel_loop3A_236 = vector.broadcast %parallel_loop3A_235 : i32 to vector<16xi32>
        %parallel_loop3A_237 = arith.andi %parallel_loop3A_227, %parallel_loop3A_236 : vector<16xi32>
        %parallel_loop3A_238 = vector.bitcast %parallel_loop3A_237 : vector<16xi32> to vector<16xf32>
        %parallel_loop3A_239 = arith.constant 16 : i32
        %parallel_loop3A_240 = vector.broadcast %parallel_loop3A_239 : i32 to vector<16xi32>
        %parallel_loop3A_241 = arith.shli %parallel_loop3A_228, %parallel_loop3A_240 : vector<16xi32>
        %parallel_loop3A_242 = vector.bitcast %parallel_loop3A_241 : vector<16xi32> to vector<16xf32>
        %parallel_loop3A_243 = arith.constant -65536 : i32
        %parallel_loop3A_244 = vector.broadcast %parallel_loop3A_243 : i32 to vector<16xi32>
        %parallel_loop3A_245 = arith.andi %parallel_loop3A_228, %parallel_loop3A_244 : vector<16xi32>
        %parallel_loop3A_246 = vector.bitcast %parallel_loop3A_245 : vector<16xi32> to vector<16xf32>
        %parallel_loop3A_247 = arith.constant 16 : i32
        %parallel_loop3A_248 = vector.broadcast %parallel_loop3A_247 : i32 to vector<16xi32>
        %parallel_loop3A_249 = arith.shli %parallel_loop3A_229, %parallel_loop3A_248 : vector<16xi32>
        %parallel_loop3A_250 = vector.bitcast %parallel_loop3A_249 : vector<16xi32> to vector<16xf32>
        %parallel_loop3A_251 = arith.constant -65536 : i32
        %parallel_loop3A_252 = vector.broadcast %parallel_loop3A_251 : i32 to vector<16xi32>
        %parallel_loop3A_253 = arith.andi %parallel_loop3A_229, %parallel_loop3A_252 : vector<16xi32>
        %parallel_loop3A_254 = vector.bitcast %parallel_loop3A_253 : vector<16xi32> to vector<16xf32>
        %parallel_loop3A_255 = arith.constant 16 : i32
        %parallel_loop3A_256 = vector.broadcast %parallel_loop3A_255 : i32 to vector<16xi32>
        %parallel_loop3A_257 = arith.shli %parallel_loop3A_230, %parallel_loop3A_256 : vector<16xi32>
        %parallel_loop3A_258 = vector.bitcast %parallel_loop3A_257 : vector<16xi32> to vector<16xf32>
        %parallel_loop3A_259 = arith.constant -65536 : i32
        %parallel_loop3A_260 = vector.broadcast %parallel_loop3A_259 : i32 to vector<16xi32>
        %parallel_loop3A_261 = arith.andi %parallel_loop3A_230, %parallel_loop3A_260 : vector<16xi32>
        %parallel_loop3A_262 = vector.bitcast %parallel_loop3A_261 : vector<16xi32> to vector<16xf32>
        %parallel_loop3A_263 = arith.mulf %parallel_loop3A_234, %parallel_loop3A_258 : vector<16xf32>
        %parallel_loop3A_264 = arith.mulf %parallel_loop3A_238, %parallel_loop3A_262 : vector<16xf32>
        %parallel_loop3A_265 = arith.addf %parallel_loop3A_263, %parallel_loop3A_264 : vector<16xf32>
        %parallel_loop3A_266 = arith.mulf %parallel_loop3A_242, %parallel_loop3A_250 : vector<16xf32>
        %parallel_loop3A_267 = arith.mulf %parallel_loop3A_246, %parallel_loop3A_254 : vector<16xf32>
        %parallel_loop3A_268 = arith.addf %parallel_loop3A_266, %parallel_loop3A_267 : vector<16xf32>
        %parallel_loop3A_269 = arith.addf %parallel_loop3A_265, %parallel_loop3A_268 : vector<16xf32>
        %parallel_loop3A_270 = arith.mulf %parallel_loop3A_238, %parallel_loop3A_258 : vector<16xf32>
        %parallel_loop3A_271 = arith.mulf %parallel_loop3A_234, %parallel_loop3A_262 : vector<16xf32>
        %parallel_loop3A_272 = arith.subf %parallel_loop3A_270, %parallel_loop3A_271 : vector<16xf32>
        %parallel_loop3A_273 = arith.mulf %parallel_loop3A_246, %parallel_loop3A_250 : vector<16xf32>
        %parallel_loop3A_274 = arith.mulf %parallel_loop3A_242, %parallel_loop3A_254 : vector<16xf32>
        %parallel_loop3A_275 = arith.subf %parallel_loop3A_273, %parallel_loop3A_274 : vector<16xf32>
        %parallel_loop3A_276 = arith.addf %parallel_loop3A_272, %parallel_loop3A_275 : vector<16xf32>
        %parallel_loop3A_277 = arith.index_cast %parallel_loop3A_214 : i32 to index
        %parallel_loop3A_278 = tpu.vector_load %arg15[%parallel_loop3A_277] {strides = array<i32>} : memref<4096xf32, #tpu.memory_space<vmem>>, vector<16xf32>,
        %parallel_loop3A_279 = arith.constant 128 : i32
        %parallel_loop3A_280 = arith.addi %parallel_loop3A_214, %parallel_loop3A_279 : i32
        %parallel_loop3A_281 = arith.index_cast %parallel_loop3A_280 : i32 to index
        %parallel_loop3A_282 = tpu.vector_load %arg15[%parallel_loop3A_281] {strides = array<i32>} : memref<4096xf32, #tpu.memory_space<vmem>>, vector<16xf32>,
        %parallel_loop3A_283 = arith.index_cast %parallel_loop3A_214 : i32 to index
        %parallel_loop3A_284 = tpu.vector_load %arg17[%parallel_loop3A_283] {strides = array<i32>} : memref<4096xf32, #tpu.memory_space<vmem>>, vector<16xf32>,
        %parallel_loop3A_285 = arith.constant 128 : i32
        %parallel_loop3A_286 = arith.addi %parallel_loop3A_214, %parallel_loop3A_285 : i32
        %parallel_loop3A_287 = arith.index_cast %parallel_loop3A_286 : i32 to index
        %parallel_loop3A_288 = tpu.vector_load %arg17[%parallel_loop3A_287] {strides = array<i32>} : memref<4096xf32, #tpu.memory_space<vmem>>, vector<16xf32>,
        %parallel_loop3A_289 = arith.subf %parallel_loop3A_278, %parallel_loop3A_284 : vector<16xf32>
        %parallel_loop3A_290 = arith.subf %parallel_loop3A_289, %parallel_loop3A_269 : vector<16xf32>
        %parallel_loop3A_291 = arith.subf %parallel_loop3A_282, %parallel_loop3A_288 : vector<16xf32>
        %parallel_loop3A_292 = arith.subf %parallel_loop3A_291, %parallel_loop3A_276 : vector<16xf32>
        %parallel_loop3A_293 = arith.mulf %parallel_loop3A_290, %parallel_loop3A_290 : vector<16xf32>
        %parallel_loop3A_294 = arith.addf %parallel_loop3A_204, %parallel_loop3A_293 : vector<16xf32>
        %parallel_loop3A_295 = arith.mulf %parallel_loop3A_292, %parallel_loop3A_292 : vector<16xf32>
        %parallel_loop3A_296 = arith.addf %parallel_loop3A_205, %parallel_loop3A_295 : vector<16xf32>
        scf.yield %parallel_loop3A_294, %parallel_loop3A_296 : vector<16xf32>, vector<16xf32>
      } {sc.loop_unroll_factor = 2 : i64, sc.parallel_access}
      %mul3A_91 = arith.constant 32768 : i32
      %mul3A_92 = arith.muli %add3A_16, %mul3A_91 : i32
      %add3A_93 = arith.constant 12288 : i32
      %add3A_94 = arith.addi %mul3A_92, %add3A_93 : i32
      %dma_start3A_95 = tpu.memref_slice %arg4[%add3A_94] : memref<8388608xf32, #tpu.memory_space<hbm>> -> memref<4096xf32, #tpu.memory_space<hbm>>
      %dma_start3A_96 = tpu.memref_slice %arg4[%add3A_94] : memref<8388608xf32, #tpu.memory_space<hbm>> -> memref<4096xf32, #tpu.memory_space<hbm>>
      tpu.enqueue_dma source(%dma_start3A_96 : memref<4096xf32, #tpu.memory_space<hbm>>) target(%arg15 : memref<4096xf32, #tpu.memory_space<vmem>>) target_semaphore(%arg21 : memref<!tpu.dma_semaphore, #tpu.memory_space<semaphore_mem>>)
      %dma_start3A_97 = tpu.memref_slice %arg5[%add3A_94] : memref<8388608xf32, #tpu.memory_space<hbm>> -> memref<4096xf32, #tpu.memory_space<hbm>>
      %dma_start3A_98 = tpu.memref_slice %arg5[%add3A_94] : memref<8388608xf32, #tpu.memory_space<hbm>> -> memref<4096xf32, #tpu.memory_space<hbm>>
      tpu.enqueue_dma source(%dma_start3A_98 : memref<4096xf32, #tpu.memory_space<hbm>>) target(%arg17 : memref<4096xf32, #tpu.memory_space<vmem>>) target_semaphore(%arg22 : memref<!tpu.dma_semaphore, #tpu.memory_space<semaphore_mem>>)
      %mul3A_99 = arith.constant 32768 : i32
      %mul3A_100 = arith.muli %add3A_16, %mul3A_99 : i32
      %add3A_101 = arith.constant 8192 : i32
      %add3A_102 = arith.addi %mul3A_100, %add3A_101 : i32
      %dma_wait3A_103 = tpu.memref_slice %arg4[%add3A_102] : memref<8388608xf32, #tpu.memory_space<hbm>> -> memref<4096xf32, #tpu.memory_space<hbm>>
      %dma_wait3A_104 = tpu.memref_slice %arg4[%add3A_102] : memref<8388608xf32, #tpu.memory_space<hbm>> -> memref<4096xf32, #tpu.memory_space<hbm>>
      tpu.wait_dma2 semaphore(%arg19 : memref<!tpu.dma_semaphore, #tpu.memory_space<semaphore_mem>>) src(%dma_wait3A_104 : memref<4096xf32, #tpu.memory_space<hbm>>) dst(%arg14 : memref<4096xf32, #tpu.memory_space<vmem>>)
      %dma_wait3A_105 = tpu.memref_slice %arg5[%add3A_102] : memref<8388608xf32, #tpu.memory_space<hbm>> -> memref<4096xf32, #tpu.memory_space<hbm>>
      %dma_wait3A_106 = tpu.memref_slice %arg5[%add3A_102] : memref<8388608xf32, #tpu.memory_space<hbm>> -> memref<4096xf32, #tpu.memory_space<hbm>>
      tpu.wait_dma2 semaphore(%arg20 : memref<!tpu.dma_semaphore, #tpu.memory_space<semaphore_mem>>) src(%dma_wait3A_106 : memref<4096xf32, #tpu.memory_space<hbm>>) dst(%arg16 : memref<4096xf32, #tpu.memory_space<vmem>>)
      %parallel_loop3A_107 = arith.constant 0 : i32
      %parallel_loop3A_108 = arith.constant 128 : i32
      %parallel_loop3A_109 = arith.constant 1 : i32
      %parallel_loop3A_110:2 = scf.for %parallel_loop3A_203 = %parallel_loop3A_107 to %parallel_loop3A_108 step %parallel_loop3A_109 iter_args(%parallel_loop3A_204 = %parallel_loop3A_90#0, %parallel_loop3A_205 = %parallel_loop3A_90#1) -> (vector<16xf32>, vector<16xf32>)  : i32 {
        %parallel_loop3A_206 = arith.constant 3 : i32
        %parallel_loop3A_207 = arith.shrsi %parallel_loop3A_203, %parallel_loop3A_206 : i32
        %parallel_loop3A_208 = arith.constant 8 : i32
        %parallel_loop3A_209 = arith.shli %parallel_loop3A_207, %parallel_loop3A_208 : i32
        %parallel_loop3A_210 = arith.constant 7 : i32
        %parallel_loop3A_211 = arith.andi %parallel_loop3A_203, %parallel_loop3A_210 : i32
        %parallel_loop3A_212 = arith.constant 4 : i32
        %parallel_loop3A_213 = arith.shli %parallel_loop3A_211, %parallel_loop3A_212 : i32
        %parallel_loop3A_214 = arith.addi %parallel_loop3A_209, %parallel_loop3A_213 : i32
        %parallel_loop3A_215 = arith.constant 16 : i32
        %parallel_loop3A_216 = arith.muli %parallel_loop3A_203, %parallel_loop3A_215 : i32
        %parallel_loop3A_217 = arith.constant 4096 : i32
        %parallel_loop3A_218 = arith.addi %parallel_loop3A_217, %parallel_loop3A_216 : i32
        %parallel_loop3A_219 = arith.index_cast %parallel_loop3A_218 : i32 to index
        %parallel_loop3A_220 = tpu.vector_load %arg13[%parallel_loop3A_219] {strides = array<i32>} : memref<16384xi32, #tpu.memory_space<vmem>>, vector<16xi32>,
        %parallel_loop3A_221 = arith.constant 65535 : i32
        %parallel_loop3A_222 = vector.broadcast %parallel_loop3A_221 : i32 to vector<16xi32>
        %parallel_loop3A_223 = arith.andi %parallel_loop3A_220, %parallel_loop3A_222 : vector<16xi32>
        %parallel_loop3A_224 = arith.constant 16 : i32
        %parallel_loop3A_225 = vector.broadcast %parallel_loop3A_224 : i32 to vector<16xi32>
        %parallel_loop3A_226 = arith.shrsi %parallel_loop3A_220, %parallel_loop3A_225 : vector<16xi32>
        %parallel_loop3A_227 = tpu.vector_load_idx %arg10[%parallel_loop3A_223] : memref<4112xi32, #tpu.memory_space<vmem>>[vector<16xi32>], vector<16xi32>,
        %parallel_loop3A_228 = tpu.vector_load_idx %arg9[%parallel_loop3A_223] : memref<4112xi32, #tpu.memory_space<vmem>>[vector<16xi32>], vector<16xi32>,
        %parallel_loop3A_229 = tpu.vector_load_idx %arg8[%parallel_loop3A_226] : memref<4112xi32, #tpu.memory_space<vmem>>[vector<16xi32>], vector<16xi32>,
        %parallel_loop3A_230 = tpu.vector_load_idx %arg9[%parallel_loop3A_226] : memref<4112xi32, #tpu.memory_space<vmem>>[vector<16xi32>], vector<16xi32>,
        %parallel_loop3A_231 = arith.constant 16 : i32
        %parallel_loop3A_232 = vector.broadcast %parallel_loop3A_231 : i32 to vector<16xi32>
        %parallel_loop3A_233 = arith.shli %parallel_loop3A_227, %parallel_loop3A_232 : vector<16xi32>
        %parallel_loop3A_234 = vector.bitcast %parallel_loop3A_233 : vector<16xi32> to vector<16xf32>
        %parallel_loop3A_235 = arith.constant -65536 : i32
        %parallel_loop3A_236 = vector.broadcast %parallel_loop3A_235 : i32 to vector<16xi32>
        %parallel_loop3A_237 = arith.andi %parallel_loop3A_227, %parallel_loop3A_236 : vector<16xi32>
        %parallel_loop3A_238 = vector.bitcast %parallel_loop3A_237 : vector<16xi32> to vector<16xf32>
        %parallel_loop3A_239 = arith.constant 16 : i32
        %parallel_loop3A_240 = vector.broadcast %parallel_loop3A_239 : i32 to vector<16xi32>
        %parallel_loop3A_241 = arith.shli %parallel_loop3A_228, %parallel_loop3A_240 : vector<16xi32>
        %parallel_loop3A_242 = vector.bitcast %parallel_loop3A_241 : vector<16xi32> to vector<16xf32>
        %parallel_loop3A_243 = arith.constant -65536 : i32
        %parallel_loop3A_244 = vector.broadcast %parallel_loop3A_243 : i32 to vector<16xi32>
        %parallel_loop3A_245 = arith.andi %parallel_loop3A_228, %parallel_loop3A_244 : vector<16xi32>
        %parallel_loop3A_246 = vector.bitcast %parallel_loop3A_245 : vector<16xi32> to vector<16xf32>
        %parallel_loop3A_247 = arith.constant 16 : i32
        %parallel_loop3A_248 = vector.broadcast %parallel_loop3A_247 : i32 to vector<16xi32>
        %parallel_loop3A_249 = arith.shli %parallel_loop3A_229, %parallel_loop3A_248 : vector<16xi32>
        %parallel_loop3A_250 = vector.bitcast %parallel_loop3A_249 : vector<16xi32> to vector<16xf32>
        %parallel_loop3A_251 = arith.constant -65536 : i32
        %parallel_loop3A_252 = vector.broadcast %parallel_loop3A_251 : i32 to vector<16xi32>
        %parallel_loop3A_253 = arith.andi %parallel_loop3A_229, %parallel_loop3A_252 : vector<16xi32>
        %parallel_loop3A_254 = vector.bitcast %parallel_loop3A_253 : vector<16xi32> to vector<16xf32>
        %parallel_loop3A_255 = arith.constant 16 : i32
        %parallel_loop3A_256 = vector.broadcast %parallel_loop3A_255 : i32 to vector<16xi32>
        %parallel_loop3A_257 = arith.shli %parallel_loop3A_230, %parallel_loop3A_256 : vector<16xi32>
        %parallel_loop3A_258 = vector.bitcast %parallel_loop3A_257 : vector<16xi32> to vector<16xf32>
        %parallel_loop3A_259 = arith.constant -65536 : i32
        %parallel_loop3A_260 = vector.broadcast %parallel_loop3A_259 : i32 to vector<16xi32>
        %parallel_loop3A_261 = arith.andi %parallel_loop3A_230, %parallel_loop3A_260 : vector<16xi32>
        %parallel_loop3A_262 = vector.bitcast %parallel_loop3A_261 : vector<16xi32> to vector<16xf32>
        %parallel_loop3A_263 = arith.mulf %parallel_loop3A_234, %parallel_loop3A_258 : vector<16xf32>
        %parallel_loop3A_264 = arith.mulf %parallel_loop3A_238, %parallel_loop3A_262 : vector<16xf32>
        %parallel_loop3A_265 = arith.addf %parallel_loop3A_263, %parallel_loop3A_264 : vector<16xf32>
        %parallel_loop3A_266 = arith.mulf %parallel_loop3A_242, %parallel_loop3A_250 : vector<16xf32>
        %parallel_loop3A_267 = arith.mulf %parallel_loop3A_246, %parallel_loop3A_254 : vector<16xf32>
        %parallel_loop3A_268 = arith.addf %parallel_loop3A_266, %parallel_loop3A_267 : vector<16xf32>
        %parallel_loop3A_269 = arith.addf %parallel_loop3A_265, %parallel_loop3A_268 : vector<16xf32>
        %parallel_loop3A_270 = arith.mulf %parallel_loop3A_238, %parallel_loop3A_258 : vector<16xf32>
        %parallel_loop3A_271 = arith.mulf %parallel_loop3A_234, %parallel_loop3A_262 : vector<16xf32>
        %parallel_loop3A_272 = arith.subf %parallel_loop3A_270, %parallel_loop3A_271 : vector<16xf32>
        %parallel_loop3A_273 = arith.mulf %parallel_loop3A_246, %parallel_loop3A_250 : vector<16xf32>
        %parallel_loop3A_274 = arith.mulf %parallel_loop3A_242, %parallel_loop3A_254 : vector<16xf32>
        %parallel_loop3A_275 = arith.subf %parallel_loop3A_273, %parallel_loop3A_274 : vector<16xf32>
        %parallel_loop3A_276 = arith.addf %parallel_loop3A_272, %parallel_loop3A_275 : vector<16xf32>
        %parallel_loop3A_277 = arith.index_cast %parallel_loop3A_214 : i32 to index
        %parallel_loop3A_278 = tpu.vector_load %arg14[%parallel_loop3A_277] {strides = array<i32>} : memref<4096xf32, #tpu.memory_space<vmem>>, vector<16xf32>,
        %parallel_loop3A_279 = arith.constant 128 : i32
        %parallel_loop3A_280 = arith.addi %parallel_loop3A_214, %parallel_loop3A_279 : i32
        %parallel_loop3A_281 = arith.index_cast %parallel_loop3A_280 : i32 to index
        %parallel_loop3A_282 = tpu.vector_load %arg14[%parallel_loop3A_281] {strides = array<i32>} : memref<4096xf32, #tpu.memory_space<vmem>>, vector<16xf32>,
        %parallel_loop3A_283 = arith.index_cast %parallel_loop3A_214 : i32 to index
        %parallel_loop3A_284 = tpu.vector_load %arg16[%parallel_loop3A_283] {strides = array<i32>} : memref<4096xf32, #tpu.memory_space<vmem>>, vector<16xf32>,
        %parallel_loop3A_285 = arith.constant 128 : i32
        %parallel_loop3A_286 = arith.addi %parallel_loop3A_214, %parallel_loop3A_285 : i32
        %parallel_loop3A_287 = arith.index_cast %parallel_loop3A_286 : i32 to index
        %parallel_loop3A_288 = tpu.vector_load %arg16[%parallel_loop3A_287] {strides = array<i32>} : memref<4096xf32, #tpu.memory_space<vmem>>, vector<16xf32>,
        %parallel_loop3A_289 = arith.subf %parallel_loop3A_278, %parallel_loop3A_284 : vector<16xf32>
        %parallel_loop3A_290 = arith.subf %parallel_loop3A_289, %parallel_loop3A_269 : vector<16xf32>
        %parallel_loop3A_291 = arith.subf %parallel_loop3A_282, %parallel_loop3A_288 : vector<16xf32>
        %parallel_loop3A_292 = arith.subf %parallel_loop3A_291, %parallel_loop3A_276 : vector<16xf32>
        %parallel_loop3A_293 = arith.mulf %parallel_loop3A_290, %parallel_loop3A_290 : vector<16xf32>
        %parallel_loop3A_294 = arith.addf %parallel_loop3A_204, %parallel_loop3A_293 : vector<16xf32>
        %parallel_loop3A_295 = arith.mulf %parallel_loop3A_292, %parallel_loop3A_292 : vector<16xf32>
        %parallel_loop3A_296 = arith.addf %parallel_loop3A_205, %parallel_loop3A_295 : vector<16xf32>
        scf.yield %parallel_loop3A_294, %parallel_loop3A_296 : vector<16xf32>, vector<16xf32>
      } {sc.loop_unroll_factor = 2 : i64, sc.parallel_access}
      %mul3A_111 = arith.constant 32768 : i32
      %mul3A_112 = arith.muli %add3A_16, %mul3A_111 : i32
      %add3A_113 = arith.constant 16384 : i32
      %add3A_114 = arith.addi %mul3A_112, %add3A_113 : i32
      %dma_start3A_115 = tpu.memref_slice %arg4[%add3A_114] : memref<8388608xf32, #tpu.memory_space<hbm>> -> memref<4096xf32, #tpu.memory_space<hbm>>
      %dma_start3A_116 = tpu.memref_slice %arg4[%add3A_114] : memref<8388608xf32, #tpu.memory_space<hbm>> -> memref<4096xf32, #tpu.memory_space<hbm>>
      tpu.enqueue_dma source(%dma_start3A_116 : memref<4096xf32, #tpu.memory_space<hbm>>) target(%arg14 : memref<4096xf32, #tpu.memory_space<vmem>>) target_semaphore(%arg19 : memref<!tpu.dma_semaphore, #tpu.memory_space<semaphore_mem>>)
      %dma_start3A_117 = tpu.memref_slice %arg5[%add3A_114] : memref<8388608xf32, #tpu.memory_space<hbm>> -> memref<4096xf32, #tpu.memory_space<hbm>>
      %dma_start3A_118 = tpu.memref_slice %arg5[%add3A_114] : memref<8388608xf32, #tpu.memory_space<hbm>> -> memref<4096xf32, #tpu.memory_space<hbm>>
      tpu.enqueue_dma source(%dma_start3A_118 : memref<4096xf32, #tpu.memory_space<hbm>>) target(%arg16 : memref<4096xf32, #tpu.memory_space<vmem>>) target_semaphore(%arg20 : memref<!tpu.dma_semaphore, #tpu.memory_space<semaphore_mem>>)
      %mul3A_119 = arith.constant 32768 : i32
      %mul3A_120 = arith.muli %add3A_16, %mul3A_119 : i32
      %add3A_121 = arith.constant 12288 : i32
      %add3A_122 = arith.addi %mul3A_120, %add3A_121 : i32
      %dma_wait3A_123 = tpu.memref_slice %arg4[%add3A_122] : memref<8388608xf32, #tpu.memory_space<hbm>> -> memref<4096xf32, #tpu.memory_space<hbm>>
      %dma_wait3A_124 = tpu.memref_slice %arg4[%add3A_122] : memref<8388608xf32, #tpu.memory_space<hbm>> -> memref<4096xf32, #tpu.memory_space<hbm>>
      tpu.wait_dma2 semaphore(%arg21 : memref<!tpu.dma_semaphore, #tpu.memory_space<semaphore_mem>>) src(%dma_wait3A_124 : memref<4096xf32, #tpu.memory_space<hbm>>) dst(%arg15 : memref<4096xf32, #tpu.memory_space<vmem>>)
      %dma_wait3A_125 = tpu.memref_slice %arg5[%add3A_122] : memref<8388608xf32, #tpu.memory_space<hbm>> -> memref<4096xf32, #tpu.memory_space<hbm>>
      %dma_wait3A_126 = tpu.memref_slice %arg5[%add3A_122] : memref<8388608xf32, #tpu.memory_space<hbm>> -> memref<4096xf32, #tpu.memory_space<hbm>>
      tpu.wait_dma2 semaphore(%arg22 : memref<!tpu.dma_semaphore, #tpu.memory_space<semaphore_mem>>) src(%dma_wait3A_126 : memref<4096xf32, #tpu.memory_space<hbm>>) dst(%arg17 : memref<4096xf32, #tpu.memory_space<vmem>>)
      %parallel_loop3A_127 = arith.constant 0 : i32
      %parallel_loop3A_128 = arith.constant 128 : i32
      %parallel_loop3A_129 = arith.constant 1 : i32
      %parallel_loop3A_130:2 = scf.for %parallel_loop3A_203 = %parallel_loop3A_127 to %parallel_loop3A_128 step %parallel_loop3A_129 iter_args(%parallel_loop3A_204 = %parallel_loop3A_110#0, %parallel_loop3A_205 = %parallel_loop3A_110#1) -> (vector<16xf32>, vector<16xf32>)  : i32 {
        %parallel_loop3A_206 = arith.constant 3 : i32
        %parallel_loop3A_207 = arith.shrsi %parallel_loop3A_203, %parallel_loop3A_206 : i32
        %parallel_loop3A_208 = arith.constant 8 : i32
        %parallel_loop3A_209 = arith.shli %parallel_loop3A_207, %parallel_loop3A_208 : i32
        %parallel_loop3A_210 = arith.constant 7 : i32
        %parallel_loop3A_211 = arith.andi %parallel_loop3A_203, %parallel_loop3A_210 : i32
        %parallel_loop3A_212 = arith.constant 4 : i32
        %parallel_loop3A_213 = arith.shli %parallel_loop3A_211, %parallel_loop3A_212 : i32
        %parallel_loop3A_214 = arith.addi %parallel_loop3A_209, %parallel_loop3A_213 : i32
        %parallel_loop3A_215 = arith.constant 16 : i32
        %parallel_loop3A_216 = arith.muli %parallel_loop3A_203, %parallel_loop3A_215 : i32
        %parallel_loop3A_217 = arith.constant 6144 : i32
        %parallel_loop3A_218 = arith.addi %parallel_loop3A_217, %parallel_loop3A_216 : i32
        %parallel_loop3A_219 = arith.index_cast %parallel_loop3A_218 : i32 to index
        %parallel_loop3A_220 = tpu.vector_load %arg13[%parallel_loop3A_219] {strides = array<i32>} : memref<16384xi32, #tpu.memory_space<vmem>>, vector<16xi32>,
        %parallel_loop3A_221 = arith.constant 65535 : i32
        %parallel_loop3A_222 = vector.broadcast %parallel_loop3A_221 : i32 to vector<16xi32>
        %parallel_loop3A_223 = arith.andi %parallel_loop3A_220, %parallel_loop3A_222 : vector<16xi32>
        %parallel_loop3A_224 = arith.constant 16 : i32
        %parallel_loop3A_225 = vector.broadcast %parallel_loop3A_224 : i32 to vector<16xi32>
        %parallel_loop3A_226 = arith.shrsi %parallel_loop3A_220, %parallel_loop3A_225 : vector<16xi32>
        %parallel_loop3A_227 = tpu.vector_load_idx %arg10[%parallel_loop3A_223] : memref<4112xi32, #tpu.memory_space<vmem>>[vector<16xi32>], vector<16xi32>,
        %parallel_loop3A_228 = tpu.vector_load_idx %arg9[%parallel_loop3A_223] : memref<4112xi32, #tpu.memory_space<vmem>>[vector<16xi32>], vector<16xi32>,
        %parallel_loop3A_229 = tpu.vector_load_idx %arg8[%parallel_loop3A_226] : memref<4112xi32, #tpu.memory_space<vmem>>[vector<16xi32>], vector<16xi32>,
        %parallel_loop3A_230 = tpu.vector_load_idx %arg9[%parallel_loop3A_226] : memref<4112xi32, #tpu.memory_space<vmem>>[vector<16xi32>], vector<16xi32>,
        %parallel_loop3A_231 = arith.constant 16 : i32
        %parallel_loop3A_232 = vector.broadcast %parallel_loop3A_231 : i32 to vector<16xi32>
        %parallel_loop3A_233 = arith.shli %parallel_loop3A_227, %parallel_loop3A_232 : vector<16xi32>
        %parallel_loop3A_234 = vector.bitcast %parallel_loop3A_233 : vector<16xi32> to vector<16xf32>
        %parallel_loop3A_235 = arith.constant -65536 : i32
        %parallel_loop3A_236 = vector.broadcast %parallel_loop3A_235 : i32 to vector<16xi32>
        %parallel_loop3A_237 = arith.andi %parallel_loop3A_227, %parallel_loop3A_236 : vector<16xi32>
        %parallel_loop3A_238 = vector.bitcast %parallel_loop3A_237 : vector<16xi32> to vector<16xf32>
        %parallel_loop3A_239 = arith.constant 16 : i32
        %parallel_loop3A_240 = vector.broadcast %parallel_loop3A_239 : i32 to vector<16xi32>
        %parallel_loop3A_241 = arith.shli %parallel_loop3A_228, %parallel_loop3A_240 : vector<16xi32>
        %parallel_loop3A_242 = vector.bitcast %parallel_loop3A_241 : vector<16xi32> to vector<16xf32>
        %parallel_loop3A_243 = arith.constant -65536 : i32
        %parallel_loop3A_244 = vector.broadcast %parallel_loop3A_243 : i32 to vector<16xi32>
        %parallel_loop3A_245 = arith.andi %parallel_loop3A_228, %parallel_loop3A_244 : vector<16xi32>
        %parallel_loop3A_246 = vector.bitcast %parallel_loop3A_245 : vector<16xi32> to vector<16xf32>
        %parallel_loop3A_247 = arith.constant 16 : i32
        %parallel_loop3A_248 = vector.broadcast %parallel_loop3A_247 : i32 to vector<16xi32>
        %parallel_loop3A_249 = arith.shli %parallel_loop3A_229, %parallel_loop3A_248 : vector<16xi32>
        %parallel_loop3A_250 = vector.bitcast %parallel_loop3A_249 : vector<16xi32> to vector<16xf32>
        %parallel_loop3A_251 = arith.constant -65536 : i32
        %parallel_loop3A_252 = vector.broadcast %parallel_loop3A_251 : i32 to vector<16xi32>
        %parallel_loop3A_253 = arith.andi %parallel_loop3A_229, %parallel_loop3A_252 : vector<16xi32>
        %parallel_loop3A_254 = vector.bitcast %parallel_loop3A_253 : vector<16xi32> to vector<16xf32>
        %parallel_loop3A_255 = arith.constant 16 : i32
        %parallel_loop3A_256 = vector.broadcast %parallel_loop3A_255 : i32 to vector<16xi32>
        %parallel_loop3A_257 = arith.shli %parallel_loop3A_230, %parallel_loop3A_256 : vector<16xi32>
        %parallel_loop3A_258 = vector.bitcast %parallel_loop3A_257 : vector<16xi32> to vector<16xf32>
        %parallel_loop3A_259 = arith.constant -65536 : i32
        %parallel_loop3A_260 = vector.broadcast %parallel_loop3A_259 : i32 to vector<16xi32>
        %parallel_loop3A_261 = arith.andi %parallel_loop3A_230, %parallel_loop3A_260 : vector<16xi32>
        %parallel_loop3A_262 = vector.bitcast %parallel_loop3A_261 : vector<16xi32> to vector<16xf32>
        %parallel_loop3A_263 = arith.mulf %parallel_loop3A_234, %parallel_loop3A_258 : vector<16xf32>
        %parallel_loop3A_264 = arith.mulf %parallel_loop3A_238, %parallel_loop3A_262 : vector<16xf32>
        %parallel_loop3A_265 = arith.addf %parallel_loop3A_263, %parallel_loop3A_264 : vector<16xf32>
        %parallel_loop3A_266 = arith.mulf %parallel_loop3A_242, %parallel_loop3A_250 : vector<16xf32>
        %parallel_loop3A_267 = arith.mulf %parallel_loop3A_246, %parallel_loop3A_254 : vector<16xf32>
        %parallel_loop3A_268 = arith.addf %parallel_loop3A_266, %parallel_loop3A_267 : vector<16xf32>
        %parallel_loop3A_269 = arith.addf %parallel_loop3A_265, %parallel_loop3A_268 : vector<16xf32>
        %parallel_loop3A_270 = arith.mulf %parallel_loop3A_238, %parallel_loop3A_258 : vector<16xf32>
        %parallel_loop3A_271 = arith.mulf %parallel_loop3A_234, %parallel_loop3A_262 : vector<16xf32>
        %parallel_loop3A_272 = arith.subf %parallel_loop3A_270, %parallel_loop3A_271 : vector<16xf32>
        %parallel_loop3A_273 = arith.mulf %parallel_loop3A_246, %parallel_loop3A_250 : vector<16xf32>
        %parallel_loop3A_274 = arith.mulf %parallel_loop3A_242, %parallel_loop3A_254 : vector<16xf32>
        %parallel_loop3A_275 = arith.subf %parallel_loop3A_273, %parallel_loop3A_274 : vector<16xf32>
        %parallel_loop3A_276 = arith.addf %parallel_loop3A_272, %parallel_loop3A_275 : vector<16xf32>
        %parallel_loop3A_277 = arith.index_cast %parallel_loop3A_214 : i32 to index
        %parallel_loop3A_278 = tpu.vector_load %arg15[%parallel_loop3A_277] {strides = array<i32>} : memref<4096xf32, #tpu.memory_space<vmem>>, vector<16xf32>,
        %parallel_loop3A_279 = arith.constant 128 : i32
        %parallel_loop3A_280 = arith.addi %parallel_loop3A_214, %parallel_loop3A_279 : i32
        %parallel_loop3A_281 = arith.index_cast %parallel_loop3A_280 : i32 to index
        %parallel_loop3A_282 = tpu.vector_load %arg15[%parallel_loop3A_281] {strides = array<i32>} : memref<4096xf32, #tpu.memory_space<vmem>>, vector<16xf32>,
        %parallel_loop3A_283 = arith.index_cast %parallel_loop3A_214 : i32 to index
        %parallel_loop3A_284 = tpu.vector_load %arg17[%parallel_loop3A_283] {strides = array<i32>} : memref<4096xf32, #tpu.memory_space<vmem>>, vector<16xf32>,
        %parallel_loop3A_285 = arith.constant 128 : i32
        %parallel_loop3A_286 = arith.addi %parallel_loop3A_214, %parallel_loop3A_285 : i32
        %parallel_loop3A_287 = arith.index_cast %parallel_loop3A_286 : i32 to index
        %parallel_loop3A_288 = tpu.vector_load %arg17[%parallel_loop3A_287] {strides = array<i32>} : memref<4096xf32, #tpu.memory_space<vmem>>, vector<16xf32>,
        %parallel_loop3A_289 = arith.subf %parallel_loop3A_278, %parallel_loop3A_284 : vector<16xf32>
        %parallel_loop3A_290 = arith.subf %parallel_loop3A_289, %parallel_loop3A_269 : vector<16xf32>
        %parallel_loop3A_291 = arith.subf %parallel_loop3A_282, %parallel_loop3A_288 : vector<16xf32>
        %parallel_loop3A_292 = arith.subf %parallel_loop3A_291, %parallel_loop3A_276 : vector<16xf32>
        %parallel_loop3A_293 = arith.mulf %parallel_loop3A_290, %parallel_loop3A_290 : vector<16xf32>
        %parallel_loop3A_294 = arith.addf %parallel_loop3A_204, %parallel_loop3A_293 : vector<16xf32>
        %parallel_loop3A_295 = arith.mulf %parallel_loop3A_292, %parallel_loop3A_292 : vector<16xf32>
        %parallel_loop3A_296 = arith.addf %parallel_loop3A_205, %parallel_loop3A_295 : vector<16xf32>
        scf.yield %parallel_loop3A_294, %parallel_loop3A_296 : vector<16xf32>, vector<16xf32>
      } {sc.loop_unroll_factor = 2 : i64, sc.parallel_access}
      %mul3A_131 = arith.constant 32768 : i32
      %mul3A_132 = arith.muli %add3A_16, %mul3A_131 : i32
      %add3A_133 = arith.constant 20480 : i32
      %add3A_134 = arith.addi %mul3A_132, %add3A_133 : i32
      %dma_start3A_135 = tpu.memref_slice %arg4[%add3A_134] : memref<8388608xf32, #tpu.memory_space<hbm>> -> memref<4096xf32, #tpu.memory_space<hbm>>
      %dma_start3A_136 = tpu.memref_slice %arg4[%add3A_134] : memref<8388608xf32, #tpu.memory_space<hbm>> -> memref<4096xf32, #tpu.memory_space<hbm>>
      tpu.enqueue_dma source(%dma_start3A_136 : memref<4096xf32, #tpu.memory_space<hbm>>) target(%arg15 : memref<4096xf32, #tpu.memory_space<vmem>>) target_semaphore(%arg21 : memref<!tpu.dma_semaphore, #tpu.memory_space<semaphore_mem>>)
      %dma_start3A_137 = tpu.memref_slice %arg5[%add3A_134] : memref<8388608xf32, #tpu.memory_space<hbm>> -> memref<4096xf32, #tpu.memory_space<hbm>>
      %dma_start3A_138 = tpu.memref_slice %arg5[%add3A_134] : memref<8388608xf32, #tpu.memory_space<hbm>> -> memref<4096xf32, #tpu.memory_space<hbm>>
      tpu.enqueue_dma source(%dma_start3A_138 : memref<4096xf32, #tpu.memory_space<hbm>>) target(%arg17 : memref<4096xf32, #tpu.memory_space<vmem>>) target_semaphore(%arg22 : memref<!tpu.dma_semaphore, #tpu.memory_space<semaphore_mem>>)
      %mul3A_139 = arith.constant 32768 : i32
      %mul3A_140 = arith.muli %add3A_16, %mul3A_139 : i32
      %add3A_141 = arith.constant 16384 : i32
      %add3A_142 = arith.addi %mul3A_140, %add3A_141 : i32
      %dma_wait3A_143 = tpu.memref_slice %arg4[%add3A_142] : memref<8388608xf32, #tpu.memory_space<hbm>> -> memref<4096xf32, #tpu.memory_space<hbm>>
      %dma_wait3A_144 = tpu.memref_slice %arg4[%add3A_142] : memref<8388608xf32, #tpu.memory_space<hbm>> -> memref<4096xf32, #tpu.memory_space<hbm>>
      tpu.wait_dma2 semaphore(%arg19 : memref<!tpu.dma_semaphore, #tpu.memory_space<semaphore_mem>>) src(%dma_wait3A_144 : memref<4096xf32, #tpu.memory_space<hbm>>) dst(%arg14 : memref<4096xf32, #tpu.memory_space<vmem>>)
      %dma_wait3A_145 = tpu.memref_slice %arg5[%add3A_142] : memref<8388608xf32, #tpu.memory_space<hbm>> -> memref<4096xf32, #tpu.memory_space<hbm>>
      %dma_wait3A_146 = tpu.memref_slice %arg5[%add3A_142] : memref<8388608xf32, #tpu.memory_space<hbm>> -> memref<4096xf32, #tpu.memory_space<hbm>>
      tpu.wait_dma2 semaphore(%arg20 : memref<!tpu.dma_semaphore, #tpu.memory_space<semaphore_mem>>) src(%dma_wait3A_146 : memref<4096xf32, #tpu.memory_space<hbm>>) dst(%arg16 : memref<4096xf32, #tpu.memory_space<vmem>>)
      %parallel_loop3A_147 = arith.constant 0 : i32
      %parallel_loop3A_148 = arith.constant 128 : i32
      %parallel_loop3A_149 = arith.constant 1 : i32
      %parallel_loop3A_150:2 = scf.for %parallel_loop3A_203 = %parallel_loop3A_147 to %parallel_loop3A_148 step %parallel_loop3A_149 iter_args(%parallel_loop3A_204 = %parallel_loop3A_130#0, %parallel_loop3A_205 = %parallel_loop3A_130#1) -> (vector<16xf32>, vector<16xf32>)  : i32 {
        %parallel_loop3A_206 = arith.constant 3 : i32
        %parallel_loop3A_207 = arith.shrsi %parallel_loop3A_203, %parallel_loop3A_206 : i32
        %parallel_loop3A_208 = arith.constant 8 : i32
        %parallel_loop3A_209 = arith.shli %parallel_loop3A_207, %parallel_loop3A_208 : i32
        %parallel_loop3A_210 = arith.constant 7 : i32
        %parallel_loop3A_211 = arith.andi %parallel_loop3A_203, %parallel_loop3A_210 : i32
        %parallel_loop3A_212 = arith.constant 4 : i32
        %parallel_loop3A_213 = arith.shli %parallel_loop3A_211, %parallel_loop3A_212 : i32
        %parallel_loop3A_214 = arith.addi %parallel_loop3A_209, %parallel_loop3A_213 : i32
        %parallel_loop3A_215 = arith.constant 16 : i32
        %parallel_loop3A_216 = arith.muli %parallel_loop3A_203, %parallel_loop3A_215 : i32
        %parallel_loop3A_217 = arith.constant 8192 : i32
        %parallel_loop3A_218 = arith.addi %parallel_loop3A_217, %parallel_loop3A_216 : i32
        %parallel_loop3A_219 = arith.index_cast %parallel_loop3A_218 : i32 to index
        %parallel_loop3A_220 = tpu.vector_load %arg13[%parallel_loop3A_219] {strides = array<i32>} : memref<16384xi32, #tpu.memory_space<vmem>>, vector<16xi32>,
        %parallel_loop3A_221 = arith.constant 65535 : i32
        %parallel_loop3A_222 = vector.broadcast %parallel_loop3A_221 : i32 to vector<16xi32>
        %parallel_loop3A_223 = arith.andi %parallel_loop3A_220, %parallel_loop3A_222 : vector<16xi32>
        %parallel_loop3A_224 = arith.constant 16 : i32
        %parallel_loop3A_225 = vector.broadcast %parallel_loop3A_224 : i32 to vector<16xi32>
        %parallel_loop3A_226 = arith.shrsi %parallel_loop3A_220, %parallel_loop3A_225 : vector<16xi32>
        %parallel_loop3A_227 = tpu.vector_load_idx %arg10[%parallel_loop3A_223] : memref<4112xi32, #tpu.memory_space<vmem>>[vector<16xi32>], vector<16xi32>,
        %parallel_loop3A_228 = tpu.vector_load_idx %arg9[%parallel_loop3A_223] : memref<4112xi32, #tpu.memory_space<vmem>>[vector<16xi32>], vector<16xi32>,
        %parallel_loop3A_229 = tpu.vector_load_idx %arg8[%parallel_loop3A_226] : memref<4112xi32, #tpu.memory_space<vmem>>[vector<16xi32>], vector<16xi32>,
        %parallel_loop3A_230 = tpu.vector_load_idx %arg9[%parallel_loop3A_226] : memref<4112xi32, #tpu.memory_space<vmem>>[vector<16xi32>], vector<16xi32>,
        %parallel_loop3A_231 = arith.constant 16 : i32
        %parallel_loop3A_232 = vector.broadcast %parallel_loop3A_231 : i32 to vector<16xi32>
        %parallel_loop3A_233 = arith.shli %parallel_loop3A_227, %parallel_loop3A_232 : vector<16xi32>
        %parallel_loop3A_234 = vector.bitcast %parallel_loop3A_233 : vector<16xi32> to vector<16xf32>
        %parallel_loop3A_235 = arith.constant -65536 : i32
        %parallel_loop3A_236 = vector.broadcast %parallel_loop3A_235 : i32 to vector<16xi32>
        %parallel_loop3A_237 = arith.andi %parallel_loop3A_227, %parallel_loop3A_236 : vector<16xi32>
        %parallel_loop3A_238 = vector.bitcast %parallel_loop3A_237 : vector<16xi32> to vector<16xf32>
        %parallel_loop3A_239 = arith.constant 16 : i32
        %parallel_loop3A_240 = vector.broadcast %parallel_loop3A_239 : i32 to vector<16xi32>
        %parallel_loop3A_241 = arith.shli %parallel_loop3A_228, %parallel_loop3A_240 : vector<16xi32>
        %parallel_loop3A_242 = vector.bitcast %parallel_loop3A_241 : vector<16xi32> to vector<16xf32>
        %parallel_loop3A_243 = arith.constant -65536 : i32
        %parallel_loop3A_244 = vector.broadcast %parallel_loop3A_243 : i32 to vector<16xi32>
        %parallel_loop3A_245 = arith.andi %parallel_loop3A_228, %parallel_loop3A_244 : vector<16xi32>
        %parallel_loop3A_246 = vector.bitcast %parallel_loop3A_245 : vector<16xi32> to vector<16xf32>
        %parallel_loop3A_247 = arith.constant 16 : i32
        %parallel_loop3A_248 = vector.broadcast %parallel_loop3A_247 : i32 to vector<16xi32>
        %parallel_loop3A_249 = arith.shli %parallel_loop3A_229, %parallel_loop3A_248 : vector<16xi32>
        %parallel_loop3A_250 = vector.bitcast %parallel_loop3A_249 : vector<16xi32> to vector<16xf32>
        %parallel_loop3A_251 = arith.constant -65536 : i32
        %parallel_loop3A_252 = vector.broadcast %parallel_loop3A_251 : i32 to vector<16xi32>
        %parallel_loop3A_253 = arith.andi %parallel_loop3A_229, %parallel_loop3A_252 : vector<16xi32>
        %parallel_loop3A_254 = vector.bitcast %parallel_loop3A_253 : vector<16xi32> to vector<16xf32>
        %parallel_loop3A_255 = arith.constant 16 : i32
        %parallel_loop3A_256 = vector.broadcast %parallel_loop3A_255 : i32 to vector<16xi32>
        %parallel_loop3A_257 = arith.shli %parallel_loop3A_230, %parallel_loop3A_256 : vector<16xi32>
        %parallel_loop3A_258 = vector.bitcast %parallel_loop3A_257 : vector<16xi32> to vector<16xf32>
        %parallel_loop3A_259 = arith.constant -65536 : i32
        %parallel_loop3A_260 = vector.broadcast %parallel_loop3A_259 : i32 to vector<16xi32>
        %parallel_loop3A_261 = arith.andi %parallel_loop3A_230, %parallel_loop3A_260 : vector<16xi32>
        %parallel_loop3A_262 = vector.bitcast %parallel_loop3A_261 : vector<16xi32> to vector<16xf32>
        %parallel_loop3A_263 = arith.mulf %parallel_loop3A_234, %parallel_loop3A_258 : vector<16xf32>
        %parallel_loop3A_264 = arith.mulf %parallel_loop3A_238, %parallel_loop3A_262 : vector<16xf32>
        %parallel_loop3A_265 = arith.addf %parallel_loop3A_263, %parallel_loop3A_264 : vector<16xf32>
        %parallel_loop3A_266 = arith.mulf %parallel_loop3A_242, %parallel_loop3A_250 : vector<16xf32>
        %parallel_loop3A_267 = arith.mulf %parallel_loop3A_246, %parallel_loop3A_254 : vector<16xf32>
        %parallel_loop3A_268 = arith.addf %parallel_loop3A_266, %parallel_loop3A_267 : vector<16xf32>
        %parallel_loop3A_269 = arith.addf %parallel_loop3A_265, %parallel_loop3A_268 : vector<16xf32>
        %parallel_loop3A_270 = arith.mulf %parallel_loop3A_238, %parallel_loop3A_258 : vector<16xf32>
        %parallel_loop3A_271 = arith.mulf %parallel_loop3A_234, %parallel_loop3A_262 : vector<16xf32>
        %parallel_loop3A_272 = arith.subf %parallel_loop3A_270, %parallel_loop3A_271 : vector<16xf32>
        %parallel_loop3A_273 = arith.mulf %parallel_loop3A_246, %parallel_loop3A_250 : vector<16xf32>
        %parallel_loop3A_274 = arith.mulf %parallel_loop3A_242, %parallel_loop3A_254 : vector<16xf32>
        %parallel_loop3A_275 = arith.subf %parallel_loop3A_273, %parallel_loop3A_274 : vector<16xf32>
        %parallel_loop3A_276 = arith.addf %parallel_loop3A_272, %parallel_loop3A_275 : vector<16xf32>
        %parallel_loop3A_277 = arith.index_cast %parallel_loop3A_214 : i32 to index
        %parallel_loop3A_278 = tpu.vector_load %arg14[%parallel_loop3A_277] {strides = array<i32>} : memref<4096xf32, #tpu.memory_space<vmem>>, vector<16xf32>,
        %parallel_loop3A_279 = arith.constant 128 : i32
        %parallel_loop3A_280 = arith.addi %parallel_loop3A_214, %parallel_loop3A_279 : i32
        %parallel_loop3A_281 = arith.index_cast %parallel_loop3A_280 : i32 to index
        %parallel_loop3A_282 = tpu.vector_load %arg14[%parallel_loop3A_281] {strides = array<i32>} : memref<4096xf32, #tpu.memory_space<vmem>>, vector<16xf32>,
        %parallel_loop3A_283 = arith.index_cast %parallel_loop3A_214 : i32 to index
        %parallel_loop3A_284 = tpu.vector_load %arg16[%parallel_loop3A_283] {strides = array<i32>} : memref<4096xf32, #tpu.memory_space<vmem>>, vector<16xf32>,
        %parallel_loop3A_285 = arith.constant 128 : i32
        %parallel_loop3A_286 = arith.addi %parallel_loop3A_214, %parallel_loop3A_285 : i32
        %parallel_loop3A_287 = arith.index_cast %parallel_loop3A_286 : i32 to index
        %parallel_loop3A_288 = tpu.vector_load %arg16[%parallel_loop3A_287] {strides = array<i32>} : memref<4096xf32, #tpu.memory_space<vmem>>, vector<16xf32>,
        %parallel_loop3A_289 = arith.subf %parallel_loop3A_278, %parallel_loop3A_284 : vector<16xf32>
        %parallel_loop3A_290 = arith.subf %parallel_loop3A_289, %parallel_loop3A_269 : vector<16xf32>
        %parallel_loop3A_291 = arith.subf %parallel_loop3A_282, %parallel_loop3A_288 : vector<16xf32>
        %parallel_loop3A_292 = arith.subf %parallel_loop3A_291, %parallel_loop3A_276 : vector<16xf32>
        %parallel_loop3A_293 = arith.mulf %parallel_loop3A_290, %parallel_loop3A_290 : vector<16xf32>
        %parallel_loop3A_294 = arith.addf %parallel_loop3A_204, %parallel_loop3A_293 : vector<16xf32>
        %parallel_loop3A_295 = arith.mulf %parallel_loop3A_292, %parallel_loop3A_292 : vector<16xf32>
        %parallel_loop3A_296 = arith.addf %parallel_loop3A_205, %parallel_loop3A_295 : vector<16xf32>
        scf.yield %parallel_loop3A_294, %parallel_loop3A_296 : vector<16xf32>, vector<16xf32>
      } {sc.loop_unroll_factor = 2 : i64, sc.parallel_access}
      %mul3A_151 = arith.constant 32768 : i32
      %mul3A_152 = arith.muli %add3A_16, %mul3A_151 : i32
      %add3A_153 = arith.constant 24576 : i32
      %add3A_154 = arith.addi %mul3A_152, %add3A_153 : i32
      %dma_start3A_155 = tpu.memref_slice %arg4[%add3A_154] : memref<8388608xf32, #tpu.memory_space<hbm>> -> memref<4096xf32, #tpu.memory_space<hbm>>
      %dma_start3A_156 = tpu.memref_slice %arg4[%add3A_154] : memref<8388608xf32, #tpu.memory_space<hbm>> -> memref<4096xf32, #tpu.memory_space<hbm>>
      tpu.enqueue_dma source(%dma_start3A_156 : memref<4096xf32, #tpu.memory_space<hbm>>) target(%arg14 : memref<4096xf32, #tpu.memory_space<vmem>>) target_semaphore(%arg19 : memref<!tpu.dma_semaphore, #tpu.memory_space<semaphore_mem>>)
      %dma_start3A_157 = tpu.memref_slice %arg5[%add3A_154] : memref<8388608xf32, #tpu.memory_space<hbm>> -> memref<4096xf32, #tpu.memory_space<hbm>>
      %dma_start3A_158 = tpu.memref_slice %arg5[%add3A_154] : memref<8388608xf32, #tpu.memory_space<hbm>> -> memref<4096xf32, #tpu.memory_space<hbm>>
      tpu.enqueue_dma source(%dma_start3A_158 : memref<4096xf32, #tpu.memory_space<hbm>>) target(%arg16 : memref<4096xf32, #tpu.memory_space<vmem>>) target_semaphore(%arg20 : memref<!tpu.dma_semaphore, #tpu.memory_space<semaphore_mem>>)
      %mul3A_159 = arith.constant 32768 : i32
      %mul3A_160 = arith.muli %add3A_16, %mul3A_159 : i32
      %add3A_161 = arith.constant 20480 : i32
      %add3A_162 = arith.addi %mul3A_160, %add3A_161 : i32
      %dma_wait3A_163 = tpu.memref_slice %arg4[%add3A_162] : memref<8388608xf32, #tpu.memory_space<hbm>> -> memref<4096xf32, #tpu.memory_space<hbm>>
      %dma_wait3A_164 = tpu.memref_slice %arg4[%add3A_162] : memref<8388608xf32, #tpu.memory_space<hbm>> -> memref<4096xf32, #tpu.memory_space<hbm>>
      tpu.wait_dma2 semaphore(%arg21 : memref<!tpu.dma_semaphore, #tpu.memory_space<semaphore_mem>>) src(%dma_wait3A_164 : memref<4096xf32, #tpu.memory_space<hbm>>) dst(%arg15 : memref<4096xf32, #tpu.memory_space<vmem>>)
      %dma_wait3A_165 = tpu.memref_slice %arg5[%add3A_162] : memref<8388608xf32, #tpu.memory_space<hbm>> -> memref<4096xf32, #tpu.memory_space<hbm>>
      %dma_wait3A_166 = tpu.memref_slice %arg5[%add3A_162] : memref<8388608xf32, #tpu.memory_space<hbm>> -> memref<4096xf32, #tpu.memory_space<hbm>>
      tpu.wait_dma2 semaphore(%arg22 : memref<!tpu.dma_semaphore, #tpu.memory_space<semaphore_mem>>) src(%dma_wait3A_166 : memref<4096xf32, #tpu.memory_space<hbm>>) dst(%arg17 : memref<4096xf32, #tpu.memory_space<vmem>>)
      %parallel_loop3A_167 = arith.constant 0 : i32
      %parallel_loop3A_168 = arith.constant 128 : i32
      %parallel_loop3A_169 = arith.constant 1 : i32
      %parallel_loop3A_170:2 = scf.for %parallel_loop3A_203 = %parallel_loop3A_167 to %parallel_loop3A_168 step %parallel_loop3A_169 iter_args(%parallel_loop3A_204 = %parallel_loop3A_150#0, %parallel_loop3A_205 = %parallel_loop3A_150#1) -> (vector<16xf32>, vector<16xf32>)  : i32 {
        %parallel_loop3A_206 = arith.constant 3 : i32
        %parallel_loop3A_207 = arith.shrsi %parallel_loop3A_203, %parallel_loop3A_206 : i32
        %parallel_loop3A_208 = arith.constant 8 : i32
        %parallel_loop3A_209 = arith.shli %parallel_loop3A_207, %parallel_loop3A_208 : i32
        %parallel_loop3A_210 = arith.constant 7 : i32
        %parallel_loop3A_211 = arith.andi %parallel_loop3A_203, %parallel_loop3A_210 : i32
        %parallel_loop3A_212 = arith.constant 4 : i32
        %parallel_loop3A_213 = arith.shli %parallel_loop3A_211, %parallel_loop3A_212 : i32
        %parallel_loop3A_214 = arith.addi %parallel_loop3A_209, %parallel_loop3A_213 : i32
        %parallel_loop3A_215 = arith.constant 16 : i32
        %parallel_loop3A_216 = arith.muli %parallel_loop3A_203, %parallel_loop3A_215 : i32
        %parallel_loop3A_217 = arith.constant 10240 : i32
        %parallel_loop3A_218 = arith.addi %parallel_loop3A_217, %parallel_loop3A_216 : i32
        %parallel_loop3A_219 = arith.index_cast %parallel_loop3A_218 : i32 to index
        %parallel_loop3A_220 = tpu.vector_load %arg13[%parallel_loop3A_219] {strides = array<i32>} : memref<16384xi32, #tpu.memory_space<vmem>>, vector<16xi32>,
        %parallel_loop3A_221 = arith.constant 65535 : i32
        %parallel_loop3A_222 = vector.broadcast %parallel_loop3A_221 : i32 to vector<16xi32>
        %parallel_loop3A_223 = arith.andi %parallel_loop3A_220, %parallel_loop3A_222 : vector<16xi32>
        %parallel_loop3A_224 = arith.constant 16 : i32
        %parallel_loop3A_225 = vector.broadcast %parallel_loop3A_224 : i32 to vector<16xi32>
        %parallel_loop3A_226 = arith.shrsi %parallel_loop3A_220, %parallel_loop3A_225 : vector<16xi32>
        %parallel_loop3A_227 = tpu.vector_load_idx %arg10[%parallel_loop3A_223] : memref<4112xi32, #tpu.memory_space<vmem>>[vector<16xi32>], vector<16xi32>,
        %parallel_loop3A_228 = tpu.vector_load_idx %arg9[%parallel_loop3A_223] : memref<4112xi32, #tpu.memory_space<vmem>>[vector<16xi32>], vector<16xi32>,
        %parallel_loop3A_229 = tpu.vector_load_idx %arg8[%parallel_loop3A_226] : memref<4112xi32, #tpu.memory_space<vmem>>[vector<16xi32>], vector<16xi32>,
        %parallel_loop3A_230 = tpu.vector_load_idx %arg9[%parallel_loop3A_226] : memref<4112xi32, #tpu.memory_space<vmem>>[vector<16xi32>], vector<16xi32>,
        %parallel_loop3A_231 = arith.constant 16 : i32
        %parallel_loop3A_232 = vector.broadcast %parallel_loop3A_231 : i32 to vector<16xi32>
        %parallel_loop3A_233 = arith.shli %parallel_loop3A_227, %parallel_loop3A_232 : vector<16xi32>
        %parallel_loop3A_234 = vector.bitcast %parallel_loop3A_233 : vector<16xi32> to vector<16xf32>
        %parallel_loop3A_235 = arith.constant -65536 : i32
        %parallel_loop3A_236 = vector.broadcast %parallel_loop3A_235 : i32 to vector<16xi32>
        %parallel_loop3A_237 = arith.andi %parallel_loop3A_227, %parallel_loop3A_236 : vector<16xi32>
        %parallel_loop3A_238 = vector.bitcast %parallel_loop3A_237 : vector<16xi32> to vector<16xf32>
        %parallel_loop3A_239 = arith.constant 16 : i32
        %parallel_loop3A_240 = vector.broadcast %parallel_loop3A_239 : i32 to vector<16xi32>
        %parallel_loop3A_241 = arith.shli %parallel_loop3A_228, %parallel_loop3A_240 : vector<16xi32>
        %parallel_loop3A_242 = vector.bitcast %parallel_loop3A_241 : vector<16xi32> to vector<16xf32>
        %parallel_loop3A_243 = arith.constant -65536 : i32
        %parallel_loop3A_244 = vector.broadcast %parallel_loop3A_243 : i32 to vector<16xi32>
        %parallel_loop3A_245 = arith.andi %parallel_loop3A_228, %parallel_loop3A_244 : vector<16xi32>
        %parallel_loop3A_246 = vector.bitcast %parallel_loop3A_245 : vector<16xi32> to vector<16xf32>
        %parallel_loop3A_247 = arith.constant 16 : i32
        %parallel_loop3A_248 = vector.broadcast %parallel_loop3A_247 : i32 to vector<16xi32>
        %parallel_loop3A_249 = arith.shli %parallel_loop3A_229, %parallel_loop3A_248 : vector<16xi32>
        %parallel_loop3A_250 = vector.bitcast %parallel_loop3A_249 : vector<16xi32> to vector<16xf32>
        %parallel_loop3A_251 = arith.constant -65536 : i32
        %parallel_loop3A_252 = vector.broadcast %parallel_loop3A_251 : i32 to vector<16xi32>
        %parallel_loop3A_253 = arith.andi %parallel_loop3A_229, %parallel_loop3A_252 : vector<16xi32>
        %parallel_loop3A_254 = vector.bitcast %parallel_loop3A_253 : vector<16xi32> to vector<16xf32>
        %parallel_loop3A_255 = arith.constant 16 : i32
        %parallel_loop3A_256 = vector.broadcast %parallel_loop3A_255 : i32 to vector<16xi32>
        %parallel_loop3A_257 = arith.shli %parallel_loop3A_230, %parallel_loop3A_256 : vector<16xi32>
        %parallel_loop3A_258 = vector.bitcast %parallel_loop3A_257 : vector<16xi32> to vector<16xf32>
        %parallel_loop3A_259 = arith.constant -65536 : i32
        %parallel_loop3A_260 = vector.broadcast %parallel_loop3A_259 : i32 to vector<16xi32>
        %parallel_loop3A_261 = arith.andi %parallel_loop3A_230, %parallel_loop3A_260 : vector<16xi32>
        %parallel_loop3A_262 = vector.bitcast %parallel_loop3A_261 : vector<16xi32> to vector<16xf32>
        %parallel_loop3A_263 = arith.mulf %parallel_loop3A_234, %parallel_loop3A_258 : vector<16xf32>
        %parallel_loop3A_264 = arith.mulf %parallel_loop3A_238, %parallel_loop3A_262 : vector<16xf32>
        %parallel_loop3A_265 = arith.addf %parallel_loop3A_263, %parallel_loop3A_264 : vector<16xf32>
        %parallel_loop3A_266 = arith.mulf %parallel_loop3A_242, %parallel_loop3A_250 : vector<16xf32>
        %parallel_loop3A_267 = arith.mulf %parallel_loop3A_246, %parallel_loop3A_254 : vector<16xf32>
        %parallel_loop3A_268 = arith.addf %parallel_loop3A_266, %parallel_loop3A_267 : vector<16xf32>
        %parallel_loop3A_269 = arith.addf %parallel_loop3A_265, %parallel_loop3A_268 : vector<16xf32>
        %parallel_loop3A_270 = arith.mulf %parallel_loop3A_238, %parallel_loop3A_258 : vector<16xf32>
        %parallel_loop3A_271 = arith.mulf %parallel_loop3A_234, %parallel_loop3A_262 : vector<16xf32>
        %parallel_loop3A_272 = arith.subf %parallel_loop3A_270, %parallel_loop3A_271 : vector<16xf32>
        %parallel_loop3A_273 = arith.mulf %parallel_loop3A_246, %parallel_loop3A_250 : vector<16xf32>
        %parallel_loop3A_274 = arith.mulf %parallel_loop3A_242, %parallel_loop3A_254 : vector<16xf32>
        %parallel_loop3A_275 = arith.subf %parallel_loop3A_273, %parallel_loop3A_274 : vector<16xf32>
        %parallel_loop3A_276 = arith.addf %parallel_loop3A_272, %parallel_loop3A_275 : vector<16xf32>
        %parallel_loop3A_277 = arith.index_cast %parallel_loop3A_214 : i32 to index
        %parallel_loop3A_278 = tpu.vector_load %arg15[%parallel_loop3A_277] {strides = array<i32>} : memref<4096xf32, #tpu.memory_space<vmem>>, vector<16xf32>,
        %parallel_loop3A_279 = arith.constant 128 : i32
        %parallel_loop3A_280 = arith.addi %parallel_loop3A_214, %parallel_loop3A_279 : i32
        %parallel_loop3A_281 = arith.index_cast %parallel_loop3A_280 : i32 to index
        %parallel_loop3A_282 = tpu.vector_load %arg15[%parallel_loop3A_281] {strides = array<i32>} : memref<4096xf32, #tpu.memory_space<vmem>>, vector<16xf32>,
        %parallel_loop3A_283 = arith.index_cast %parallel_loop3A_214 : i32 to index
        %parallel_loop3A_284 = tpu.vector_load %arg17[%parallel_loop3A_283] {strides = array<i32>} : memref<4096xf32, #tpu.memory_space<vmem>>, vector<16xf32>,
        %parallel_loop3A_285 = arith.constant 128 : i32
        %parallel_loop3A_286 = arith.addi %parallel_loop3A_214, %parallel_loop3A_285 : i32
        %parallel_loop3A_287 = arith.index_cast %parallel_loop3A_286 : i32 to index
        %parallel_loop3A_288 = tpu.vector_load %arg17[%parallel_loop3A_287] {strides = array<i32>} : memref<4096xf32, #tpu.memory_space<vmem>>, vector<16xf32>,
        %parallel_loop3A_289 = arith.subf %parallel_loop3A_278, %parallel_loop3A_284 : vector<16xf32>
        %parallel_loop3A_290 = arith.subf %parallel_loop3A_289, %parallel_loop3A_269 : vector<16xf32>
        %parallel_loop3A_291 = arith.subf %parallel_loop3A_282, %parallel_loop3A_288 : vector<16xf32>
        %parallel_loop3A_292 = arith.subf %parallel_loop3A_291, %parallel_loop3A_276 : vector<16xf32>
        %parallel_loop3A_293 = arith.mulf %parallel_loop3A_290, %parallel_loop3A_290 : vector<16xf32>
        %parallel_loop3A_294 = arith.addf %parallel_loop3A_204, %parallel_loop3A_293 : vector<16xf32>
        %parallel_loop3A_295 = arith.mulf %parallel_loop3A_292, %parallel_loop3A_292 : vector<16xf32>
        %parallel_loop3A_296 = arith.addf %parallel_loop3A_205, %parallel_loop3A_295 : vector<16xf32>
        scf.yield %parallel_loop3A_294, %parallel_loop3A_296 : vector<16xf32>, vector<16xf32>
      } {sc.loop_unroll_factor = 2 : i64, sc.parallel_access}
      %mul3A_171 = arith.constant 32768 : i32
      %mul3A_172 = arith.muli %add3A_16, %mul3A_171 : i32
      %add3A_173 = arith.constant 28672 : i32
      %add3A_174 = arith.addi %mul3A_172, %add3A_173 : i32
      %dma_start3A_175 = tpu.memref_slice %arg4[%add3A_174] : memref<8388608xf32, #tpu.memory_space<hbm>> -> memref<4096xf32, #tpu.memory_space<hbm>>
      %dma_start3A_176 = tpu.memref_slice %arg4[%add3A_174] : memref<8388608xf32, #tpu.memory_space<hbm>> -> memref<4096xf32, #tpu.memory_space<hbm>>
      tpu.enqueue_dma source(%dma_start3A_176 : memref<4096xf32, #tpu.memory_space<hbm>>) target(%arg15 : memref<4096xf32, #tpu.memory_space<vmem>>) target_semaphore(%arg21 : memref<!tpu.dma_semaphore, #tpu.memory_space<semaphore_mem>>)
      %dma_start3A_177 = tpu.memref_slice %arg5[%add3A_174] : memref<8388608xf32, #tpu.memory_space<hbm>> -> memref<4096xf32, #tpu.memory_space<hbm>>
      %dma_start3A_178 = tpu.memref_slice %arg5[%add3A_174] : memref<8388608xf32, #tpu.memory_space<hbm>> -> memref<4096xf32, #tpu.memory_space<hbm>>
      tpu.enqueue_dma source(%dma_start3A_178 : memref<4096xf32, #tpu.memory_space<hbm>>) target(%arg17 : memref<4096xf32, #tpu.memory_space<vmem>>) target_semaphore(%arg22 : memref<!tpu.dma_semaphore, #tpu.memory_space<semaphore_mem>>)
      %mul3A_179 = arith.constant 32768 : i32
      %mul3A_180 = arith.muli %add3A_16, %mul3A_179 : i32
      %add3A_181 = arith.constant 24576 : i32
      %add3A_182 = arith.addi %mul3A_180, %add3A_181 : i32
      %dma_wait3A_183 = tpu.memref_slice %arg4[%add3A_182] : memref<8388608xf32, #tpu.memory_space<hbm>> -> memref<4096xf32, #tpu.memory_space<hbm>>
      %dma_wait3A_184 = tpu.memref_slice %arg4[%add3A_182] : memref<8388608xf32, #tpu.memory_space<hbm>> -> memref<4096xf32, #tpu.memory_space<hbm>>
      tpu.wait_dma2 semaphore(%arg19 : memref<!tpu.dma_semaphore, #tpu.memory_space<semaphore_mem>>) src(%dma_wait3A_184 : memref<4096xf32, #tpu.memory_space<hbm>>) dst(%arg14 : memref<4096xf32, #tpu.memory_space<vmem>>)
      %dma_wait3A_185 = tpu.memref_slice %arg5[%add3A_182] : memref<8388608xf32, #tpu.memory_space<hbm>> -> memref<4096xf32, #tpu.memory_space<hbm>>
      %dma_wait3A_186 = tpu.memref_slice %arg5[%add3A_182] : memref<8388608xf32, #tpu.memory_space<hbm>> -> memref<4096xf32, #tpu.memory_space<hbm>>
      tpu.wait_dma2 semaphore(%arg20 : memref<!tpu.dma_semaphore, #tpu.memory_space<semaphore_mem>>) src(%dma_wait3A_186 : memref<4096xf32, #tpu.memory_space<hbm>>) dst(%arg16 : memref<4096xf32, #tpu.memory_space<vmem>>)
      %parallel_loop3A_187 = arith.constant 0 : i32
      %parallel_loop3A_188 = arith.constant 128 : i32
      %parallel_loop3A_189 = arith.constant 1 : i32
      %parallel_loop3A_190:2 = scf.for %parallel_loop3A_203 = %parallel_loop3A_187 to %parallel_loop3A_188 step %parallel_loop3A_189 iter_args(%parallel_loop3A_204 = %parallel_loop3A_170#0, %parallel_loop3A_205 = %parallel_loop3A_170#1) -> (vector<16xf32>, vector<16xf32>)  : i32 {
        %parallel_loop3A_206 = arith.constant 3 : i32
        %parallel_loop3A_207 = arith.shrsi %parallel_loop3A_203, %parallel_loop3A_206 : i32
        %parallel_loop3A_208 = arith.constant 8 : i32
        %parallel_loop3A_209 = arith.shli %parallel_loop3A_207, %parallel_loop3A_208 : i32
        %parallel_loop3A_210 = arith.constant 7 : i32
        %parallel_loop3A_211 = arith.andi %parallel_loop3A_203, %parallel_loop3A_210 : i32
        %parallel_loop3A_212 = arith.constant 4 : i32
        %parallel_loop3A_213 = arith.shli %parallel_loop3A_211, %parallel_loop3A_212 : i32
        %parallel_loop3A_214 = arith.addi %parallel_loop3A_209, %parallel_loop3A_213 : i32
        %parallel_loop3A_215 = arith.constant 16 : i32
        %parallel_loop3A_216 = arith.muli %parallel_loop3A_203, %parallel_loop3A_215 : i32
        %parallel_loop3A_217 = arith.constant 12288 : i32
        %parallel_loop3A_218 = arith.addi %parallel_loop3A_217, %parallel_loop3A_216 : i32
        %parallel_loop3A_219 = arith.index_cast %parallel_loop3A_218 : i32 to index
        %parallel_loop3A_220 = tpu.vector_load %arg13[%parallel_loop3A_219] {strides = array<i32>} : memref<16384xi32, #tpu.memory_space<vmem>>, vector<16xi32>,
        %parallel_loop3A_221 = arith.constant 65535 : i32
        %parallel_loop3A_222 = vector.broadcast %parallel_loop3A_221 : i32 to vector<16xi32>
        %parallel_loop3A_223 = arith.andi %parallel_loop3A_220, %parallel_loop3A_222 : vector<16xi32>
        %parallel_loop3A_224 = arith.constant 16 : i32
        %parallel_loop3A_225 = vector.broadcast %parallel_loop3A_224 : i32 to vector<16xi32>
        %parallel_loop3A_226 = arith.shrsi %parallel_loop3A_220, %parallel_loop3A_225 : vector<16xi32>
        %parallel_loop3A_227 = tpu.vector_load_idx %arg10[%parallel_loop3A_223] : memref<4112xi32, #tpu.memory_space<vmem>>[vector<16xi32>], vector<16xi32>,
        %parallel_loop3A_228 = tpu.vector_load_idx %arg9[%parallel_loop3A_223] : memref<4112xi32, #tpu.memory_space<vmem>>[vector<16xi32>], vector<16xi32>,
        %parallel_loop3A_229 = tpu.vector_load_idx %arg8[%parallel_loop3A_226] : memref<4112xi32, #tpu.memory_space<vmem>>[vector<16xi32>], vector<16xi32>,
        %parallel_loop3A_230 = tpu.vector_load_idx %arg9[%parallel_loop3A_226] : memref<4112xi32, #tpu.memory_space<vmem>>[vector<16xi32>], vector<16xi32>,
        %parallel_loop3A_231 = arith.constant 16 : i32
        %parallel_loop3A_232 = vector.broadcast %parallel_loop3A_231 : i32 to vector<16xi32>
        %parallel_loop3A_233 = arith.shli %parallel_loop3A_227, %parallel_loop3A_232 : vector<16xi32>
        %parallel_loop3A_234 = vector.bitcast %parallel_loop3A_233 : vector<16xi32> to vector<16xf32>
        %parallel_loop3A_235 = arith.constant -65536 : i32
        %parallel_loop3A_236 = vector.broadcast %parallel_loop3A_235 : i32 to vector<16xi32>
        %parallel_loop3A_237 = arith.andi %parallel_loop3A_227, %parallel_loop3A_236 : vector<16xi32>
        %parallel_loop3A_238 = vector.bitcast %parallel_loop3A_237 : vector<16xi32> to vector<16xf32>
        %parallel_loop3A_239 = arith.constant 16 : i32
        %parallel_loop3A_240 = vector.broadcast %parallel_loop3A_239 : i32 to vector<16xi32>
        %parallel_loop3A_241 = arith.shli %parallel_loop3A_228, %parallel_loop3A_240 : vector<16xi32>
        %parallel_loop3A_242 = vector.bitcast %parallel_loop3A_241 : vector<16xi32> to vector<16xf32>
        %parallel_loop3A_243 = arith.constant -65536 : i32
        %parallel_loop3A_244 = vector.broadcast %parallel_loop3A_243 : i32 to vector<16xi32>
        %parallel_loop3A_245 = arith.andi %parallel_loop3A_228, %parallel_loop3A_244 : vector<16xi32>
        %parallel_loop3A_246 = vector.bitcast %parallel_loop3A_245 : vector<16xi32> to vector<16xf32>
        %parallel_loop3A_247 = arith.constant 16 : i32
        %parallel_loop3A_248 = vector.broadcast %parallel_loop3A_247 : i32 to vector<16xi32>
        %parallel_loop3A_249 = arith.shli %parallel_loop3A_229, %parallel_loop3A_248 : vector<16xi32>
        %parallel_loop3A_250 = vector.bitcast %parallel_loop3A_249 : vector<16xi32> to vector<16xf32>
        %parallel_loop3A_251 = arith.constant -65536 : i32
        %parallel_loop3A_252 = vector.broadcast %parallel_loop3A_251 : i32 to vector<16xi32>
        %parallel_loop3A_253 = arith.andi %parallel_loop3A_229, %parallel_loop3A_252 : vector<16xi32>
        %parallel_loop3A_254 = vector.bitcast %parallel_loop3A_253 : vector<16xi32> to vector<16xf32>
        %parallel_loop3A_255 = arith.constant 16 : i32
        %parallel_loop3A_256 = vector.broadcast %parallel_loop3A_255 : i32 to vector<16xi32>
        %parallel_loop3A_257 = arith.shli %parallel_loop3A_230, %parallel_loop3A_256 : vector<16xi32>
        %parallel_loop3A_258 = vector.bitcast %parallel_loop3A_257 : vector<16xi32> to vector<16xf32>
        %parallel_loop3A_259 = arith.constant -65536 : i32
        %parallel_loop3A_260 = vector.broadcast %parallel_loop3A_259 : i32 to vector<16xi32>
        %parallel_loop3A_261 = arith.andi %parallel_loop3A_230, %parallel_loop3A_260 : vector<16xi32>
        %parallel_loop3A_262 = vector.bitcast %parallel_loop3A_261 : vector<16xi32> to vector<16xf32>
        %parallel_loop3A_263 = arith.mulf %parallel_loop3A_234, %parallel_loop3A_258 : vector<16xf32>
        %parallel_loop3A_264 = arith.mulf %parallel_loop3A_238, %parallel_loop3A_262 : vector<16xf32>
        %parallel_loop3A_265 = arith.addf %parallel_loop3A_263, %parallel_loop3A_264 : vector<16xf32>
        %parallel_loop3A_266 = arith.mulf %parallel_loop3A_242, %parallel_loop3A_250 : vector<16xf32>
        %parallel_loop3A_267 = arith.mulf %parallel_loop3A_246, %parallel_loop3A_254 : vector<16xf32>
        %parallel_loop3A_268 = arith.addf %parallel_loop3A_266, %parallel_loop3A_267 : vector<16xf32>
        %parallel_loop3A_269 = arith.addf %parallel_loop3A_265, %parallel_loop3A_268 : vector<16xf32>
        %parallel_loop3A_270 = arith.mulf %parallel_loop3A_238, %parallel_loop3A_258 : vector<16xf32>
        %parallel_loop3A_271 = arith.mulf %parallel_loop3A_234, %parallel_loop3A_262 : vector<16xf32>
        %parallel_loop3A_272 = arith.subf %parallel_loop3A_270, %parallel_loop3A_271 : vector<16xf32>
        %parallel_loop3A_273 = arith.mulf %parallel_loop3A_246, %parallel_loop3A_250 : vector<16xf32>
        %parallel_loop3A_274 = arith.mulf %parallel_loop3A_242, %parallel_loop3A_254 : vector<16xf32>
        %parallel_loop3A_275 = arith.subf %parallel_loop3A_273, %parallel_loop3A_274 : vector<16xf32>
        %parallel_loop3A_276 = arith.addf %parallel_loop3A_272, %parallel_loop3A_275 : vector<16xf32>
        %parallel_loop3A_277 = arith.index_cast %parallel_loop3A_214 : i32 to index
        %parallel_loop3A_278 = tpu.vector_load %arg14[%parallel_loop3A_277] {strides = array<i32>} : memref<4096xf32, #tpu.memory_space<vmem>>, vector<16xf32>,
        %parallel_loop3A_279 = arith.constant 128 : i32
        %parallel_loop3A_280 = arith.addi %parallel_loop3A_214, %parallel_loop3A_279 : i32
        %parallel_loop3A_281 = arith.index_cast %parallel_loop3A_280 : i32 to index
        %parallel_loop3A_282 = tpu.vector_load %arg14[%parallel_loop3A_281] {strides = array<i32>} : memref<4096xf32, #tpu.memory_space<vmem>>, vector<16xf32>,
        %parallel_loop3A_283 = arith.index_cast %parallel_loop3A_214 : i32 to index
        %parallel_loop3A_284 = tpu.vector_load %arg16[%parallel_loop3A_283] {strides = array<i32>} : memref<4096xf32, #tpu.memory_space<vmem>>, vector<16xf32>,
        %parallel_loop3A_285 = arith.constant 128 : i32
        %parallel_loop3A_286 = arith.addi %parallel_loop3A_214, %parallel_loop3A_285 : i32
        %parallel_loop3A_287 = arith.index_cast %parallel_loop3A_286 : i32 to index
        %parallel_loop3A_288 = tpu.vector_load %arg16[%parallel_loop3A_287] {strides = array<i32>} : memref<4096xf32, #tpu.memory_space<vmem>>, vector<16xf32>,
        %parallel_loop3A_289 = arith.subf %parallel_loop3A_278, %parallel_loop3A_284 : vector<16xf32>
        %parallel_loop3A_290 = arith.subf %parallel_loop3A_289, %parallel_loop3A_269 : vector<16xf32>
        %parallel_loop3A_291 = arith.subf %parallel_loop3A_282, %parallel_loop3A_288 : vector<16xf32>
        %parallel_loop3A_292 = arith.subf %parallel_loop3A_291, %parallel_loop3A_276 : vector<16xf32>
        %parallel_loop3A_293 = arith.mulf %parallel_loop3A_290, %parallel_loop3A_290 : vector<16xf32>
        %parallel_loop3A_294 = arith.addf %parallel_loop3A_204, %parallel_loop3A_293 : vector<16xf32>
        %parallel_loop3A_295 = arith.mulf %parallel_loop3A_292, %parallel_loop3A_292 : vector<16xf32>
        %parallel_loop3A_296 = arith.addf %parallel_loop3A_205, %parallel_loop3A_295 : vector<16xf32>
        scf.yield %parallel_loop3A_294, %parallel_loop3A_296 : vector<16xf32>, vector<16xf32>
      } {sc.loop_unroll_factor = 2 : i64, sc.parallel_access}
      %mul3A_191 = arith.constant 32768 : i32
      %mul3A_192 = arith.muli %add3A_16, %mul3A_191 : i32
      %add3A_193 = arith.constant 28672 : i32
      %add3A_194 = arith.addi %mul3A_192, %add3A_193 : i32
      %dma_wait3A_195 = tpu.memref_slice %arg4[%add3A_194] : memref<8388608xf32, #tpu.memory_space<hbm>> -> memref<4096xf32, #tpu.memory_space<hbm>>
      %dma_wait3A_196 = tpu.memref_slice %arg4[%add3A_194] : memref<8388608xf32, #tpu.memory_space<hbm>> -> memref<4096xf32, #tpu.memory_space<hbm>>
      tpu.wait_dma2 semaphore(%arg21 : memref<!tpu.dma_semaphore, #tpu.memory_space<semaphore_mem>>) src(%dma_wait3A_196 : memref<4096xf32, #tpu.memory_space<hbm>>) dst(%arg15 : memref<4096xf32, #tpu.memory_space<vmem>>)
      %dma_wait3A_197 = tpu.memref_slice %arg5[%add3A_194] : memref<8388608xf32, #tpu.memory_space<hbm>> -> memref<4096xf32, #tpu.memory_space<hbm>>
      %dma_wait3A_198 = tpu.memref_slice %arg5[%add3A_194] : memref<8388608xf32, #tpu.memory_space<hbm>> -> memref<4096xf32, #tpu.memory_space<hbm>>
      tpu.wait_dma2 semaphore(%arg22 : memref<!tpu.dma_semaphore, #tpu.memory_space<semaphore_mem>>) src(%dma_wait3A_198 : memref<4096xf32, #tpu.memory_space<hbm>>) dst(%arg17 : memref<4096xf32, #tpu.memory_space<vmem>>)
      %parallel_loop3A_199 = arith.constant 0 : i32
      %parallel_loop3A_200 = arith.constant 128 : i32
      %parallel_loop3A_201 = arith.constant 1 : i32
      %parallel_loop3A_202:2 = scf.for %parallel_loop3A_203 = %parallel_loop3A_199 to %parallel_loop3A_200 step %parallel_loop3A_201 iter_args(%parallel_loop3A_204 = %parallel_loop3A_190#0, %parallel_loop3A_205 = %parallel_loop3A_190#1) -> (vector<16xf32>, vector<16xf32>)  : i32 {
        %parallel_loop3A_206 = arith.constant 3 : i32
        %parallel_loop3A_207 = arith.shrsi %parallel_loop3A_203, %parallel_loop3A_206 : i32
        %parallel_loop3A_208 = arith.constant 8 : i32
        %parallel_loop3A_209 = arith.shli %parallel_loop3A_207, %parallel_loop3A_208 : i32
        %parallel_loop3A_210 = arith.constant 7 : i32
        %parallel_loop3A_211 = arith.andi %parallel_loop3A_203, %parallel_loop3A_210 : i32
        %parallel_loop3A_212 = arith.constant 4 : i32
        %parallel_loop3A_213 = arith.shli %parallel_loop3A_211, %parallel_loop3A_212 : i32
        %parallel_loop3A_214 = arith.addi %parallel_loop3A_209, %parallel_loop3A_213 : i32
        %parallel_loop3A_215 = arith.constant 16 : i32
        %parallel_loop3A_216 = arith.muli %parallel_loop3A_203, %parallel_loop3A_215 : i32
        %parallel_loop3A_217 = arith.constant 14336 : i32
        %parallel_loop3A_218 = arith.addi %parallel_loop3A_217, %parallel_loop3A_216 : i32
        %parallel_loop3A_219 = arith.index_cast %parallel_loop3A_218 : i32 to index
        %parallel_loop3A_220 = tpu.vector_load %arg13[%parallel_loop3A_219] {strides = array<i32>} : memref<16384xi32, #tpu.memory_space<vmem>>, vector<16xi32>,
        %parallel_loop3A_221 = arith.constant 65535 : i32
        %parallel_loop3A_222 = vector.broadcast %parallel_loop3A_221 : i32 to vector<16xi32>
        %parallel_loop3A_223 = arith.andi %parallel_loop3A_220, %parallel_loop3A_222 : vector<16xi32>
        %parallel_loop3A_224 = arith.constant 16 : i32
        %parallel_loop3A_225 = vector.broadcast %parallel_loop3A_224 : i32 to vector<16xi32>
        %parallel_loop3A_226 = arith.shrsi %parallel_loop3A_220, %parallel_loop3A_225 : vector<16xi32>
        %parallel_loop3A_227 = tpu.vector_load_idx %arg10[%parallel_loop3A_223] : memref<4112xi32, #tpu.memory_space<vmem>>[vector<16xi32>], vector<16xi32>,
        %parallel_loop3A_228 = tpu.vector_load_idx %arg9[%parallel_loop3A_223] : memref<4112xi32, #tpu.memory_space<vmem>>[vector<16xi32>], vector<16xi32>,
        %parallel_loop3A_229 = tpu.vector_load_idx %arg8[%parallel_loop3A_226] : memref<4112xi32, #tpu.memory_space<vmem>>[vector<16xi32>], vector<16xi32>,
        %parallel_loop3A_230 = tpu.vector_load_idx %arg9[%parallel_loop3A_226] : memref<4112xi32, #tpu.memory_space<vmem>>[vector<16xi32>], vector<16xi32>,
        %parallel_loop3A_231 = arith.constant 16 : i32
        %parallel_loop3A_232 = vector.broadcast %parallel_loop3A_231 : i32 to vector<16xi32>
        %parallel_loop3A_233 = arith.shli %parallel_loop3A_227, %parallel_loop3A_232 : vector<16xi32>
        %parallel_loop3A_234 = vector.bitcast %parallel_loop3A_233 : vector<16xi32> to vector<16xf32>
        %parallel_loop3A_235 = arith.constant -65536 : i32
        %parallel_loop3A_236 = vector.broadcast %parallel_loop3A_235 : i32 to vector<16xi32>
        %parallel_loop3A_237 = arith.andi %parallel_loop3A_227, %parallel_loop3A_236 : vector<16xi32>
        %parallel_loop3A_238 = vector.bitcast %parallel_loop3A_237 : vector<16xi32> to vector<16xf32>
        %parallel_loop3A_239 = arith.constant 16 : i32
        %parallel_loop3A_240 = vector.broadcast %parallel_loop3A_239 : i32 to vector<16xi32>
        %parallel_loop3A_241 = arith.shli %parallel_loop3A_228, %parallel_loop3A_240 : vector<16xi32>
        %parallel_loop3A_242 = vector.bitcast %parallel_loop3A_241 : vector<16xi32> to vector<16xf32>
        %parallel_loop3A_243 = arith.constant -65536 : i32
        %parallel_loop3A_244 = vector.broadcast %parallel_loop3A_243 : i32 to vector<16xi32>
        %parallel_loop3A_245 = arith.andi %parallel_loop3A_228, %parallel_loop3A_244 : vector<16xi32>
        %parallel_loop3A_246 = vector.bitcast %parallel_loop3A_245 : vector<16xi32> to vector<16xf32>
        %parallel_loop3A_247 = arith.constant 16 : i32
        %parallel_loop3A_248 = vector.broadcast %parallel_loop3A_247 : i32 to vector<16xi32>
        %parallel_loop3A_249 = arith.shli %parallel_loop3A_229, %parallel_loop3A_248 : vector<16xi32>
        %parallel_loop3A_250 = vector.bitcast %parallel_loop3A_249 : vector<16xi32> to vector<16xf32>
        %parallel_loop3A_251 = arith.constant -65536 : i32
        %parallel_loop3A_252 = vector.broadcast %parallel_loop3A_251 : i32 to vector<16xi32>
        %parallel_loop3A_253 = arith.andi %parallel_loop3A_229, %parallel_loop3A_252 : vector<16xi32>
        %parallel_loop3A_254 = vector.bitcast %parallel_loop3A_253 : vector<16xi32> to vector<16xf32>
        %parallel_loop3A_255 = arith.constant 16 : i32
        %parallel_loop3A_256 = vector.broadcast %parallel_loop3A_255 : i32 to vector<16xi32>
        %parallel_loop3A_257 = arith.shli %parallel_loop3A_230, %parallel_loop3A_256 : vector<16xi32>
        %parallel_loop3A_258 = vector.bitcast %parallel_loop3A_257 : vector<16xi32> to vector<16xf32>
        %parallel_loop3A_259 = arith.constant -65536 : i32
        %parallel_loop3A_260 = vector.broadcast %parallel_loop3A_259 : i32 to vector<16xi32>
        %parallel_loop3A_261 = arith.andi %parallel_loop3A_230, %parallel_loop3A_260 : vector<16xi32>
        %parallel_loop3A_262 = vector.bitcast %parallel_loop3A_261 : vector<16xi32> to vector<16xf32>
        %parallel_loop3A_263 = arith.mulf %parallel_loop3A_234, %parallel_loop3A_258 : vector<16xf32>
        %parallel_loop3A_264 = arith.mulf %parallel_loop3A_238, %parallel_loop3A_262 : vector<16xf32>
        %parallel_loop3A_265 = arith.addf %parallel_loop3A_263, %parallel_loop3A_264 : vector<16xf32>
        %parallel_loop3A_266 = arith.mulf %parallel_loop3A_242, %parallel_loop3A_250 : vector<16xf32>
        %parallel_loop3A_267 = arith.mulf %parallel_loop3A_246, %parallel_loop3A_254 : vector<16xf32>
        %parallel_loop3A_268 = arith.addf %parallel_loop3A_266, %parallel_loop3A_267 : vector<16xf32>
        %parallel_loop3A_269 = arith.addf %parallel_loop3A_265, %parallel_loop3A_268 : vector<16xf32>
        %parallel_loop3A_270 = arith.mulf %parallel_loop3A_238, %parallel_loop3A_258 : vector<16xf32>
        %parallel_loop3A_271 = arith.mulf %parallel_loop3A_234, %parallel_loop3A_262 : vector<16xf32>
        %parallel_loop3A_272 = arith.subf %parallel_loop3A_270, %parallel_loop3A_271 : vector<16xf32>
        %parallel_loop3A_273 = arith.mulf %parallel_loop3A_246, %parallel_loop3A_250 : vector<16xf32>
        %parallel_loop3A_274 = arith.mulf %parallel_loop3A_242, %parallel_loop3A_254 : vector<16xf32>
        %parallel_loop3A_275 = arith.subf %parallel_loop3A_273, %parallel_loop3A_274 : vector<16xf32>
        %parallel_loop3A_276 = arith.addf %parallel_loop3A_272, %parallel_loop3A_275 : vector<16xf32>
        %parallel_loop3A_277 = arith.index_cast %parallel_loop3A_214 : i32 to index
        %parallel_loop3A_278 = tpu.vector_load %arg15[%parallel_loop3A_277] {strides = array<i32>} : memref<4096xf32, #tpu.memory_space<vmem>>, vector<16xf32>,
        %parallel_loop3A_279 = arith.constant 128 : i32
        %parallel_loop3A_280 = arith.addi %parallel_loop3A_214, %parallel_loop3A_279 : i32
        %parallel_loop3A_281 = arith.index_cast %parallel_loop3A_280 : i32 to index
        %parallel_loop3A_282 = tpu.vector_load %arg15[%parallel_loop3A_281] {strides = array<i32>} : memref<4096xf32, #tpu.memory_space<vmem>>, vector<16xf32>,
        %parallel_loop3A_283 = arith.index_cast %parallel_loop3A_214 : i32 to index
        %parallel_loop3A_284 = tpu.vector_load %arg17[%parallel_loop3A_283] {strides = array<i32>} : memref<4096xf32, #tpu.memory_space<vmem>>, vector<16xf32>,
        %parallel_loop3A_285 = arith.constant 128 : i32
        %parallel_loop3A_286 = arith.addi %parallel_loop3A_214, %parallel_loop3A_285 : i32
        %parallel_loop3A_287 = arith.index_cast %parallel_loop3A_286 : i32 to index
        %parallel_loop3A_288 = tpu.vector_load %arg17[%parallel_loop3A_287] {strides = array<i32>} : memref<4096xf32, #tpu.memory_space<vmem>>, vector<16xf32>,
        %parallel_loop3A_289 = arith.subf %parallel_loop3A_278, %parallel_loop3A_284 : vector<16xf32>
        %parallel_loop3A_290 = arith.subf %parallel_loop3A_289, %parallel_loop3A_269 : vector<16xf32>
        %parallel_loop3A_291 = arith.subf %parallel_loop3A_282, %parallel_loop3A_288 : vector<16xf32>
        %parallel_loop3A_292 = arith.subf %parallel_loop3A_291, %parallel_loop3A_276 : vector<16xf32>
        %parallel_loop3A_293 = arith.mulf %parallel_loop3A_290, %parallel_loop3A_290 : vector<16xf32>
        %parallel_loop3A_294 = arith.addf %parallel_loop3A_204, %parallel_loop3A_293 : vector<16xf32>
        %parallel_loop3A_295 = arith.mulf %parallel_loop3A_292, %parallel_loop3A_292 : vector<16xf32>
        %parallel_loop3A_296 = arith.addf %parallel_loop3A_205, %parallel_loop3A_295 : vector<16xf32>
        scf.yield %parallel_loop3A_294, %parallel_loop3A_296 : vector<16xf32>, vector<16xf32>
      } {sc.loop_unroll_factor = 2 : i64, sc.parallel_access}
      scf.yield %parallel_loop3A_202#0, %parallel_loop3A_202#1 : vector<16xf32>, vector<16xf32>
    }
    %scan3A_8 = arith.constant 8 : i32
    %add3A_9 = arith.addf %scan3A_7#0, %scan3A_7#1 : vector<16xf32>
    %swap3A = arith.constant 0 : index
    %swap3A_10 = tpu.vector_load %arg18[%swap3A] {strides = array<i32>} : memref<16xf32, #tpu.memory_space<vmem>>, vector<16xf32>,
    tpu.vector_store %arg18[%swap3A], %add3A_9 {strides = array<i32>} : memref<16xf32, #tpu.memory_space<vmem>>, vector<16xf32>,
    "tpu.region"() ({
      %run_scoped3A = tpu.sem_alloc : memref<!tpu.dma_semaphore, #tpu.memory_space<semaphore_mem>>
      %dma_start3A = arith.constant 0 : i32
      %dma_start3A_11 = tpu.memref_slice %arg7[%add3A, %dma_start3A] : memref<32x16xf32, #tpu.memory_space<hbm>> -> memref<1x16xf32, #tpu.memory_space<hbm>>
      %dma_start3A_12 = tpu.memref_squeeze %dma_start3A_11 : memref<1x16xf32, #tpu.memory_space<hbm>> -> memref<16xf32, #tpu.memory_space<hbm>>
      %dma_start3A_13 = arith.constant 0 : i32
      %dma_start3A_14 = tpu.memref_slice %arg7[%add3A, %dma_start3A_13] : memref<32x16xf32, #tpu.memory_space<hbm>> -> memref<1x16xf32, #tpu.memory_space<hbm>>
      %dma_start3A_15 = tpu.memref_squeeze %dma_start3A_14 : memref<1x16xf32, #tpu.memory_space<hbm>> -> memref<16xf32, #tpu.memory_space<hbm>>
      tpu.enqueue_dma source(%arg18 : memref<16xf32, #tpu.memory_space<vmem>>) target(%dma_start3A_15 : memref<16xf32, #tpu.memory_space<hbm>>) target_semaphore(%run_scoped3A : memref<!tpu.dma_semaphore, #tpu.memory_space<semaphore_mem>>)
      %dma_wait3A = arith.constant 0 : i32
      %dma_wait3A_16 = tpu.memref_slice %arg7[%add3A, %dma_wait3A] : memref<32x16xf32, #tpu.memory_space<hbm>> -> memref<1x16xf32, #tpu.memory_space<hbm>>
      %dma_wait3A_17 = tpu.memref_squeeze %dma_wait3A_16 : memref<1x16xf32, #tpu.memory_space<hbm>> -> memref<16xf32, #tpu.memory_space<hbm>>
      %dma_wait3A_18 = arith.constant 0 : i32
      %dma_wait3A_19 = tpu.memref_slice %arg7[%add3A, %dma_wait3A_18] : memref<32x16xf32, #tpu.memory_space<hbm>> -> memref<1x16xf32, #tpu.memory_space<hbm>>
      %dma_wait3A_20 = tpu.memref_squeeze %dma_wait3A_19 : memref<1x16xf32, #tpu.memory_space<hbm>> -> memref<16xf32, #tpu.memory_space<hbm>>
      tpu.wait_dma2 semaphore(%run_scoped3A : memref<!tpu.dma_semaphore, #tpu.memory_space<semaphore_mem>>) src(%arg18 : memref<16xf32, #tpu.memory_space<vmem>>) dst(%dma_wait3A_20 : memref<16xf32, #tpu.memory_space<hbm>>)
      tpu.yield
    }) : () -> ()
    return
  }
}

</mosaic_0001>

<sc_bundles>
// kernel: kernel.3.cloned.1.call-start
scs
__scs_entry_jumppad:
0x0: {  	(pc) =	sbr.rel $0x88, $3  }
0x1: {  	(tag) =	ssettag $0x0;
	lr =	simm.s32 $0x1  }
0x2: {  	[smem:$0x3F99] =	sst lr;
	_ =	strace $0xD0000000  }
0x3: {  	_ = 	snop  }
0x4: {  	_ = 	snop  }
0x5: {  	_ = 	snop  }
0x6: {  	_ = 	snop  }
0x7: {  	_ = 	snop  }
__scs_overlays_trampoline_lowered:
0x8: {  	[smem:$0x3FA8] =	sst s0  }
0x9: {  	[smem:$0x3FA9] =	sst s1  }
0xa: {  	[smem:$0x3FAA] =	sst s2  }
0xb: {  	[smem:$0x3FAB] =	sst s3  }
0xc: {  	[smem:$0x3FAC] =	sst s4  }
0xd: {  	[smem:$0x3FAD] =	sst s5  }
0xe: {  	[smem:$0x3FAE] =	sst s6  }
0xf: {  	[smem:$0x3FAF] =	sst s7  }
0x10: {  	[smem:$0x3FB0] =	sst s8  }
0x11: {  	[smem:$0x3FB1] =	sst s9;
	s0 =	simm.s32 @!p0 $0x0  }
0x12: {  	s1 =	sld [smem:$0x3F97];
	s0 =	simm.s32 @p0 $0x1  }
0x13: {  	[smem:$0x3FB2] =	sst s0;
	s0 =	simm.s32 @!p1 $0x0  }
0x14: {  	s2 =	sld [smem:$0x3F96];
	s0 =	simm.s32 @p1 $0x1  }
0x15: {  	[smem:$0x3FB3] =	sst s0;
	s0 =	simm.s32 @!p2 $0x0  }
0x16: {  	s3 =	sld [smem:$0x3FDB];
	s0 =	simm.s32 @p2 $0x1  }
0x17: {  	s4 =	simm.s32 $0x1BF5;
	[smem:$0x3FB5] =	sst s0  }
0x18: {  	s0 =	sld [smem:$0x3F98];
	_ =	swait.ge [sflag:s4], $0x0  }
0x19: {  	s7 =	sld [smem:$0x3F99]  }
0x1a: {  	s8 =	sadd.s32 $0xFFFFE003, lr  }
0x1b: {  	s9 =	sadd.s32 $0xFFFFFEF7, lr;
	s5 =	simm.s32 $0xFFFFFFFF;
	p2 =	slt.u32 s8, $0xFFFFF086  }
0x1c: {  	p1 =	slt.u32 s9, $0xF7A;
	s5 =	simm.s32 @!p2 $0x0  }
0x1d: {  	s5 =	simm.s32 @p1 $0x1;
	p0 =	seq.s32 s7, s2  }
0x1e: {  	s7 =	smul.u32 @!p0 $0xF7A, s2;
	p2 =	seq.s32 @!p0 s5, $0x0  }
0x1f: {  	s9 =	smul.u32 $0xF7A, s1;
	s8 =	simm.s32 @!p0 $0x1BF5;
	p2 =	por !p2, p0  }
0x20: {  	[sflag:s8] =	ssyncset.s32 @!p0 $0xFFFFF086;
	s6 =	sadd.s32 @!p0 s3, s7;
	s7 =	simm.s32 @!p0 $0x108  }
0x21: {  	s3 =	sadd.s32 s3, s9;
	s6 =	sadd.s32 @!p0 $0x88, s6;
	s7 =	simm.s32 @p2 $0x1082  }
0x22: {  	[simem:s7], [sflag:s8] =	dma.local @!p0 [hbm:s6], $0xF7A  }
0x23: {  	s9 =	sor.u32 $0xD0000000, s2;
	s6 =	simm.s32 $0x108;
	_ =	swait.ge @!p0 [sflag:s8], $0x0  }
0x24: {  	s3 =	sadd.s32 $0x88, s3;
	s6 =	simm.s32 @!p1 $0x1082;
	[sflag:s4] =	ssyncset.s32 $0xFFFFF086  }
0x25: {  	[simem:s6], [sflag:s4] =	dma.local [hbm:s3], $0xF7A  }
0x26: {  	[smem:$0x3F99] =	sst s1;
	(tag) =	ssettag s2;
	_ =	strace s9  }
0x27: {  	s1 =	sld [smem:$0x3FA9]  }
0x28: {  	s2 =	sld [smem:$0x3FAA]  }
0x29: {  	s4 =	sld [smem:$0x3FAC]  }
0x2a: {  	p0 =	seq.s32 s5, $0x0;
	s5 =	sld [smem:$0x3FAD]  }
0x2b: {  	s6 =	sld [smem:$0x3FAE]  }
0x2c: {  	s7 =	sld [smem:$0x3FAF]  }
0x2d: {  	s3 =	simm.s32 $0x108;
	s8 =	sld [smem:$0x3FB0]  }
0x2e: {  	s3 =	simm.s32 @!p0 $0x1082;
	s9 =	sld [smem:$0x3FB1]  }
0x2f: {  	lr =	sadd.s32 s0, s3;
	s0 =	sld [smem:$0x3FA8]  }
0x30: {  	s3 =	sld [smem:$0x3FAB]  }
0x31: {  	[smem:$0x3FB4] =	sst s10  }
0x32: {  	s10 =	sld [smem:$0x3FB2];
	_ =	sdelay $0x3  }
0x33: {  	p0 =	seq.s32 s10, $0x1;
	s10 =	sld [smem:$0x3FB4];
	_ =	sdelay $0x3  }
0x34: {  	[smem:$0x3FB4] =	sst s10  }
0x35: {  	s10 =	sld [smem:$0x3FB3];
	_ =	sdelay $0x3  }
0x36: {  	p1 =	seq.s32 s10, $0x1;
	s10 =	sld [smem:$0x3FB4];
	_ =	sdelay $0x3  }
0x37: {  	[smem:$0x3FB4] =	sst s10  }
0x38: {  	s10 =	sld [smem:$0x3FB5]  }
0x39: {  	_ = 	snop;
	(pc) =	sbr.ind lr, $3  }
0x3a: {  	_ = 	snop  }
0x3b: {  	_ = 	snop  }
0x3c: {  	p2 =	seq.s32 s10, $0x1;
	s10 =	sld [smem:$0x3FB4]  }
0x3d: {  	_ =	shalt  }
0x3e: {  	_ =	shalt  }
0x3f: {  	_ =	shalt  }
0x40: {  	_ =	shalt  }
0x41: {  	_ =	shalt  }
0x42: {  	_ =	shalt  }
0x43: {  	_ =	shalt  }
0x44: {  	_ =	shalt  }
0x45: {  	_ =	shalt  }
0x46: {  	_ =	shalt  }
0x47: {  	_ =	shalt  }
0x48: {  	_ =	shalt  }
0x49: {  	_ =	shalt  }
0x4a: {  	_ =	shalt  }
0x4b: {  	_ =	shalt  }
0x4c: {  	_ =	shalt  }
0x4d: {  	_ =	shalt  }
0x4e: {  	_ =	shalt  }
0x4f: {  	_ =	shalt  }
0x50: {  	_ =	shalt  }
0x51: {  	_ =	shalt  }
0x52: {  	_ =	shalt  }
0x53: {  	_ =	shalt  }
0x54: {  	_ =	shalt  }
0x55: {  	_ =	shalt  }
0x56: {  	_ =	shalt  }
0x57: {  	_ =	shalt  }
0x58: {  	_ =	shalt  }
0x59: {  	_ =	shalt  }
0x5a: {  	_ =	shalt  }
0x5b: {  	_ =	shalt  }
0x5c: {  	_ =	shalt  }
0x5d: {  	_ =	shalt  }
0x5e: {  	_ =	shalt  }
0x5f: {  	_ =	shalt  }
0x60: {  	_ =	shalt  }
0x61: {  	_ =	shalt  }
0x62: {  	_ =	shalt  }
0x63: {  	_ =	shalt  }
0x64: {  	_ =	shalt  }
0x65: {  	_ =	shalt  }
0x66: {  	_ =	shalt  }
0x67: {  	_ =	shalt  }
0x68: {  	_ =	shalt  }
0x69: {  	_ =	shalt  }
0x6a: {  	_ =	shalt  }
0x6b: {  	_ =	shalt  }
0x6c: {  	_ =	shalt  }
0x6d: {  	_ =	shalt  }
0x6e: {  	_ =	shalt  }
0x6f: {  	_ =	shalt  }
0x70: {  	_ =	shalt  }
0x71: {  	_ =	shalt  }
0x72: {  	_ =	shalt  }
0x73: {  	_ =	shalt  }
0x74: {  	_ =	shalt  }
0x75: {  	_ =	shalt  }
0x76: {  	_ =	shalt  }
0x77: {  	_ =	shalt  }
0x78: {  	_ =	shalt  }
0x79: {  	_ =	shalt  }
0x7a: {  	_ =	shalt  }
0x7b: {  	_ =	shalt  }
0x7c: {  	_ =	shalt  }
0x7d: {  	_ =	shalt  }
0x7e: {  	_ =	shalt  }
0x7f: {  	_ =	shalt  }
0x80: {  	_ =	shalt  }
0x81: {  	_ =	shalt  }
0x82: {  	_ =	shalt  }
0x83: {  	_ =	shalt  }
0x84: {  	_ =	shalt  }
0x85: {  	_ =	shalt  }
0x86: {  	_ =	shalt  }
0x87: {  	_ =	shalt  }
.Lfunc_end0:
.L_simem_size_0:
called_computation_lowered:
.L_overlay_start_0:
0x88: {  	s2 =	sld [smem:$0x3FD9]  }
0x89: {  	s3 =	sld [smem:$0x3FFE];
	_ =	sdelay $0x1  }
0x8a: {  	s1 =	srdreg.scid  }
0x8b: {  	s0 =	sand.u32 $0x1, s1  }
0x8c: {  	s17 =	sshll.u32 s0, $0xA;
	s2 =	sadd.s32 s3, s2  }
0x8d: {  	s2 =	sadd.s32 s2, s17  }
0x8e: {  	[smem:$0x3FC0] =	sst s2  }
0x8f: {  	_ = 	snop  }
0x90: {  	s2 =	sld [smem:$0x3FC9]  }
0x91: {  	s18 =	sld [smem:$0x3FC8]  }
0x92: {  	s4 =	sld [smem:$0x3FC7]  }
0x93: {  	s5 =	sld [smem:$0x3FC6];
	(tm) =	ssettm $0x1  }
0x94: {  	s6 =	sld [smem:$0x3FFB];
	_ =	sdelay $0x3  }
0x95: {  	_ =	strace s6  }
0x96: {  	s6 =	sld [smem:$0x3FFC];
	_ =	sdelay $0x3  }
0x97: {  	_ =	strace s6  }
0x98: {  	s6 =	sld [smem:$0x3FFD];
	_ =	sdelay $0x3  }
0x99: {  	_ =	strace s6  }
0x9a: {  	_ =	strace $0x8FFFFFFF  }
0x9b: {  	s19 =	sld [smem:$0x3FDB];
	_ =	sdelay $0x1  }
0x9c: {  	s7 =	simm.s32 $_scs_section_size  }
0x9d: {  	s8 =	simm.s32 $_size__tile_overlayer_lowered;
	s9 =	simm.s32 $_tile_overlayer_lowered  }
0x9e: {  	s22 =	simm.s32 $0x1BFF;
	s21 =	sshll.u32 s9, $0x1;
	s6 =	sadd.s32 s7, s19  }
0x9f: {  	s10 =	simm.s32 $0x0;
	s20 =	sshll.u32 s8, $0x1;
	s8 =	sadd.s32 s21, s6  }
0xa0: {  	[timem:s10], [sflag:s22] =	dma.local [hbm:s8], s20  }
0xa1: {  	_ =	swait.ge [sflag:s22], s20  }
0xa2: {  	s7 =	ssub.s32 $0x0, s20;
	[sflag:s22] =	ssyncset.done $0x0  }
0xa3: {  	[sflag:s22] =	ssyncadd.s32 s7;
	_ =	sdelay $0x1  }
0xa4: {  	s23 =	simm.s32 $0x1B8B  }
0xa5: {  	_ =	swait.ge [sflag:s23], $0x1  }
0xa6: {  	[sflag:s23] =	ssyncset.done $0x0  }
0xa7: {  	s25 =	simm.s32 $0x1B8E;
	s24 =	sld [smem:$0x3FFE];
	[sflag:s23] =	ssyncadd.s32 $0xFFFFFFFF  }
0xa8: {  	s26 =	simm.s32 $execute0_lowered;
	[smem:$0x3FD2] =	sst s25  }
0xa9: {  	s8 =	sshll.u32 s26, $0x1;
	_ =	strace $0x80000046;
	[dreg:$0x1] =	wrdreg $0xFFFFFFFF  }
0xaa: {  	s28 =	simm.s32 $_size_execute0_lowered;
	s6 =	sadd.s32 s6, s8;
	[dreg:$0x0] =	wrdreg $0x0  }
0xab: {  	s8 =	sshll.u32 s28, $0x1;
	[dreg:$0x2] =	wrdreg s6  }
0xac: {  	[dreg:$0x3] =	wrdreg s8  }
0xad: {  	[dreg:$0x4] =	wrdreg $0xC0  }
0xae: {  	_ =	task [dreg:s10], $0x5FFFF  }
0xaf: {  	[dreg:$0x1] =	wrdreg $0xFFFFFFFF  }
0xb0: {  	[dreg:$0x0] =	wrdreg $0x60  }
0xb1: {  	[dreg:$0x2] =	wrdreg s2  }
0xb2: {  	[dreg:$0x3] =	wrdreg s4  }
0xb3: {  	[dreg:$0x4] =	wrdreg s18  }
0xb4: {  	[dreg:$0x5] =	wrdreg s5  }
0xb5: {  	[dreg:$0x6] =	wrdreg s24  }
0xb6: {  	[dreg:$0x7] =	wrdreg $0x9  }
0xb7: {  	_ =	task.clear_ibuf [dreg:s10], $0x8FFFF;
	_ =	strace $0x90000046  }
0xb8: {  	s29 =	simm.s32 $0x9;
	_ =	strace $0x80000048  }
0xb9: {  	_ =	swait.ge [sflag:s29], $0x1  }
0xba: {  	[sflag:s29] =	ssyncadd.s32 $0xFFFFFFFF  }
0xbb: {  	_ =	strace $0x90000048  }
0xbc: {  	_ =	sfence  }
0xbd: {  	s30 =	sld [smem:$0x0];
	_ =	sdelay $0x2  }
0xbe: {  	s31 =	sshll.u32 s1, $0xD;
	s1 =	sshrl.u32 s1, $0x2  }
0xbf: {  	s3 =	sand.u32 $0x4000, s31;
	s1 =	sadd.s32 s1, s30  }
0xc0: {  	s0 =	sor.u32 s3, s0;
	s1 =	sshll.u32 s1, $0x11  }
0xc1: {  	s0 =	sor.u32 s1, s0  }
0xc2: {  	s0 =	sadd.s32 $0x8F2B, s0  }
0xc3: {  	[sflag:s0] =	ssyncadd.remote.s32 $0x1  }
0xc4: {  	_ =	sfence.sel $0xFFFF  }
0xc5: {  	[dreg:$0x0] =	wrdreg $0xFFFFFFFF;
	(pc) =	sbr.abs _section_cstart, $3  }
0xc6: {  	[dreg:$0x1] =	wrdreg $0xFFFFFFFF  }
0xc7: {  	_ =	task.clear_ibuf [dreg:s10], $0x2FFFF;
	_ =	strace $0x9FFFFFFF  }
0xc8: {  	(tm) =	ssettm $0x7FFFFFFF  }
0xc9: {  	_ =	shalt  }
tec
execute0_lowered:
.L_overlay_start_1:
0x0: {  	(tag) =	ssettag $0x1  }
0x1: {  	s2 =	rddreg [dreg:$0x1]  }
0x2: {  	s4 =	rddreg [dreg:$0x2]  }
0x3: {  	s5 =	rddreg [dreg:$0x3]  }
0x4: {  	s9 =	rddreg [dreg:$0x4];
	s1 =	srdreg.scid  }
0x5: {  	s0 =	stileid.u32;
	s7 =	simm.s32 $0x0;
	s13 =	simm.s32 $0xB180  }
0x6: {  	s14 =	simm.s32 $0xD180;
	s15 =	simm.s32 $0x3180;
	s16 =	simm.s32 $0x5180  }
0x7: {  	s17 =	simm.s32 $0x5;
	s18 =	simm.s32 $0x6;
	s19 =	simm.s32 $0xC180  }
0x8: {  	s20 =	simm.s32 $0xE180;
	s21 =	simm.s32 $0x1;
	s22 =	simm.s32 $0x2  }
0x9: {  	s23 =	simm.s32 $0x2100;
	s1 =	sand.u32 $0x1, s1;
	s3 =	sshll.u32 s0, $0x1  }
0xa: {  	s24 =	simm.s32 $0x1080;
	s25 =	simm.s32 $0x3;
	s3 =	sor.u32 s1, s3  }
0xb: {  	s26 =	simm.s32 $0x4;
	s1 =	ssub.s32 $0x2, s1;
	s6 =	sshll.u32 s3, $0x4  }
0xc: {  	[smem:$0x7FF] =	sst s7;
	s8 =	sshrl.u32 s1, $0x1;
	s6 =	sadd.s32 s6, s9  }
0xd: {  	_ =	strace $0x80000047;
	s1 =	ssub.s32 s1, s8;
	s30 =	sadd.s32 $0x800, s6  }
0xe: {  	s8 =	sshll.u32 s3, $0x3;
	s31 =	smax.u32 s1, $0x1;
	[dreg:$0x6] =	wrdreg s30  }
0xf: {  	v0 =	vimm.s32 $0x0;
	s3 =	simm.s32 $0x7;
	s1 =	simm.s32 $0x0;
	[dreg:$0x7] =	wrdreg s31  }
.LBB2_1:
0x10: {  	[dreg:$0x8] =	wrdreg s1  }
0x11: {  	s0 =	rddreg [dreg:$0x4];
	s31 =	simm.s32 $0x7180  }
0x12: {  	[tilespmem:s31], [sflag:$0x7] =	stream.linear.gather [hbm4b:s0+s7], $0x4000, $0x38;
	[tilespmem:$0xF200] =	vst v63  }
0x13: {  	_ =	swait.ge [sflag:s3], $0x4000  }
0x14: {  	[sflag:s3] =	ssyncset.done $0x0  }
0x15: {  	v1 =	vimm.f32 $0.0e+00;
	v2 =	vimm.f32 $0.0e+00;
	s30 =	simm.s32 $0x0;
	[sflag:s3] =	ssyncadd.s32 $0xFFFFC000  }
.LBB2_2:
0x16: {  	s3 =	sadd.s32 s8, s30  }
0x17: {  	s31 =	sshll.u32 s3, $0xC  }
0x18: {  	s1 =	simm.s32 $0x0;
	s6 =	sadd.s32 s4, s31  }
0x19: {  	[tilespmem:s13], [sflag:$0x1] =	stream.linear.gather [hbm4b:s6+s1], $0x1000, $0x38;
	[tilespmem:$0xF200] =	vst v63  }
0x1a: {  	s0 =	rddreg [dreg:$0x0];
	s3 =	sshll.u32 s3, $0xA;
	s10 =	sadd.s32 s5, s31  }
0x1b: {  	[tilespmem:s14], [sflag:$0x2] =	stream.linear.gather [hbm4b:s10+s1], $0x1000, $0x38;
	[tilespmem:$0xF200] =	vst v63  }
0x1c: {  	s11 =	sadd.s32 s0, s3  }
0x1d: {  	[tilespmem:s15], [sflag:$0x5] =	stream.linear.gather [hbm4b:s11+s1], $0x2000, $0x38;
	[tilespmem:$0xF200] =	vst v63  }
0x1e: {  	s3 =	sadd.s32 s2, s3  }
0x1f: {  	[tilespmem:s16], [sflag:$0x6] =	stream.linear.gather [hbm4b:s3+s1], $0x2000, $0x38;
	[tilespmem:$0xF200] =	vst v63  }
0x20: {  	_ =	swait.ge [sflag:s17], $0x2000  }
0x21: {  	[sflag:s17] =	ssyncset.done $0x0  }
0x22: {  	[sflag:s17] =	ssyncadd.s32 $0xFFFFE000  }
0x23: {  	_ =	swait.ge [sflag:s18], $0x2000  }
0x24: {  	s12 =	sand.u32 $0x1F00, s1;
	s29 =	sand.u32 $0x70, s1;
	[sflag:s18] =	ssyncset.done $0x0  }
0x25: {  	s3 =	sor.u32 s29, s12;
	[sflag:s18] =	ssyncadd.s32 $0xFFFFE000  }
0x26: {  	v4 =	vld [tilespmem:s3+$0x3200]  }
0x27: {  	v5 =	vld [tilespmem:s3+$0x5180]  }
0x28: {  	v6 =	vld [tilespmem:s3+$0x5200];
	_ =	sdelay $0x1  }
0x29: {  	v7 =	vld [tilespmem:s3+$0x3180];
	_ =	sdelay $0x1  }
0x2a: {  	v3 =	vadd.s32 $0x8000, v4  }
0x2b: {  	v8 =	vadd.f32 v5, v5;
	v5 =	vadd.s32 $0x8000, v5;
	v9 =	vadd.f32 v6, v6  }
0x2c: {  	s9 =	simm.s32 $0x1080;
	v3 =	vand.u32 $0xFFFF0000, v3;
	v10 =	vshrl.u32 v5, $0x10;
	v5 =	vadd.s32 $0x8000, v6  }
0x2d: {  	s28 =	simm.s32 $0x2100;
	s6 =	simm.s32 $0x1080;
	s10 =	simm.s32 $0x10;
	v6 =	vsub.f32 v7, v8;
	v7 =	vadd.s32 $0x8000, v7;
	v8 =	vand.u32 $0xFFFF0000, v5  }
0x2e: {  	s11 =	simm.s32 $0x20;
	s12 =	simm.s32 $0x0;
	s3 =	simm.s32 $0x2100;
	v5 =	vsub.f32 v4, v9;
	v7 =	vshrl.u32 v7, $0x10;
	v4 =	vor.u32 v10, v8  }
.LBB2_3:
0x2f: {  	v3 =	vor.u32 v7, v3;
	v6 =	vadd.s32 $0x8000, v6;
	s3 =	sadd.s32 $0x10, s3;
	s6 =	sadd.s32 $0x10, s6;
	s1 =	sadd.s32 $0x10, s1  }
0x30: {  	s29 =	sand.u32 $0x1F00, s11;
	s0 =	sand.u32 $0x70, s10;
	p0 =	sne.s32 s11, $0x1FE0;
	[tilespmem:s12+$0x0] =	vst v3;
	v3 =	vshrl.u32 v6, $0x10;
	v5 =	vadd.s32 $0x8000, v5  }
0x31: {  	s11 =	sadd.s32 $0x20, s11;
	s0 =	sor.u32 s0, s29;
	[tilespmem:s9+$0x0] =	vst v4;
	v4 =	vand.u32 $0xFFFF0000, v5;
	s9 =	smov.u32 s6  }
0x32: {  	s12 =	smov.u32 s1;
	v3 =	vor.u32 v3, v4  }
0x33: {  	[tilespmem:s28+$0x0] =	vst v3;
	s28 =	smov.u32 s3  }
0x34: {  	v4 =	vld [tilespmem:s0+$0x3200]  }
0x35: {  	v5 =	vld [tilespmem:s0+$0x5180]  }
0x36: {  	v6 =	vld [tilespmem:s0+$0x5200]  }
0x37: {  	v7 =	vld [tilespmem:s0+$0x3180];
	_ =	sdelay $0x1  }
.Ltmp0:
0x38: {  	v3 =	vadd.s32 $0x8000, v4;
	(pc) =	sbr.rel @p0 .LBB2_3-.Ltmp0, $4  }
0x39: {  	v8 =	vadd.f32 v5, v5;
	v3 =	vand.u32 $0xFFFF0000, v3;
	v5 =	vadd.s32 $0x8000, v5  }
0x3a: {  	v9 =	vadd.f32 v6, v6;
	v10 =	vshrl.u32 v5, $0x10;
	v5 =	vadd.s32 $0x8000, v6  }
0x3b: {  	v6 =	vsub.f32 v7, v8;
	v7 =	vadd.s32 $0x8000, v7;
	v8 =	vand.u32 $0xFFFF0000, v5  }
0x3c: {  	s10 =	sadd.s32 $0x10, s10;
	v5 =	vsub.f32 v4, v9;
	v7 =	vshrl.u32 v7, $0x10;
	v4 =	vor.u32 v10, v8  }
0x3d: {  	_ = 	snop  }
0x3e: {  	v3 =	vor.u32 v7, v3;
	v6 =	vadd.s32 $0x8000, v6;
	v5 =	vadd.s32 $0x8000, v5  }
0x3f: {  	[tilespmem:s12+$0x0] =	vst v3;
	v3 =	vshrl.u32 v6, $0x10;
	v5 =	vand.u32 $0xFFFF0000, v5  }
0x40: {  	[tilespmem:s9+$0x0] =	vst v4;
	v3 =	vor.u32 v3, v5  }
0x41: {  	[tilespmem:s28+$0x0] =	vst v3  }
0x42: {  	[tilespmem:$0x1000] =	vst v0  }
0x43: {  	s0 =	sor.u32 $0x200, s31;
	[tilespmem:$0x2080] =	vst v0  }
0x44: {  	s3 =	simm.s32 $0x0;
	s1 =	sadd.s32 s4, s0;
	[tilespmem:$0x3100] =	vst v0  }
0x45: {  	[tilespmem:s19], [sflag:$0x3] =	stream.linear.gather [hbm4b:s1+s3], $0x1000, $0x38;
	[tilespmem:$0xF200] =	vst v63  }
0x46: {  	s0 =	sadd.s32 s5, s0  }
0x47: {  	[tilespmem:s20], [sflag:$0x4] =	stream.linear.gather [hbm4b:s0+s3], $0x1000, $0x38;
	[tilespmem:$0xF200] =	vst v63  }
0x48: {  	_ =	swait.ge [sflag:s21], $0x1000  }
0x49: {  	[sflag:s21] =	ssyncset.done $0x0  }
0x4a: {  	[sflag:s21] =	ssyncadd.s32 $0xFFFFF000  }
0x4b: {  	_ =	swait.ge [sflag:s22], $0x1000  }
0x4c: {  	[sflag:s22] =	ssyncset.done $0x0  }
0x4d: {  	s29 =	simm.s32 $0x7190;
	s1 =	simm.s32 $0x10;
	[sflag:s22] =	ssyncadd.s32 $0xFFFFF000  }
0x4e: {  	s3 =	sand.u32 $0xF00, s3;
	s0 =	sand.u32 $0x70, s1;
	v3 =	vld [tilespmem:s29+$0xFFFFFFF0]  }
0x4f: {  	s0 =	sor.u32 s3, s0;
	v4 =	vld [tilespmem:s29+$0x0]  }
0x50: {  	v5 =	vld [tilespmem:s0+$0xD200]  }
0x51: {  	v8 =	vld [tilespmem:s0+$0xB180]  }
0x52: {  	s6 =	simm.s32 $0x0;
	v9 =	vld [tilespmem:s0+$0xB200]  }
0x53: {  	v10 =	vld [tilespmem:s0+$0xD180];
	s0 =	sand.u32 $0x60, s6  }
0x54: {  	s0 =	sor.u32 s0, s3  }
0x55: {  	v14 =	vld [tilespmem:s0+$0xD200]  }
0x56: {  	v16 =	vld [tilespmem:s0+$0xB200]  }
0x57: {  	v7 =	vshra.s32 v3, $0x10  }
0x58: {  	v6 =	vshra.s32 v4, $0x10;
	_ =	sdelay $0x1  }
0x59: {  	s9 =	simm.s32 $0x71B0;
	v11 =	vand.u32 $0xFFFF, v4  }
0x5a: {  	v3 =	vand.u32 $0xFFFF, v3;
	v4 =	vsub.f32 v9, v5;
	v5 =	vsub.f32 v16, v14;
	v16 =	vld [tilespmem:s9+$0x0]  }
0x5b: {  	v12 =	vld.idx.msk [tilespmem:v7+s24+$0x0], $0xffff  }
0x5c: {  	v13 =	vld.idx.msk [tilespmem:v6+s24+$0x0], $0xffff  }
0x5d: {  	v15 =	vld.idx.msk [tilespmem:v6+s7+$0x0], $0xffff  }
0x5e: {  	v17 =	vld.idx.msk [tilespmem:v11+s24+$0x0], $0xffff  }
0x5f: {  	v18 =	vld.idx.msk [tilespmem:v3+s23+$0x0], $0xffff  }
0x60: {  	v3 =	vld.idx.msk [tilespmem:v3+s24+$0x0], $0xffff  }
0x61: {  	v6 =	vsub.f32 v8, v10;
	v8 =	vld.idx.msk [tilespmem:v11+s23+$0x0], $0xffff;
	v31 =	vshra.s32 v16, $0x10  }
0x62: {  	v7 =	vld.idx.msk [tilespmem:v7+s7+$0x0], $0xffff;
	v16 =	vand.u32 $0xFFFF, v16;
	v9 =	vshll.u32 v12, $0x10;
	v10 =	vand.u32 $0xFFFF0000, v12  }
0x63: {  	v12 =	vshll.u32 v15, $0x10;
	v14 =	vand.u32 $0xFFFF0000, v15;
	v15 =	vand.u32 $0xFFFF0000, v17  }
0x64: {  	s10 =	simm.s32 $0x30;
	s6 =	simm.s32 $0x40;
	v11 =	vld [tilespmem:s9+$0xFFFFFFF0];
	v17 =	vshll.u32 v17, $0x10;
	v19 =	vand.u32 $0xFFFF0000, v13;
	v13 =	vshll.u32 v13, $0x10  }
0x65: {  	s6 =	sand.u32 $0xF00, s6;
	s3 =	sand.u32 $0x70, s10;
	v22 =	vshll.u32 v18, $0x10;
	v23 =	vand.u32 $0xFFFF0000, v3;
	v18 =	vand.u32 $0xFFFF0000, v18  }
0x66: {  	s11 =	sor.u32 s6, s3;
	v34 =	vld [tilespmem:s0+$0xD180];
	v27 =	vshll.u32 v3, $0x10;
	v28 =	vand.u32 $0xFFFF0000, v8;
	v20 =	vmul.f32 v14, v15  }
0x67: {  	v25 =	vld [tilespmem:s11+$0xB200];
	v32 =	vshll.u32 v7, $0x10;
	v21 =	vmul.f32 v14, v17;
	v24 =	vmul.f32 v10, v22  }
0x68: {  	v26 =	vld [tilespmem:s11+$0xB180];
	v33 =	vand.u32 $0xFFFF0000, v7;
	v7 =	vmul.f32 v9, v18;
	v9 =	vmul.f32 v9, v22  }
0x69: {  	v29 =	vshra.s32 v11, $0x10;
	v14 =	vld [tilespmem:s11+$0xD200];
	v17 =	vmul.f32 v12, v17;
	v10 =	vmul.f32 v10, v18  }
0x6a: {  	v30 =	vld [tilespmem:s11+$0xD180];
	v11 =	vand.u32 $0xFFFF, v11;
	v18 =	vmul.f32 v32, v23;
	v23 =	vmul.f32 v33, v23  }
0x6b: {  	v8 =	vshll.u32 v8, $0x10;
	v22 =	vld [tilespmem:s0+$0xB180];
	v12 =	vmul.f32 v12, v15;
	v15 =	vmul.f32 v33, v27  }
0x6c: {  	s12 =	simm.s32 $0x20;
	v59 =	vmul.f32 v19, v28;
	v61 =	vld.idx.msk [tilespmem:v16+s24+$0x0], $0xffff;
	v20 =	vadd.f32 v20, v17;
	v17 =	vmul.f32 v32, v27  }
0x6d: {  	s29 =	sand.u32 $0x60, s12;
	v9 =	vadd.f32 v10, v9;
	v10 =	vmul.f32 v13, v8;
	v27 =	vld.idx.msk [tilespmem:v31+s7+$0x0], $0xffff;
	v62 =	vsub.f32 v12, v21  }
0x6e: {  	s1 =	sor.u32 s29, s6;
	v8 =	vmul.f32 v19, v8;
	v3 =	vsub.f32 v25, v14;
	v14 =	vsub.f32 v7, v24;
	v24 =	vld.idx.msk [tilespmem:v29+s24+$0x0], $0xffff  }
0x6f: {  	v13 =	vmul.f32 v13, v28;
	v21 =	vsub.f32 v18, v15;
	v23 =	vadd.f32 v23, v17;
	v25 =	vld [tilespmem:s1+$0xD200]  }
0x70: {  	v10 =	vadd.f32 v59, v10;
	v7 =	vsub.f32 v26, v30;
	v26 =	vld [tilespmem:s1+$0xB200]  }
0x71: {  	v17 =	vld.idx.msk [tilespmem:v31+s24+$0x0], $0xffff;
	v15 =	vsub.f32 v13, v8;
	v60 =	vsub.f32 v22, v34  }
0x72: {  	v19 =	vld.idx.msk [tilespmem:v11+s23+$0x0], $0xffff;
	v63 =	vadd.f32 v9, v23;
	v22 =	vadd.f32 v10, v20  }
0x73: {  	v18 =	vld.idx.msk [tilespmem:v11+s24+$0x0], $0xffff;
	v20 =	vadd.f32 v15, v62;
	v15 =	vshll.u32 v61, $0x10;
	v10 =	vand.u32 $0xFFFF0000, v61  }
0x74: {  	s28 =	simm.s32 $0x50;
	v13 =	vld.idx.msk [tilespmem:v16+s23+$0x0], $0xffff;
	v8 =	vshll.u32 v27, $0x10;
	v23 =	vand.u32 $0xFFFF0000, v27;
	v12 =	vshll.u32 v24, $0x10  }
0x75: {  	s3 =	simm.s32 $0x2;
	s6 =	simm.s32 $0x80;
	s11 =	simm.s32 $0x71D0;
	v16 =	vld.idx.msk [tilespmem:v29+s7+$0x0], $0xffff;
	v11 =	vand.u32 $0xFFFF0000, v24;
	v9 =	vsub.f32 v26, v25;
	v24 =	vsub.f32 v60, v63  }
.LBB2_5:
0x76: {  	s9 =	sand.u32 $0xF00, s6;
	v25 =	vld [tilespmem:s11+$0xFFFFFFF0];
	s0 =	sand.u32 $0x70, s28;
	s3 =	sadd.s32 $0x2, s3;
	v26 =	vand.u32 $0xFFFF0000, v17;
	v27 =	vmul.f32 v23, v10;
	v14 =	vadd.f32 v14, v21  }
0x77: {  	v28 =	vshll.u32 v17, $0x10;
	v23 =	vmul.f32 v23, v15;
	v17 =	vsub.f32 v6, v22;
	v6 =	vmovc v7;
	v21 =	vld [tilespmem:s11+$0x0];
	s0 =	sor.u32 s9, s0;
	p0 =	slt.u32 s3, $0x7E  }
0x78: {  	v22 =	vshll.u32 v19, $0x10;
	v29 =	vand.u32 $0xFFFF0000, v18;
	v24 =	vmul.f32 v24, v24;
	v7 =	vld [tilespmem:s0+$0xD200]  }
0x79: {  	v19 =	vand.u32 $0xFFFF0000, v19;
	v31 =	vmul.f32 v11, v22;
	v14 =	vsub.f32 v5, v14;
	v5 =	vmovc v9;
	v30 =	vld [tilespmem:s0+$0xB180]  }
0x7a: {  	v18 =	vshll.u32 v18, $0x10;
	v32 =	vand.u32 $0xFFFF0000, v13;
	v2 =	vadd.f32 v24, v2;
	v9 =	vld [tilespmem:s0+$0xB200]  }
0x7b: {  	v20 =	vsub.f32 v4, v20;
	v4 =	vmovc v3;
	v24 =	vshra.s32 v25, $0x10;
	v25 =	vand.u32 $0xFFFF, v25;
	v33 =	vld [tilespmem:s0+$0xD180]  }
0x7c: {  	v34 =	vshra.s32 v21, $0x10;
	v35 =	vand.u32 $0xFFFF, v21;
	v21 =	vshll.u32 v16, $0x10  }
0x7d: {  	v22 =	vmul.f32 v12, v22;
	v36 =	vmul.f32 v17, v17;
	v16 =	vand.u32 $0xFFFF0000, v16  }
0x7e: {  	v15 =	vmul.f32 v8, v15;
	v12 =	vmul.f32 v12, v19;
	v13 =	vshll.u32 v13, $0x10;
	v37 =	vld [tilespmem:s1+$0xD180]  }
0x7f: {  	s0 =	sadd.s32 $0xFFFFFFF0, s28;
	v3 =	vsub.f32 v9, v7;
	v7 =	vmul.f32 v11, v19;
	v9 =	vld [tilespmem:s1+$0xB180];
	v11 =	vmul.f32 v14, v14  }
0x80: {  	v15 =	vadd.f32 v27, v15;
	s0 =	sand.u32 $0x60, s0;
	v14 =	vsub.f32 v12, v31;
	v12 =	vmul.f32 v21, v29;
	v38 =	vld.idx.msk [tilespmem:v24+s24+$0x0], $0xffff  }
0x81: {  	v27 =	vmul.f32 v28, v13;
	s1 =	sor.u32 s0, s9;
	v19 =	vmul.f32 v21, v18;
	v17 =	vld.idx.msk [tilespmem:v34+s24+$0x0], $0xffff;
	v22 =	vadd.f32 v7, v22  }
0x82: {  	v8 =	vmul.f32 v8, v10;
	v21 =	vmul.f32 v16, v29;
	v1 =	vadd.f32 v11, v1;
	v31 =	vld [tilespmem:s1+$0xD200]  }
0x83: {  	v7 =	vsub.f32 v30, v33;
	v11 =	vmul.f32 v16, v18;
	v16 =	vmul.f32 v20, v20;
	v10 =	vld.idx.msk [tilespmem:v34+s7+$0x0], $0xffff  }
0x84: {  	v2 =	vadd.f32 v36, v2;
	v29 =	vadd.f32 v21, v19;
	v30 =	vmul.f32 v26, v32;
	v20 =	vld [tilespmem:s1+$0xB200]  }
0x85: {  	v34 =	vsub.f32 v9, v37;
	v9 =	vmul.f32 v26, v13;
	v26 =	vsub.f32 v8, v23;
	v33 =	vld.idx.msk [tilespmem:v35+s24+$0x0], $0xffff  }
0x86: {  	v21 =	vsub.f32 v12, v11;
	v1 =	vadd.f32 v16, v1;
	v8 =	vmul.f32 v28, v32;
	v19 =	vld.idx.msk [tilespmem:v25+s23+$0x0], $0xffff  }
.Ltmp1:
0x87: {  	v18 =	vld.idx.msk [tilespmem:v25+s24+$0x0], $0xffff;
	v25 =	vadd.f32 v22, v29;
	v22 =	vadd.f32 v30, v27;
	(pc) =	sbr.rel @p0 .LBB2_5-.Ltmp1, $4  }
0x88: {  	v12 =	vshll.u32 v38, $0x10;
	v11 =	vand.u32 $0xFFFF0000, v38;
	v27 =	vsub.f32 v8, v9;
	v13 =	vld.idx.msk [tilespmem:v35+s23+$0x0], $0xffff  }
0x89: {  	v16 =	vld.idx.msk [tilespmem:v24+s7+$0x0], $0xffff;
	v9 =	vsub.f32 v20, v31;
	v22 =	vadd.f32 v22, v15  }
0x8a: {  	v8 =	vshll.u32 v10, $0x10;
	v23 =	vand.u32 $0xFFFF0000, v10;
	v20 =	vadd.f32 v27, v26  }
0x8b: {  	s6 =	sadd.s32 $0x40, s6;
	s11 =	sadd.s32 $0x20, s11;
	s28 =	sadd.s32 $0x20, s28;
	v24 =	vsub.f32 v34, v25;
	v15 =	vshll.u32 v33, $0x10;
	v10 =	vand.u32 $0xFFFF0000, v33  }
0x8c: {  	s0 =	sor.u32 $0x400, s31  }
0x8d: {  	v25 =	vld [tilespmem:s1+$0xD180];
	s3 =	simm.s32 $0x0;
	s10 =	sadd.s32 s4, s0  }
0x8e: {  	v26 =	vld [tilespmem:s1+$0xB180];
	[tilespmem:s13], [sflag:$0x1] =	stream.linear.gather [hbm4b:s10+s3], $0x1000, $0x38  }
0x8f: {  	s0 =	sadd.s32 s5, s0  }
0x90: {  	v27 =	vand.u32 $0xFFFF0000, v17;
	v28 =	vmul.f32 v23, v10;
	v14 =	vadd.f32 v14, v21;
	[tilespmem:s14], [sflag:$0x2] =	stream.linear.gather [hbm4b:s0+s3], $0x1000, $0x38;
	[tilespmem:$0xF200] =	vst v63  }
0x91: {  	v17 =	vshll.u32 v17, $0x10;
	v21 =	vmul.f32 v23, v15;
	v6 =	vsub.f32 v6, v22;
	_ =	swait.ge [sflag:s25], $0x1000  }
0x92: {  	v22 =	vshll.u32 v19, $0x10;
	v23 =	vand.u32 $0xFFFF0000, v18;
	v15 =	vmul.f32 v8, v15;
	[sflag:s25] =	ssyncset.done $0x0  }
0x93: {  	v19 =	vand.u32 $0xFFFF0000, v19;
	v8 =	vmul.f32 v8, v10;
	v24 =	vmul.f32 v24, v24;
	[sflag:s25] =	ssyncadd.s32 $0xFFFFF000  }
0x94: {  	v4 =	vsub.f32 v4, v20;
	s11 =	sand.u32 $0x780, s3;
	v29 =	vmul.f32 v11, v22;
	v22 =	vmul.f32 v12, v22;
	_ =	swait.ge [sflag:s26], $0x1000  }
0x95: {  	s12 =	sand.u32 $0x60, s3;
	v12 =	vmul.f32 v12, v19;
	v11 =	vmul.f32 v11, v19;
	v5 =	vsub.f32 v5, v14;
	s0 =	sadd.s32 $0x7980, s11;
	[sflag:s26] =	ssyncset.done $0x0  }
0x96: {  	v14 =	vshll.u32 v18, $0x10;
	s9 =	sor.u32 $0x10, s12;
	v18 =	vand.u32 $0xFFFF0000, v13;
	v6 =	vmul.f32 v6, v6;
	s6 =	sor.u32 s12, s0;
	[sflag:s26] =	ssyncadd.s32 $0xFFFFF000  }
0x97: {  	v13 =	vshll.u32 v13, $0x10;
	v15 =	vadd.f32 v28, v15;
	v8 =	vsub.f32 v8, v21;
	s3 =	sand.u32 $0xF00, s3;
	s0 =	sor.u32 s9, s0;
	v20 =	vld [tilespmem:s6+$0x0]  }
0x98: {  	v2 =	vadd.f32 v24, v2;
	v24 =	vshll.u32 v16, $0x10;
	v32 =	vmul.f32 v17, v13;
	s29 =	sor.u32 s12, s3;
	v30 =	vld [tilespmem:s0+$0x0]  }
0x99: {  	v16 =	vand.u32 $0xFFFF0000, v16;
	v13 =	vmul.f32 v27, v13;
	v19 =	vmul.f32 v24, v23;
	v31 =	vld [tilespmem:s29+$0xE180]  }
0x9a: {  	v11 =	vadd.f32 v11, v22;
	v22 =	vmul.f32 v24, v14;
	v23 =	vmul.f32 v16, v23;
	v28 =	vld [tilespmem:s29+$0xC180]  }
0x9b: {  	v12 =	vsub.f32 v12, v29;
	v17 =	vmul.f32 v17, v18;
	v5 =	vmul.f32 v5, v5;
	s10 =	sor.u32 s3, s9;
	v24 =	vld [tilespmem:s29+$0xC200]  }
0x9c: {  	v14 =	vmul.f32 v16, v14;
	v2 =	vadd.f32 v6, v2;
	v16 =	vadd.f32 v23, v22;
	v33 =	vld [tilespmem:s10+$0xE200]  }
0x9d: {  	v6 =	vsub.f32 v26, v25;
	v1 =	vadd.f32 v5, v1;
	v22 =	vmul.f32 v27, v18;
	v5 =	vld [tilespmem:s10+$0xC200]  }
0x9e: {  	s1 =	simm.s32 $0x40;
	v4 =	vmul.f32 v4, v4;
	s11 =	simm.s32 $0x20;
	v13 =	vsub.f32 v17, v13;
	v11 =	vadd.f32 v11, v16;
	v23 =	vld [tilespmem:s10+$0xE180]  }
0x9f: {  	s12 =	sand.u32 $0xF00, s1;
	v14 =	vsub.f32 v19, v14;
	v16 =	vadd.f32 v22, v32;
	v25 =	vld [tilespmem:s10+$0xC180];
	s10 =	sand.u32 $0x60, s11;
	s0 =	sand.u32 $0x780, s11;
	v34 =	vshra.s32 v30, $0x10  }
0xa0: {  	v6 =	vsub.f32 v6, v11;
	v11 =	vadd.f32 v13, v8;
	v22 =	vld [tilespmem:s29+$0xE200];
	s3 =	sor.u32 s10, s12;
	s0 =	sadd.s32 $0x7980, s0;
	v10 =	vand.u32 $0xFFFF, v30  }
0xa1: {  	v12 =	vadd.f32 v12, v14;
	v15 =	vadd.f32 v16, v15;
	v8 =	vld [tilespmem:s3+$0xE180];
	s11 =	sor.u32 s10, s0;
	s10 =	sor.u32 $0x10, s10  }
0xa2: {  	v1 =	vadd.f32 v4, v1;
	v3 =	vsub.f32 v3, v11;
	v11 =	vld [tilespmem:s3+$0xC180];
	s0 =	sor.u32 s10, s0  }
0xa3: {  	v9 =	vsub.f32 v9, v12;
	v4 =	vsub.f32 v7, v15;
	v15 =	vld [tilespmem:s0+$0x0]  }
0xa4: {  	v6 =	vmul.f32 v6, v6;
	v19 =	vld.idx.msk [tilespmem:v34+s7+$0x0], $0xffff  }
0xa5: {  	v7 =	vmul.f32 v9, v9;
	v29 =	vshra.s32 v20, $0x10;
	v14 =	vld.idx.msk [tilespmem:v10+s23+$0x0], $0xffff  }
0xa6: {  	v6 =	vadd.f32 v6, v2;
	v9 =	vand.u32 $0xFFFF, v20;
	v10 =	vld.idx.msk [tilespmem:v10+s24+$0x0], $0xffff  }
0xa7: {  	v4 =	vmul.f32 v4, v4;
	v7 =	vadd.f32 v7, v1;
	v3 =	vmul.f32 v3, v3;
	v12 =	vld.idx.msk [tilespmem:v34+s24+$0x0], $0xffff  }
0xa8: {  	v13 =	vld [tilespmem:s11+$0x0]  }
0xa9: {  	v2 =	vld [tilespmem:s3+$0xC200];
	v1 =	vadd.f32 v4, v6;
	v4 =	vadd.f32 v3, v7  }
0xaa: {  	v35 =	vshra.s32 v15, $0x10;
	v27 =	vld.idx.msk [tilespmem:v29+s7+$0x0], $0xffff;
	v3 =	vshll.u32 v19, $0x10;
	v7 =	vshll.u32 v14, $0x10  }
0xab: {  	v18 =	vld.idx.msk [tilespmem:v9+s24+$0x0], $0xffff;
	v16 =	vshll.u32 v10, $0x10;
	v14 =	vand.u32 $0xFFFF0000, v14;
	v20 =	vand.u32 $0xFFFF0000, v10  }
0xac: {  	v17 =	vld.idx.msk [tilespmem:v9+s23+$0x0], $0xffff;
	v21 =	vand.u32 $0xFFFF0000, v12;
	v12 =	vshll.u32 v12, $0x10;
	v26 =	vand.u32 $0xFFFF0000, v19  }
0xad: {  	s29 =	sor.u32 s12, s10;
	v29 =	vld.idx.msk [tilespmem:v29+s24+$0x0], $0xffff;
	v10 =	vshra.s32 v13, $0x10;
	v9 =	vmul.f32 v21, v14;
	v19 =	vmul.f32 v26, v20  }
0xae: {  	v36 =	vld [tilespmem:s29+$0xC200];
	v6 =	vsub.f32 v5, v33;
	v62 =	vmul.f32 v12, v7;
	v63 =	vmul.f32 v3, v16  }
0xaf: {  	v30 =	vld [tilespmem:s29+$0xE200];
	v5 =	vmul.f32 v12, v14;
	v12 =	vand.u32 $0xFFFF, v15;
	v14 =	vmul.f32 v21, v7  }
0xb0: {  	v3 =	vmul.f32 v3, v20;
	v20 =	vld [tilespmem:s29+$0xC180];
	v15 =	vadd.f32 v9, v62;
	v21 =	vadd.f32 v19, v63  }
0xb1: {  	v23 =	vsub.f32 v25, v23;
	v26 =	vmul.f32 v26, v16;
	v16 =	vld.idx.msk [tilespmem:v35+s7+$0x0], $0xffff  }
0xb2: {  	v25 =	vand.u32 $0xFFFF0000, v29;
	v7 =	vsub.f32 v28, v31;
	v21 =	vadd.f32 v15, v21;
	v15 =	vld.idx.msk [tilespmem:v10+s7+$0x0], $0xffff  }
0xb3: {  	v19 =	vld [tilespmem:s29+$0xE180];
	v9 =	vand.u32 $0xFFFF0000, v27;
	v5 =	vsub.f32 v5, v14;
	v14 =	vand.u32 $0xFFFF, v13  }
0xb4: {  	v28 =	vsub.f32 v3, v26;
	v13 =	vsub.f32 v24, v22;
	v26 =	vshll.u32 v29, $0x10;
	v22 =	vld.idx.msk [tilespmem:v12+s24+$0x0], $0xffff  }
0xb5: {  	v27 =	vshll.u32 v27, $0x10;
	v3 =	vsub.f32 v23, v21;
	v23 =	vld.idx.msk [tilespmem:v12+s23+$0x0], $0xffff;
	v21 =	vand.u32 $0xFFFF0000, v18  }
0xb6: {  	s28 =	simm.s32 $0x40;
	s11 =	simm.s32 $0x2;
	v24 =	vld.idx.msk [tilespmem:v35+s24+$0x0], $0xffff;
	v12 =	vadd.f32 v5, v28;
	v5 =	vsub.f32 v36, v30;
	v28 =	vand.u32 $0xFFFF0000, v17  }
.LBB2_7:
0xb7: {  	s0 =	sand.u32 $0x780, s28;
	s11 =	sadd.s32 $0x2, s11;
	v29 =	vsub.f32 v11, v8;
	s1 =	sadd.s32 $0x40, s1;
	v11 =	vshll.u32 v18, $0x10;
	v18 =	vmul.f32 v26, v28;
	v30 =	vmovc v15  }
0xb8: {  	s9 =	sand.u32 $0x60, s28;
	v15 =	vshll.u32 v16, $0x10;
	v31 =	vsub.f32 v20, v19;
	v17 =	vshll.u32 v17, $0x10;
	s6 =	sand.u32 $0xF00, s1;
	s0 =	sadd.s32 $0x7980, s0  }
0xb9: {  	v20 =	vmul.f32 v25, v28;
	v19 =	vand.u32 $0xFFFF0000, v30;
	v28 =	vmul.f32 v9, v11;
	s10 =	sor.u32 s9, s0;
	s12 =	sor.u32 s9, s6;
	s9 =	sor.u32 $0x10, s9  }
0xba: {  	p0 =	slt.u32 s11, $0x7E;
	v32 =	vshll.u32 v23, $0x10;
	v34 =	vmul.f32 v27, v11;
	v33 =	vshll.u32 v22, $0x10;
	v8 =	vld [tilespmem:s12+$0xE180];
	s0 =	sor.u32 s9, s0  }
0xbb: {  	v23 =	vand.u32 $0xFFFF0000, v23;
	v26 =	vmul.f32 v26, v17;
	v17 =	vmul.f32 v25, v17;
	v11 =	vld [tilespmem:s12+$0xC180]  }
0xbc: {  	v27 =	vmul.f32 v27, v21;
	v22 =	vand.u32 $0xFFFF0000, v22;
	v35 =	vand.u32 $0xFFFF0000, v24;
	v25 =	vld [tilespmem:s12+$0xC200]  }
0xbd: {  	v21 =	vmul.f32 v9, v21;
	v9 =	vmovc v19;
	v24 =	vshll.u32 v24, $0x10;
	v37 =	vsub.f32 v18, v17;
	v36 =	vld [tilespmem:s10+$0x0]  }
0xbe: {  	v20 =	vadd.f32 v20, v26;
	v17 =	vmul.f32 v24, v23;
	v38 =	vmul.f32 v35, v32;
	v19 =	vld [tilespmem:s0+$0x0]  }
0xbf: {  	v16 =	vand.u32 $0xFFFF0000, v16;
	v27 =	vsub.f32 v27, v28;
	v23 =	vmul.f32 v35, v23;
	v26 =	vld [tilespmem:s3+$0xE200];
	s3 =	smov.u32 s12  }
0xc0: {  	v28 =	vmul.f32 v16, v22;
	v21 =	vadd.f32 v21, v34;
	v35 =	vsub.f32 v17, v38;
	v18 =	vld.idx.msk [tilespmem:v14+s24+$0x0], $0xffff  }
0xc1: {  	v24 =	vmul.f32 v24, v32;
	v32 =	vmul.f32 v15, v33;
	v27 =	vadd.f32 v37, v27;
	s0 =	sor.u32 s6, s9;
	v17 =	vld.idx.msk [tilespmem:v14+s23+$0x0], $0xffff  }
0xc2: {  	v20 =	vadd.f32 v20, v21;
	v34 =	vshra.s32 v36, $0x10;
	v14 =	vand.u32 $0xFFFF, v36;
	v36 =	vld [tilespmem:s0+$0xE200]  }
0xc3: {  	v21 =	vadd.f32 v23, v24;
	v13 =	vsub.f32 v13, v27;
	v37 =	vshra.s32 v19, $0x10;
	v38 =	vld [tilespmem:s0+$0xC200]  }
0xc4: {  	v23 =	vadd.f32 v28, v32;
	v28 =	vsub.f32 v7, v20;
	v7 =	vmovc v29;
	v24 =	vand.u32 $0xFFFF, v19;
	v27 =	vld.idx.msk [tilespmem:v10+s24+$0x0], $0xffff  }
0xc5: {  	v12 =	vsub.f32 v6, v12;
	v22 =	vmul.f32 v15, v22;
	v13 =	vmul.f32 v13, v13;
	v10 =	vmovc v34;
	v19 =	vld [tilespmem:s0+$0xE180]  }
0xc6: {  	v6 =	vmovc v5;
	v21 =	vadd.f32 v21, v23;
	v23 =	vmul.f32 v28, v28;
	v28 =	vmul.f32 v3, v3;
	v20 =	vld [tilespmem:s0+$0xC180]  }
0xc7: {  	v12 =	vmul.f32 v12, v12;
	v5 =	vmul.f32 v16, v33;
	v4 =	vadd.f32 v13, v4;
	v15 =	vld.idx.msk [tilespmem:v34+s7+$0x0], $0xffff  }
.Ltmp2:
0xc8: {  	v3 =	vsub.f32 v31, v21;
	v1 =	vadd.f32 v23, v1;
	v16 =	vld.idx.msk [tilespmem:v37+s7+$0x0], $0xffff;
	(pc) =	sbr.rel @p0 .LBB2_7-.Ltmp2, $4  }
0xc9: {  	v5 =	vsub.f32 v22, v5;
	v4 =	vadd.f32 v12, v4;
	v23 =	vld.idx.msk [tilespmem:v24+s23+$0x0], $0xffff  }
0xca: {  	v13 =	vsub.f32 v2, v26;
	v1 =	vadd.f32 v28, v1;
	v2 =	vmovc v25;
	v21 =	vand.u32 $0xFFFF0000, v18;
	v22 =	vld.idx.msk [tilespmem:v24+s24+$0x0], $0xffff  }
0xcb: {  	v12 =	vadd.f32 v35, v5;
	v26 =	vshll.u32 v27, $0x10;
	v25 =	vand.u32 $0xFFFF0000, v27;
	v24 =	vld.idx.msk [tilespmem:v37+s24+$0x0], $0xffff  }
0xcc: {  	s28 =	sadd.s32 $0x20, s28;
	v28 =	vand.u32 $0xFFFF0000, v17;
	v5 =	vsub.f32 v38, v36;
	v27 =	vshll.u32 v30, $0x10  }
0xcd: {  	_ =	sdelay $0x1  }
0xce: {  	v8 =	vsub.f32 v11, v8  }
0xcf: {  	v29 =	vld [tilespmem:s3+$0xE200];
	v11 =	vshll.u32 v18, $0x10;
	v18 =	vmul.f32 v26, v28;
	v31 =	vshll.u32 v16, $0x10  }
0xd0: {  	v30 =	vld.idx.msk [tilespmem:v14+s24+$0x0], $0xffff;
	v17 =	vshll.u32 v17, $0x10;
	v28 =	vmul.f32 v25, v28;
	s0 =	sor.u32 $0x600, s31;
	v16 =	vand.u32 $0xFFFF0000, v16  }
0xd1: {  	v14 =	vld.idx.msk [tilespmem:v14+s23+$0x0], $0xffff;
	s10 =	simm.s32 $0x0;
	v6 =	vsub.f32 v6, v12;
	v32 =	vmul.f32 v9, v11;
	s1 =	sadd.s32 s4, s0;
	v11 =	vmul.f32 v27, v11  }
0xd2: {  	v10 =	vld.idx.msk [tilespmem:v10+s24+$0x0], $0xffff;
	v33 =	vshll.u32 v23, $0x10;
	v26 =	vmul.f32 v26, v17;
	v17 =	vmul.f32 v25, v17;
	[tilespmem:s19], [sflag:$0x3] =	stream.linear.gather [hbm4b:s1+s10], $0x1000, $0x38  }
0xd3: {  	v23 =	vand.u32 $0xFFFF0000, v23;
	v25 =	vmul.f32 v27, v21;
	s0 =	sadd.s32 s5, s0;
	v9 =	vmul.f32 v9, v21  }
0xd4: {  	v34 =	vshll.u32 v22, $0x10;
	v22 =	vand.u32 $0xFFFF0000, v22;
	v27 =	vand.u32 $0xFFFF0000, v24;
	[tilespmem:s20], [sflag:$0x4] =	stream.linear.gather [hbm4b:s0+s10], $0x1000, $0x38;
	[tilespmem:$0xF200] =	vst v63  }
0xd5: {  	v24 =	vshll.u32 v24, $0x10;
	v17 =	vsub.f32 v18, v17;
	v21 =	vsub.f32 v25, v32;
	_ =	swait.ge [sflag:s21], $0x1000  }
0xd6: {  	v25 =	vadd.f32 v28, v26;
	v26 =	vmul.f32 v16, v22;
	v9 =	vadd.f32 v9, v11;
	[sflag:s21] =	ssyncset.done $0x0  }
0xd7: {  	v18 =	vmul.f32 v24, v23;
	v23 =	vmul.f32 v27, v23;
	v11 =	vadd.f32 v17, v21;
	[sflag:s21] =	ssyncadd.s32 $0xFFFFF000  }
0xd8: {  	s11 =	sand.u32 $0x780, s10;
	v17 =	vsub.f32 v20, v19;
	v19 =	vmul.f32 v24, v33;
	v20 =	vmul.f32 v31, v34;
	_ =	swait.ge [sflag:s22], $0x1000  }
0xd9: {  	s12 =	sand.u32 $0x60, s10;
	v16 =	vmul.f32 v16, v34;
	s0 =	sadd.s32 $0x8180, s11;
	v9 =	vadd.f32 v25, v9;
	v11 =	vsub.f32 v13, v11;
	[sflag:s22] =	ssyncset.done $0x0  }
0xda: {  	s9 =	sor.u32 $0x10, s12;
	v21 =	vmul.f32 v27, v33;
	s6 =	sor.u32 s12, s0;
	v19 =	vadd.f32 v23, v19;
	v20 =	vadd.f32 v26, v20;
	[sflag:s22] =	ssyncadd.s32 $0xFFFFF000  }
0xdb: {  	s3 =	sand.u32 $0xF00, s10;
	s0 =	sor.u32 s9, s0;
	v24 =	vshll.u32 v30, $0x10;
	v7 =	vsub.f32 v7, v9;
	v9 =	vmul.f32 v11, v11;
	v11 =	vld [tilespmem:s6+$0x0]  }
0xdc: {  	s29 =	sor.u32 s12, s3;
	v13 =	vand.u32 $0xFFFF0000, v15;
	v18 =	vsub.f32 v18, v21;
	v12 =	vadd.f32 v19, v20;
	v19 =	vld [tilespmem:s0+$0x0]  }
0xdd: {  	v21 =	vmul.f32 v31, v22;
	v22 =	vand.u32 $0xFFFF0000, v14;
	v20 =	vshll.u32 v10, $0x10;
	v23 =	vld [tilespmem:s29+$0xD180]  }
0xde: {  	s10 =	sor.u32 s3, s9;
	v14 =	vshll.u32 v14, $0x10;
	v10 =	vand.u32 $0xFFFF0000, v10;
	v25 =	vmul.f32 v20, v22;
	v26 =	vld [tilespmem:s29+$0xB180]  }
0xdf: {  	v15 =	vshll.u32 v15, $0x10;
	v22 =	vmul.f32 v10, v22;
	v10 =	vmul.f32 v10, v14;
	v31 =	vld [tilespmem:s10+$0xD200]  }
0xe0: {  	s11 =	simm.s32 $0x20;
	v4 =	vadd.f32 v9, v4;
	v9 =	vand.u32 $0xFFFF0000, v30;
	v30 =	vmul.f32 v13, v24;
	v61 =	vld [tilespmem:s10+$0xB200]  }
0xe1: {  	s1 =	simm.s32 $0x40;
	v16 =	vsub.f32 v21, v16;
	v24 =	vmul.f32 v15, v24;
	v21 =	vld [tilespmem:s10+$0xB180];
	s0 =	sand.u32 $0x780, s11;
	v15 =	vmul.f32 v15, v9  }
0xe2: {  	s12 =	sand.u32 $0xF00, s1;
	v14 =	vmul.f32 v20, v14;
	v9 =	vmul.f32 v13, v9;
	v13 =	vld [tilespmem:s10+$0xD180];
	s10 =	sand.u32 $0x60, s11;
	s0 =	sadd.s32 $0x8180, s0;
	v60 =	vshra.s32 v19, $0x10  }
0xe3: {  	v27 =	vld [tilespmem:s29+$0xB200];
	v10 =	vsub.f32 v25, v10;
	s3 =	sor.u32 s10, s12;
	s11 =	sor.u32 s10, s0;
	s10 =	sor.u32 $0x10, s10;
	v15 =	vsub.f32 v15, v30;
	v19 =	vand.u32 $0xFFFF, v19  }
0xe4: {  	v6 =	vmul.f32 v6, v6;
	v14 =	vadd.f32 v22, v14;
	v22 =	vld [tilespmem:s29+$0xD200];
	v9 =	vadd.f32 v9, v24;
	s29 =	sor.u32 s12, s10  }
0xe5: {  	v2 =	vsub.f32 v2, v29;
	v7 =	vmul.f32 v7, v7;
	v29 =	vld [tilespmem:s29+$0xD200];
	v10 =	vadd.f32 v10, v15  }
0xe6: {  	v4 =	vadd.f32 v6, v4;
	v36 =	vld [tilespmem:s29+$0xB200];
	v9 =	vadd.f32 v14, v9;
	v6 =	vand.u32 $0xFFFF, v11  }
0xe7: {  	v16 =	vadd.f32 v18, v16;
	v2 =	vsub.f32 v2, v10;
	v15 =	vld.idx.msk [tilespmem:v60+s7+$0x0], $0xffff  }
0xe8: {  	v3 =	vmul.f32 v3, v3;
	v1 =	vadd.f32 v7, v1;
	v7 =	vsub.f32 v8, v9;
	v14 =	vld.idx.msk [tilespmem:v19+s23+$0x0], $0xffff  }
0xe9: {  	v5 =	vsub.f32 v5, v16;
	v2 =	vmul.f32 v2, v2;
	v10 =	vld.idx.msk [tilespmem:v19+s24+$0x0], $0xffff  }
0xea: {  	v12 =	vsub.f32 v17, v12;
	v1 =	vadd.f32 v3, v1;
	v3 =	vmul.f32 v7, v7;
	v9 =	vld.idx.msk [tilespmem:v60+s24+$0x0], $0xffff  }
0xeb: {  	v5 =	vmul.f32 v5, v5;
	v18 =	vld.idx.msk [tilespmem:v6+s24+$0x0], $0xffff;
	v4 =	vadd.f32 v2, v4  }
0xec: {  	s0 =	sor.u32 s10, s0;
	v28 =	vshra.s32 v11, $0x10;
	v7 =	vmul.f32 v12, v12;
	v1 =	vadd.f32 v3, v1;
	v3 =	vld [tilespmem:s11+$0x0]  }
0xed: {  	v4 =	vadd.f32 v5, v4;
	v5 =	vld [tilespmem:s0+$0x0]  }
0xee: {  	v17 =	vld.idx.msk [tilespmem:v6+s23+$0x0], $0xffff;
	v6 =	vsub.f32 v61, v31;
	v1 =	vadd.f32 v7, v1;
	v12 =	vshll.u32 v15, $0x10  }
0xef: {  	v11 =	vld [tilespmem:s3+$0xB180];
	v7 =	vshll.u32 v14, $0x10;
	v16 =	vshll.u32 v10, $0x10;
	v14 =	vand.u32 $0xFFFF0000, v14  }
0xf0: {  	v8 =	vld [tilespmem:s3+$0xD180];
	v20 =	vand.u32 $0xFFFF0000, v10;
	v19 =	vand.u32 $0xFFFF0000, v9;
	v9 =	vshll.u32 v9, $0x10  }
0xf1: {  	v30 =	vld.idx.msk [tilespmem:v28+s7+$0x0], $0xffff;
	v15 =	vand.u32 $0xFFFF0000, v15;
	v24 =	vmul.f32 v19, v14;
	v10 =	vshra.s32 v3, $0x10  }
0xf2: {  	v28 =	vld.idx.msk [tilespmem:v28+s24+$0x0], $0xffff;
	v25 =	vmul.f32 v15, v20;
	v62 =	vmul.f32 v9, v7;
	v35 =	vshra.s32 v5, $0x10  }
0xf3: {  	v2 =	vld [tilespmem:s3+$0xB200];
	v63 =	vmul.f32 v12, v16;
	v31 =	vmul.f32 v19, v7;
	v5 =	vand.u32 $0xFFFF, v5  }
0xf4: {  	v19 =	vld [tilespmem:s29+$0xD180];
	v7 =	vsub.f32 v26, v23;
	v12 =	vmul.f32 v12, v20;
	v23 =	vmul.f32 v15, v16  }
0xf5: {  	v14 =	vmul.f32 v9, v14;
	v20 =	vld [tilespmem:s29+$0xB180];
	v24 =	vadd.f32 v24, v62;
	v25 =	vadd.f32 v25, v63  }
0xf6: {  	v13 =	vsub.f32 v21, v13;
	v9 =	vand.u32 $0xFFFF0000, v30;
	v12 =	vsub.f32 v12, v23;
	v15 =	vld.idx.msk [tilespmem:v10+s7+$0x0], $0xffff  }
0xf7: {  	v26 =	vshll.u32 v28, $0x10;
	v21 =	vadd.f32 v24, v25;
	v24 =	vsub.f32 v14, v31;
	v16 =	vld.idx.msk [tilespmem:v35+s7+$0x0], $0xffff  }
0xf8: {  	v14 =	vand.u32 $0xFFFF, v3;
	v25 =	vand.u32 $0xFFFF0000, v28;
	v28 =	vand.u32 $0xFFFF0000, v17;
	v23 =	vld.idx.msk [tilespmem:v5+s23+$0x0], $0xffff  }
0xf9: {  	v3 =	vsub.f32 v13, v21;
	v21 =	vand.u32 $0xFFFF0000, v18;
	v13 =	vsub.f32 v27, v22;
	v22 =	vld.idx.msk [tilespmem:v5+s24+$0x0], $0xffff  }
0xfa: {  	s28 =	simm.s32 $0x40;
	s11 =	simm.s32 $0x2;
	v12 =	vadd.f32 v24, v12;
	v27 =	vshll.u32 v30, $0x10;
	v24 =	vld.idx.msk [tilespmem:v35+s24+$0x0], $0xffff;
	v5 =	vsub.f32 v36, v29  }
.LBB2_9:
0xfb: {  	s0 =	sand.u32 $0x780, s28;
	s11 =	sadd.s32 $0x2, s11;
	v29 =	vsub.f32 v11, v8;
	s1 =	sadd.s32 $0x40, s1;
	v11 =	vshll.u32 v18, $0x10;
	v18 =	vmul.f32 v26, v28;
	v30 =	vmovc v15  }
0xfc: {  	s9 =	sand.u32 $0x60, s28;
	v15 =	vshll.u32 v16, $0x10;
	v31 =	vsub.f32 v20, v19;
	v17 =	vshll.u32 v17, $0x10;
	s6 =	sand.u32 $0xF00, s1;
	s0 =	sadd.s32 $0x8180, s0  }
0xfd: {  	v20 =	vmul.f32 v25, v28;
	v19 =	vand.u32 $0xFFFF0000, v30;
	v28 =	vmul.f32 v9, v11;
	s10 =	sor.u32 s9, s0;
	s12 =	sor.u32 s9, s6;
	s9 =	sor.u32 $0x10, s9  }
0xfe: {  	p0 =	slt.u32 s11, $0x7E;
	v32 =	vshll.u32 v23, $0x10;
	v34 =	vmul.f32 v27, v11;
	v33 =	vshll.u32 v22, $0x10;
	v8 =	vld [tilespmem:s12+$0xD180];
	s0 =	sor.u32 s9, s0  }
0xff: {  	v23 =	vand.u32 $0xFFFF0000, v23;
	v26 =	vmul.f32 v26, v17;
	v17 =	vmul.f32 v25, v17;
	v11 =	vld [tilespmem:s12+$0xB180]  }
0x100: {  	v27 =	vmul.f32 v27, v21;
	v22 =	vand.u32 $0xFFFF0000, v22;
	v35 =	vand.u32 $0xFFFF0000, v24;
	v25 =	vld [tilespmem:s12+$0xB200]  }
0x101: {  	v21 =	vmul.f32 v9, v21;
	v9 =	vmovc v19;
	v24 =	vshll.u32 v24, $0x10;
	v37 =	vsub.f32 v18, v17;
	v36 =	vld [tilespmem:s10+$0x0]  }
0x102: {  	v20 =	vadd.f32 v20, v26;
	v17 =	vmul.f32 v24, v23;
	v38 =	vmul.f32 v35, v32;
	v19 =	vld [tilespmem:s0+$0x0]  }
0x103: {  	v16 =	vand.u32 $0xFFFF0000, v16;
	v27 =	vsub.f32 v27, v28;
	v23 =	vmul.f32 v35, v23;
	v26 =	vld [tilespmem:s3+$0xD200];
	s3 =	smov.u32 s12  }
0x104: {  	v28 =	vmul.f32 v16, v22;
	v21 =	vadd.f32 v21, v34;
	v35 =	vsub.f32 v17, v38;
	v18 =	vld.idx.msk [tilespmem:v14+s24+$0x0], $0xffff  }
0x105: {  	v24 =	vmul.f32 v24, v32;
	v32 =	vmul.f32 v15, v33;
	v27 =	vadd.f32 v37, v27;
	s0 =	sor.u32 s6, s9;
	v17 =	vld.idx.msk [tilespmem:v14+s23+$0x0], $0xffff  }
0x106: {  	v20 =	vadd.f32 v20, v21;
	v34 =	vshra.s32 v36, $0x10;
	v14 =	vand.u32 $0xFFFF, v36;
	v36 =	vld [tilespmem:s0+$0xD200]  }
0x107: {  	v21 =	vadd.f32 v23, v24;
	v13 =	vsub.f32 v13, v27;
	v37 =	vshra.s32 v19, $0x10;
	v38 =	vld [tilespmem:s0+$0xB200]  }
0x108: {  	v23 =	vadd.f32 v28, v32;
	v28 =	vsub.f32 v7, v20;
	v7 =	vmovc v29;
	v24 =	vand.u32 $0xFFFF, v19;
	v27 =	vld.idx.msk [tilespmem:v10+s24+$0x0], $0xffff  }
0x109: {  	v12 =	vsub.f32 v6, v12;
	v22 =	vmul.f32 v15, v22;
	v13 =	vmul.f32 v13, v13;
	v10 =	vmovc v34;
	v19 =	vld [tilespmem:s0+$0xD180]  }
0x10a: {  	v6 =	vmovc v5;
	v21 =	vadd.f32 v21, v23;
	v23 =	vmul.f32 v28, v28;
	v28 =	vmul.f32 v3, v3;
	v20 =	vld [tilespmem:s0+$0xB180]  }
0x10b: {  	v12 =	vmul.f32 v12, v12;
	v5 =	vmul.f32 v16, v33;
	v4 =	vadd.f32 v13, v4;
	v15 =	vld.idx.msk [tilespmem:v34+s7+$0x0], $0xffff  }
.Ltmp3:
0x10c: {  	v3 =	vsub.f32 v31, v21;
	v1 =	vadd.f32 v23, v1;
	v16 =	vld.idx.msk [tilespmem:v37+s7+$0x0], $0xffff;
	(pc) =	sbr.rel @p0 .LBB2_9-.Ltmp3, $4  }
0x10d: {  	v5 =	vsub.f32 v22, v5;
	v4 =	vadd.f32 v12, v4;
	v23 =	vld.idx.msk [tilespmem:v24+s23+$0x0], $0xffff  }
0x10e: {  	v13 =	vsub.f32 v2, v26;
	v1 =	vadd.f32 v28, v1;
	v2 =	vmovc v25;
	v21 =	vand.u32 $0xFFFF0000, v18;
	v22 =	vld.idx.msk [tilespmem:v24+s24+$0x0], $0xffff  }
0x10f: {  	v12 =	vadd.f32 v35, v5;
	v26 =	vshll.u32 v27, $0x10;
	v25 =	vand.u32 $0xFFFF0000, v27;
	v24 =	vld.idx.msk [tilespmem:v37+s24+$0x0], $0xffff  }
0x110: {  	s28 =	sadd.s32 $0x20, s28;
	v28 =	vand.u32 $0xFFFF0000, v17;
	v5 =	vsub.f32 v38, v36;
	v27 =	vshll.u32 v30, $0x10  }
0x111: {  	_ =	sdelay $0x1  }
0x112: {  	v8 =	vsub.f32 v11, v8  }
0x113: {  	v29 =	vld [tilespmem:s3+$0xD200];
	v11 =	vshll.u32 v18, $0x10;
	v18 =	vmul.f32 v26, v28;
	v31 =	vshll.u32 v16, $0x10  }
0x114: {  	v30 =	vld.idx.msk [tilespmem:v14+s24+$0x0], $0xffff;
	v17 =	vshll.u32 v17, $0x10;
	v28 =	vmul.f32 v25, v28;
	s0 =	sor.u32 $0x800, s31;
	v16 =	vand.u32 $0xFFFF0000, v16  }
0x115: {  	v14 =	vld.idx.msk [tilespmem:v14+s23+$0x0], $0xffff;
	s10 =	simm.s32 $0x0;
	v6 =	vsub.f32 v6, v12;
	v32 =	vmul.f32 v9, v11;
	s1 =	sadd.s32 s4, s0;
	v11 =	vmul.f32 v27, v11  }
0x116: {  	v10 =	vld.idx.msk [tilespmem:v10+s24+$0x0], $0xffff;
	v33 =	vshll.u32 v23, $0x10;
	v26 =	vmul.f32 v26, v17;
	v17 =	vmul.f32 v25, v17;
	[tilespmem:s13], [sflag:$0x1] =	stream.linear.gather [hbm4b:s1+s10], $0x1000, $0x38  }
0x117: {  	v23 =	vand.u32 $0xFFFF0000, v23;
	v25 =	vmul.f32 v27, v21;
	s0 =	sadd.s32 s5, s0;
	v9 =	vmul.f32 v9, v21  }
0x118: {  	v34 =	vshll.u32 v22, $0x10;
	v22 =	vand.u32 $0xFFFF0000, v22;
	v27 =	vand.u32 $0xFFFF0000, v24;
	[tilespmem:s14], [sflag:$0x2] =	stream.linear.gather [hbm4b:s0+s10], $0x1000, $0x38;
	[tilespmem:$0xF200] =	vst v63  }
0x119: {  	v24 =	vshll.u32 v24, $0x10;
	v17 =	vsub.f32 v18, v17;
	v21 =	vsub.f32 v25, v32;
	_ =	swait.ge [sflag:s25], $0x1000  }
0x11a: {  	v25 =	vadd.f32 v28, v26;
	v26 =	vmul.f32 v16, v22;
	v9 =	vadd.f32 v9, v11;
	[sflag:s25] =	ssyncset.done $0x0  }
0x11b: {  	v18 =	vmul.f32 v24, v23;
	v23 =	vmul.f32 v27, v23;
	v11 =	vadd.f32 v17, v21;
	[sflag:s25] =	ssyncadd.s32 $0xFFFFF000  }
0x11c: {  	s11 =	sand.u32 $0x780, s10;
	v17 =	vsub.f32 v20, v19;
	v19 =	vmul.f32 v24, v33;
	v20 =	vmul.f32 v31, v34;
	_ =	swait.ge [sflag:s26], $0x1000  }
0x11d: {  	s12 =	sand.u32 $0x60, s10;
	v16 =	vmul.f32 v16, v34;
	s0 =	sadd.s32 $0x8980, s11;
	v9 =	vadd.f32 v25, v9;
	v11 =	vsub.f32 v13, v11;
	[sflag:s26] =	ssyncset.done $0x0  }
0x11e: {  	s9 =	sor.u32 $0x10, s12;
	v21 =	vmul.f32 v27, v33;
	s6 =	sor.u32 s12, s0;
	v19 =	vadd.f32 v23, v19;
	v20 =	vadd.f32 v26, v20;
	[sflag:s26] =	ssyncadd.s32 $0xFFFFF000  }
0x11f: {  	s3 =	sand.u32 $0xF00, s10;
	s0 =	sor.u32 s9, s0;
	v24 =	vshll.u32 v30, $0x10;
	v7 =	vsub.f32 v7, v9;
	v9 =	vmul.f32 v11, v11;
	v11 =	vld [tilespmem:s6+$0x0]  }
0x120: {  	s29 =	sor.u32 s12, s3;
	v13 =	vand.u32 $0xFFFF0000, v15;
	v18 =	vsub.f32 v18, v21;
	v12 =	vadd.f32 v19, v20;
	v19 =	vld [tilespmem:s0+$0x0]  }
0x121: {  	v21 =	vmul.f32 v31, v22;
	v22 =	vand.u32 $0xFFFF0000, v14;
	v20 =	vshll.u32 v10, $0x10;
	v23 =	vld [tilespmem:s29+$0xE180]  }
0x122: {  	s10 =	sor.u32 s3, s9;
	v14 =	vshll.u32 v14, $0x10;
	v10 =	vand.u32 $0xFFFF0000, v10;
	v25 =	vmul.f32 v20, v22;
	v26 =	vld [tilespmem:s29+$0xC180]  }
0x123: {  	v15 =	vshll.u32 v15, $0x10;
	v22 =	vmul.f32 v10, v22;
	v10 =	vmul.f32 v10, v14;
	v31 =	vld [tilespmem:s10+$0xE200]  }
0x124: {  	s11 =	simm.s32 $0x20;
	v4 =	vadd.f32 v9, v4;
	v9 =	vand.u32 $0xFFFF0000, v30;
	v30 =	vmul.f32 v13, v24;
	v61 =	vld [tilespmem:s10+$0xC200]  }
0x125: {  	s1 =	simm.s32 $0x40;
	v16 =	vsub.f32 v21, v16;
	v24 =	vmul.f32 v15, v24;
	v21 =	vld [tilespmem:s10+$0xC180];
	s0 =	sand.u32 $0x780, s11;
	v15 =	vmul.f32 v15, v9  }
0x126: {  	s12 =	sand.u32 $0xF00, s1;
	v14 =	vmul.f32 v20, v14;
	v9 =	vmul.f32 v13, v9;
	v13 =	vld [tilespmem:s10+$0xE180];
	s10 =	sand.u32 $0x60, s11;
	s0 =	sadd.s32 $0x8980, s0;
	v60 =	vshra.s32 v19, $0x10  }
0x127: {  	v27 =	vld [tilespmem:s29+$0xC200];
	v10 =	vsub.f32 v25, v10;
	s3 =	sor.u32 s10, s12;
	s11 =	sor.u32 s10, s0;
	s10 =	sor.u32 $0x10, s10;
	v15 =	vsub.f32 v15, v30;
	v19 =	vand.u32 $0xFFFF, v19  }
0x128: {  	v6 =	vmul.f32 v6, v6;
	v14 =	vadd.f32 v22, v14;
	v22 =	vld [tilespmem:s29+$0xE200];
	v9 =	vadd.f32 v9, v24;
	s29 =	sor.u32 s12, s10  }
0x129: {  	v2 =	vsub.f32 v2, v29;
	v7 =	vmul.f32 v7, v7;
	v29 =	vld [tilespmem:s29+$0xE200];
	v10 =	vadd.f32 v10, v15  }
0x12a: {  	v4 =	vadd.f32 v6, v4;
	v36 =	vld [tilespmem:s29+$0xC200];
	v9 =	vadd.f32 v14, v9;
	v6 =	vand.u32 $0xFFFF, v11  }
0x12b: {  	v16 =	vadd.f32 v18, v16;
	v2 =	vsub.f32 v2, v10;
	v15 =	vld.idx.msk [tilespmem:v60+s7+$0x0], $0xffff  }
0x12c: {  	v3 =	vmul.f32 v3, v3;
	v1 =	vadd.f32 v7, v1;
	v7 =	vsub.f32 v8, v9;
	v14 =	vld.idx.msk [tilespmem:v19+s23+$0x0], $0xffff  }
0x12d: {  	v5 =	vsub.f32 v5, v16;
	v2 =	vmul.f32 v2, v2;
	v10 =	vld.idx.msk [tilespmem:v19+s24+$0x0], $0xffff  }
0x12e: {  	v12 =	vsub.f32 v17, v12;
	v1 =	vadd.f32 v3, v1;
	v3 =	vmul.f32 v7, v7;
	v9 =	vld.idx.msk [tilespmem:v60+s24+$0x0], $0xffff  }
0x12f: {  	v5 =	vmul.f32 v5, v5;
	v18 =	vld.idx.msk [tilespmem:v6+s24+$0x0], $0xffff;
	v4 =	vadd.f32 v2, v4  }
0x130: {  	s0 =	sor.u32 s10, s0;
	v28 =	vshra.s32 v11, $0x10;
	v7 =	vmul.f32 v12, v12;
	v1 =	vadd.f32 v3, v1;
	v3 =	vld [tilespmem:s11+$0x0]  }
0x131: {  	v4 =	vadd.f32 v5, v4;
	v5 =	vld [tilespmem:s0+$0x0]  }
0x132: {  	v17 =	vld.idx.msk [tilespmem:v6+s23+$0x0], $0xffff;
	v6 =	vsub.f32 v61, v31;
	v1 =	vadd.f32 v7, v1;
	v12 =	vshll.u32 v15, $0x10  }
0x133: {  	v11 =	vld [tilespmem:s3+$0xC180];
	v7 =	vshll.u32 v14, $0x10;
	v16 =	vshll.u32 v10, $0x10;
	v14 =	vand.u32 $0xFFFF0000, v14  }
0x134: {  	v8 =	vld [tilespmem:s3+$0xE180];
	v20 =	vand.u32 $0xFFFF0000, v10;
	v19 =	vand.u32 $0xFFFF0000, v9;
	v9 =	vshll.u32 v9, $0x10  }
0x135: {  	v30 =	vld.idx.msk [tilespmem:v28+s7+$0x0], $0xffff;
	v15 =	vand.u32 $0xFFFF0000, v15;
	v24 =	vmul.f32 v19, v14;
	v10 =	vshra.s32 v3, $0x10  }
0x136: {  	v28 =	vld.idx.msk [tilespmem:v28+s24+$0x0], $0xffff;
	v25 =	vmul.f32 v15, v20;
	v62 =	vmul.f32 v9, v7;
	v35 =	vshra.s32 v5, $0x10  }
0x137: {  	v2 =	vld [tilespmem:s3+$0xC200];
	v63 =	vmul.f32 v12, v16;
	v31 =	vmul.f32 v19, v7;
	v5 =	vand.u32 $0xFFFF, v5  }
0x138: {  	v19 =	vld [tilespmem:s29+$0xE180];
	v7 =	vsub.f32 v26, v23;
	v12 =	vmul.f32 v12, v20;
	v23 =	vmul.f32 v15, v16  }
0x139: {  	v14 =	vmul.f32 v9, v14;
	v20 =	vld [tilespmem:s29+$0xC180];
	v24 =	vadd.f32 v24, v62;
	v25 =	vadd.f32 v25, v63  }
0x13a: {  	v13 =	vsub.f32 v21, v13;
	v9 =	vand.u32 $0xFFFF0000, v30;
	v12 =	vsub.f32 v12, v23;
	v15 =	vld.idx.msk [tilespmem:v10+s7+$0x0], $0xffff  }
0x13b: {  	v26 =	vshll.u32 v28, $0x10;
	v21 =	vadd.f32 v24, v25;
	v24 =	vsub.f32 v14, v31;
	v16 =	vld.idx.msk [tilespmem:v35+s7+$0x0], $0xffff  }
0x13c: {  	v14 =	vand.u32 $0xFFFF, v3;
	v25 =	vand.u32 $0xFFFF0000, v28;
	v28 =	vand.u32 $0xFFFF0000, v17;
	v23 =	vld.idx.msk [tilespmem:v5+s23+$0x0], $0xffff  }
0x13d: {  	v3 =	vsub.f32 v13, v21;
	v21 =	vand.u32 $0xFFFF0000, v18;
	v13 =	vsub.f32 v27, v22;
	v22 =	vld.idx.msk [tilespmem:v5+s24+$0x0], $0xffff  }
0x13e: {  	s28 =	simm.s32 $0x40;
	s11 =	simm.s32 $0x2;
	v12 =	vadd.f32 v24, v12;
	v27 =	vshll.u32 v30, $0x10;
	v24 =	vld.idx.msk [tilespmem:v35+s24+$0x0], $0xffff;
	v5 =	vsub.f32 v36, v29  }
.LBB2_11:
0x13f: {  	s0 =	sand.u32 $0x780, s28;
	s11 =	sadd.s32 $0x2, s11;
	v29 =	vsub.f32 v11, v8;
	s1 =	sadd.s32 $0x40, s1;
	v11 =	vshll.u32 v18, $0x10;
	v18 =	vmul.f32 v26, v28;
	v30 =	vmovc v15  }
0x140: {  	s9 =	sand.u32 $0x60, s28;
	v15 =	vshll.u32 v16, $0x10;
	v31 =	vsub.f32 v20, v19;
	v17 =	vshll.u32 v17, $0x10;
	s6 =	sand.u32 $0xF00, s1;
	s0 =	sadd.s32 $0x8980, s0  }
0x141: {  	v20 =	vmul.f32 v25, v28;
	v19 =	vand.u32 $0xFFFF0000, v30;
	v28 =	vmul.f32 v9, v11;
	s10 =	sor.u32 s9, s0;
	s12 =	sor.u32 s9, s6;
	s9 =	sor.u32 $0x10, s9  }
0x142: {  	p0 =	slt.u32 s11, $0x7E;
	v32 =	vshll.u32 v23, $0x10;
	v34 =	vmul.f32 v27, v11;
	v33 =	vshll.u32 v22, $0x10;
	v8 =	vld [tilespmem:s12+$0xE180];
	s0 =	sor.u32 s9, s0  }
0x143: {  	v23 =	vand.u32 $0xFFFF0000, v23;
	v26 =	vmul.f32 v26, v17;
	v17 =	vmul.f32 v25, v17;
	v11 =	vld [tilespmem:s12+$0xC180]  }
0x144: {  	v27 =	vmul.f32 v27, v21;
	v22 =	vand.u32 $0xFFFF0000, v22;
	v35 =	vand.u32 $0xFFFF0000, v24;
	v25 =	vld [tilespmem:s12+$0xC200]  }
0x145: {  	v21 =	vmul.f32 v9, v21;
	v9 =	vmovc v19;
	v24 =	vshll.u32 v24, $0x10;
	v37 =	vsub.f32 v18, v17;
	v36 =	vld [tilespmem:s10+$0x0]  }
0x146: {  	v20 =	vadd.f32 v20, v26;
	v17 =	vmul.f32 v24, v23;
	v38 =	vmul.f32 v35, v32;
	v19 =	vld [tilespmem:s0+$0x0]  }
0x147: {  	v16 =	vand.u32 $0xFFFF0000, v16;
	v27 =	vsub.f32 v27, v28;
	v23 =	vmul.f32 v35, v23;
	v26 =	vld [tilespmem:s3+$0xE200];
	s3 =	smov.u32 s12  }
0x148: {  	v28 =	vmul.f32 v16, v22;
	v21 =	vadd.f32 v21, v34;
	v35 =	vsub.f32 v17, v38;
	v18 =	vld.idx.msk [tilespmem:v14+s24+$0x0], $0xffff  }
0x149: {  	v24 =	vmul.f32 v24, v32;
	v32 =	vmul.f32 v15, v33;
	v27 =	vadd.f32 v37, v27;
	s0 =	sor.u32 s6, s9;
	v17 =	vld.idx.msk [tilespmem:v14+s23+$0x0], $0xffff  }
0x14a: {  	v20 =	vadd.f32 v20, v21;
	v34 =	vshra.s32 v36, $0x10;
	v14 =	vand.u32 $0xFFFF, v36;
	v36 =	vld [tilespmem:s0+$0xE200]  }
0x14b: {  	v21 =	vadd.f32 v23, v24;
	v13 =	vsub.f32 v13, v27;
	v37 =	vshra.s32 v19, $0x10;
	v38 =	vld [tilespmem:s0+$0xC200]  }
0x14c: {  	v23 =	vadd.f32 v28, v32;
	v28 =	vsub.f32 v7, v20;
	v7 =	vmovc v29;
	v24 =	vand.u32 $0xFFFF, v19;
	v27 =	vld.idx.msk [tilespmem:v10+s24+$0x0], $0xffff  }
0x14d: {  	v12 =	vsub.f32 v6, v12;
	v22 =	vmul.f32 v15, v22;
	v13 =	vmul.f32 v13, v13;
	v10 =	vmovc v34;
	v19 =	vld [tilespmem:s0+$0xE180]  }
0x14e: {  	v6 =	vmovc v5;
	v21 =	vadd.f32 v21, v23;
	v23 =	vmul.f32 v28, v28;
	v28 =	vmul.f32 v3, v3;
	v20 =	vld [tilespmem:s0+$0xC180]  }
0x14f: {  	v12 =	vmul.f32 v12, v12;
	v5 =	vmul.f32 v16, v33;
	v4 =	vadd.f32 v13, v4;
	v15 =	vld.idx.msk [tilespmem:v34+s7+$0x0], $0xffff  }
.Ltmp4:
0x150: {  	v3 =	vsub.f32 v31, v21;
	v1 =	vadd.f32 v23, v1;
	v16 =	vld.idx.msk [tilespmem:v37+s7+$0x0], $0xffff;
	(pc) =	sbr.rel @p0 .LBB2_11-.Ltmp4, $4  }
0x151: {  	v5 =	vsub.f32 v22, v5;
	v4 =	vadd.f32 v12, v4;
	v23 =	vld.idx.msk [tilespmem:v24+s23+$0x0], $0xffff  }
0x152: {  	v13 =	vsub.f32 v2, v26;
	v1 =	vadd.f32 v28, v1;
	v2 =	vmovc v25;
	v21 =	vand.u32 $0xFFFF0000, v18;
	v22 =	vld.idx.msk [tilespmem:v24+s24+$0x0], $0xffff  }
0x153: {  	v12 =	vadd.f32 v35, v5;
	v26 =	vshll.u32 v27, $0x10;
	v25 =	vand.u32 $0xFFFF0000, v27;
	v24 =	vld.idx.msk [tilespmem:v37+s24+$0x0], $0xffff  }
0x154: {  	s28 =	sadd.s32 $0x20, s28;
	v28 =	vand.u32 $0xFFFF0000, v17;
	v5 =	vsub.f32 v38, v36;
	v27 =	vshll.u32 v30, $0x10  }
0x155: {  	_ =	sdelay $0x1  }
0x156: {  	v8 =	vsub.f32 v11, v8  }
0x157: {  	v29 =	vld [tilespmem:s3+$0xE200];
	v11 =	vshll.u32 v18, $0x10;
	v18 =	vmul.f32 v26, v28;
	v31 =	vshll.u32 v16, $0x10  }
0x158: {  	v30 =	vld.idx.msk [tilespmem:v14+s24+$0x0], $0xffff;
	v17 =	vshll.u32 v17, $0x10;
	v28 =	vmul.f32 v25, v28;
	s0 =	sor.u32 $0xA00, s31;
	v16 =	vand.u32 $0xFFFF0000, v16  }
0x159: {  	v14 =	vld.idx.msk [tilespmem:v14+s23+$0x0], $0xffff;
	s10 =	simm.s32 $0x0;
	v6 =	vsub.f32 v6, v12;
	v32 =	vmul.f32 v9, v11;
	s1 =	sadd.s32 s4, s0;
	v11 =	vmul.f32 v27, v11  }
0x15a: {  	v10 =	vld.idx.msk [tilespmem:v10+s24+$0x0], $0xffff;
	v33 =	vshll.u32 v23, $0x10;
	v26 =	vmul.f32 v26, v17;
	v17 =	vmul.f32 v25, v17;
	[tilespmem:s19], [sflag:$0x3] =	stream.linear.gather [hbm4b:s1+s10], $0x1000, $0x38  }
0x15b: {  	v23 =	vand.u32 $0xFFFF0000, v23;
	v25 =	vmul.f32 v27, v21;
	s0 =	sadd.s32 s5, s0;
	v9 =	vmul.f32 v9, v21  }
0x15c: {  	v34 =	vshll.u32 v22, $0x10;
	v22 =	vand.u32 $0xFFFF0000, v22;
	v27 =	vand.u32 $0xFFFF0000, v24;
	[tilespmem:s20], [sflag:$0x4] =	stream.linear.gather [hbm4b:s0+s10], $0x1000, $0x38;
	[tilespmem:$0xF200] =	vst v63  }
0x15d: {  	v24 =	vshll.u32 v24, $0x10;
	v17 =	vsub.f32 v18, v17;
	v21 =	vsub.f32 v25, v32;
	_ =	swait.ge [sflag:s21], $0x1000  }
0x15e: {  	v25 =	vadd.f32 v28, v26;
	v26 =	vmul.f32 v16, v22;
	v9 =	vadd.f32 v9, v11;
	[sflag:s21] =	ssyncset.done $0x0  }
0x15f: {  	v18 =	vmul.f32 v24, v23;
	v23 =	vmul.f32 v27, v23;
	v11 =	vadd.f32 v17, v21;
	[sflag:s21] =	ssyncadd.s32 $0xFFFFF000  }
0x160: {  	s11 =	sand.u32 $0x780, s10;
	v17 =	vsub.f32 v20, v19;
	v19 =	vmul.f32 v24, v33;
	v20 =	vmul.f32 v31, v34;
	_ =	swait.ge [sflag:s22], $0x1000  }
0x161: {  	s12 =	sand.u32 $0x60, s10;
	v16 =	vmul.f32 v16, v34;
	s0 =	sadd.s32 $0x9180, s11;
	v9 =	vadd.f32 v25, v9;
	v11 =	vsub.f32 v13, v11;
	[sflag:s22] =	ssyncset.done $0x0  }
0x162: {  	s9 =	sor.u32 $0x10, s12;
	v21 =	vmul.f32 v27, v33;
	s6 =	sor.u32 s12, s0;
	v19 =	vadd.f32 v23, v19;
	v20 =	vadd.f32 v26, v20;
	[sflag:s22] =	ssyncadd.s32 $0xFFFFF000  }
0x163: {  	s3 =	sand.u32 $0xF00, s10;
	s0 =	sor.u32 s9, s0;
	v24 =	vshll.u32 v30, $0x10;
	v7 =	vsub.f32 v7, v9;
	v9 =	vmul.f32 v11, v11;
	v11 =	vld [tilespmem:s6+$0x0]  }
0x164: {  	s29 =	sor.u32 s12, s3;
	v13 =	vand.u32 $0xFFFF0000, v15;
	v18 =	vsub.f32 v18, v21;
	v12 =	vadd.f32 v19, v20;
	v19 =	vld [tilespmem:s0+$0x0]  }
0x165: {  	v21 =	vmul.f32 v31, v22;
	v22 =	vand.u32 $0xFFFF0000, v14;
	v20 =	vshll.u32 v10, $0x10;
	v23 =	vld [tilespmem:s29+$0xD180]  }
0x166: {  	s10 =	sor.u32 s3, s9;
	v14 =	vshll.u32 v14, $0x10;
	v10 =	vand.u32 $0xFFFF0000, v10;
	v25 =	vmul.f32 v20, v22;
	v26 =	vld [tilespmem:s29+$0xB180]  }
0x167: {  	v15 =	vshll.u32 v15, $0x10;
	v22 =	vmul.f32 v10, v22;
	v10 =	vmul.f32 v10, v14;
	v31 =	vld [tilespmem:s10+$0xD200]  }
0x168: {  	s11 =	simm.s32 $0x20;
	v4 =	vadd.f32 v9, v4;
	v9 =	vand.u32 $0xFFFF0000, v30;
	v30 =	vmul.f32 v13, v24;
	v61 =	vld [tilespmem:s10+$0xB200]  }
0x169: {  	s1 =	simm.s32 $0x40;
	v16 =	vsub.f32 v21, v16;
	v24 =	vmul.f32 v15, v24;
	v21 =	vld [tilespmem:s10+$0xB180];
	s0 =	sand.u32 $0x780, s11;
	v15 =	vmul.f32 v15, v9  }
0x16a: {  	s12 =	sand.u32 $0xF00, s1;
	v14 =	vmul.f32 v20, v14;
	v9 =	vmul.f32 v13, v9;
	v13 =	vld [tilespmem:s10+$0xD180];
	s10 =	sand.u32 $0x60, s11;
	s0 =	sadd.s32 $0x9180, s0;
	v60 =	vshra.s32 v19, $0x10  }
0x16b: {  	v27 =	vld [tilespmem:s29+$0xB200];
	v10 =	vsub.f32 v25, v10;
	s3 =	sor.u32 s10, s12;
	s11 =	sor.u32 s10, s0;
	s10 =	sor.u32 $0x10, s10;
	v15 =	vsub.f32 v15, v30;
	v19 =	vand.u32 $0xFFFF, v19  }
0x16c: {  	v6 =	vmul.f32 v6, v6;
	v14 =	vadd.f32 v22, v14;
	v22 =	vld [tilespmem:s29+$0xD200];
	v9 =	vadd.f32 v9, v24;
	s29 =	sor.u32 s12, s10  }
0x16d: {  	v2 =	vsub.f32 v2, v29;
	v7 =	vmul.f32 v7, v7;
	v29 =	vld [tilespmem:s29+$0xD200];
	v10 =	vadd.f32 v10, v15  }
0x16e: {  	v4 =	vadd.f32 v6, v4;
	v36 =	vld [tilespmem:s29+$0xB200];
	v9 =	vadd.f32 v14, v9;
	v6 =	vand.u32 $0xFFFF, v11  }
0x16f: {  	v16 =	vadd.f32 v18, v16;
	v2 =	vsub.f32 v2, v10;
	v15 =	vld.idx.msk [tilespmem:v60+s7+$0x0], $0xffff  }
0x170: {  	v3 =	vmul.f32 v3, v3;
	v1 =	vadd.f32 v7, v1;
	v7 =	vsub.f32 v8, v9;
	v14 =	vld.idx.msk [tilespmem:v19+s23+$0x0], $0xffff  }
0x171: {  	v5 =	vsub.f32 v5, v16;
	v2 =	vmul.f32 v2, v2;
	v10 =	vld.idx.msk [tilespmem:v19+s24+$0x0], $0xffff  }
0x172: {  	v12 =	vsub.f32 v17, v12;
	v1 =	vadd.f32 v3, v1;
	v3 =	vmul.f32 v7, v7;
	v9 =	vld.idx.msk [tilespmem:v60+s24+$0x0], $0xffff  }
0x173: {  	v5 =	vmul.f32 v5, v5;
	v18 =	vld.idx.msk [tilespmem:v6+s24+$0x0], $0xffff;
	v4 =	vadd.f32 v2, v4  }
0x174: {  	s0 =	sor.u32 s10, s0;
	v28 =	vshra.s32 v11, $0x10;
	v7 =	vmul.f32 v12, v12;
	v1 =	vadd.f32 v3, v1;
	v3 =	vld [tilespmem:s11+$0x0]  }
0x175: {  	v4 =	vadd.f32 v5, v4;
	v5 =	vld [tilespmem:s0+$0x0]  }
0x176: {  	v17 =	vld.idx.msk [tilespmem:v6+s23+$0x0], $0xffff;
	v6 =	vsub.f32 v61, v31;
	v1 =	vadd.f32 v7, v1;
	v12 =	vshll.u32 v15, $0x10  }
0x177: {  	v11 =	vld [tilespmem:s3+$0xB180];
	v7 =	vshll.u32 v14, $0x10;
	v16 =	vshll.u32 v10, $0x10;
	v14 =	vand.u32 $0xFFFF0000, v14  }
0x178: {  	v8 =	vld [tilespmem:s3+$0xD180];
	v20 =	vand.u32 $0xFFFF0000, v10;
	v19 =	vand.u32 $0xFFFF0000, v9;
	v9 =	vshll.u32 v9, $0x10  }
0x179: {  	v30 =	vld.idx.msk [tilespmem:v28+s7+$0x0], $0xffff;
	v15 =	vand.u32 $0xFFFF0000, v15;
	v24 =	vmul.f32 v19, v14;
	v10 =	vshra.s32 v3, $0x10  }
0x17a: {  	v28 =	vld.idx.msk [tilespmem:v28+s24+$0x0], $0xffff;
	v25 =	vmul.f32 v15, v20;
	v62 =	vmul.f32 v9, v7;
	v35 =	vshra.s32 v5, $0x10  }
0x17b: {  	v2 =	vld [tilespmem:s3+$0xB200];
	v63 =	vmul.f32 v12, v16;
	v31 =	vmul.f32 v19, v7;
	v5 =	vand.u32 $0xFFFF, v5  }
0x17c: {  	v19 =	vld [tilespmem:s29+$0xD180];
	v7 =	vsub.f32 v26, v23;
	v12 =	vmul.f32 v12, v20;
	v23 =	vmul.f32 v15, v16  }
0x17d: {  	v14 =	vmul.f32 v9, v14;
	v20 =	vld [tilespmem:s29+$0xB180];
	v24 =	vadd.f32 v24, v62;
	v25 =	vadd.f32 v25, v63  }
0x17e: {  	v13 =	vsub.f32 v21, v13;
	v9 =	vand.u32 $0xFFFF0000, v30;
	v12 =	vsub.f32 v12, v23;
	v15 =	vld.idx.msk [tilespmem:v10+s7+$0x0], $0xffff  }
0x17f: {  	v26 =	vshll.u32 v28, $0x10;
	v21 =	vadd.f32 v24, v25;
	v24 =	vsub.f32 v14, v31;
	v16 =	vld.idx.msk [tilespmem:v35+s7+$0x0], $0xffff  }
0x180: {  	v14 =	vand.u32 $0xFFFF, v3;
	v25 =	vand.u32 $0xFFFF0000, v28;
	v28 =	vand.u32 $0xFFFF0000, v17;
	v23 =	vld.idx.msk [tilespmem:v5+s23+$0x0], $0xffff  }
0x181: {  	v3 =	vsub.f32 v13, v21;
	v21 =	vand.u32 $0xFFFF0000, v18;
	v13 =	vsub.f32 v27, v22;
	v22 =	vld.idx.msk [tilespmem:v5+s24+$0x0], $0xffff  }
0x182: {  	s28 =	simm.s32 $0x40;
	s11 =	simm.s32 $0x2;
	v12 =	vadd.f32 v24, v12;
	v27 =	vshll.u32 v30, $0x10;
	v24 =	vld.idx.msk [tilespmem:v35+s24+$0x0], $0xffff;
	v5 =	vsub.f32 v36, v29  }
.LBB2_13:
0x183: {  	s0 =	sand.u32 $0x780, s28;
	s11 =	sadd.s32 $0x2, s11;
	v29 =	vsub.f32 v11, v8;
	s1 =	sadd.s32 $0x40, s1;
	v11 =	vshll.u32 v18, $0x10;
	v18 =	vmul.f32 v26, v28;
	v30 =	vmovc v15  }
0x184: {  	s9 =	sand.u32 $0x60, s28;
	v15 =	vshll.u32 v16, $0x10;
	v31 =	vsub.f32 v20, v19;
	v17 =	vshll.u32 v17, $0x10;
	s6 =	sand.u32 $0xF00, s1;
	s0 =	sadd.s32 $0x9180, s0  }
0x185: {  	v20 =	vmul.f32 v25, v28;
	v19 =	vand.u32 $0xFFFF0000, v30;
	v28 =	vmul.f32 v9, v11;
	s10 =	sor.u32 s9, s0;
	s12 =	sor.u32 s9, s6;
	s9 =	sor.u32 $0x10, s9  }
0x186: {  	p0 =	slt.u32 s11, $0x7E;
	v32 =	vshll.u32 v23, $0x10;
	v34 =	vmul.f32 v27, v11;
	v33 =	vshll.u32 v22, $0x10;
	v8 =	vld [tilespmem:s12+$0xD180];
	s0 =	sor.u32 s9, s0  }
0x187: {  	v23 =	vand.u32 $0xFFFF0000, v23;
	v26 =	vmul.f32 v26, v17;
	v17 =	vmul.f32 v25, v17;
	v11 =	vld [tilespmem:s12+$0xB180]  }
0x188: {  	v27 =	vmul.f32 v27, v21;
	v22 =	vand.u32 $0xFFFF0000, v22;
	v35 =	vand.u32 $0xFFFF0000, v24;
	v25 =	vld [tilespmem:s12+$0xB200]  }
0x189: {  	v21 =	vmul.f32 v9, v21;
	v9 =	vmovc v19;
	v24 =	vshll.u32 v24, $0x10;
	v37 =	vsub.f32 v18, v17;
	v36 =	vld [tilespmem:s10+$0x0]  }
0x18a: {  	v20 =	vadd.f32 v20, v26;
	v17 =	vmul.f32 v24, v23;
	v38 =	vmul.f32 v35, v32;
	v19 =	vld [tilespmem:s0+$0x0]  }
0x18b: {  	v16 =	vand.u32 $0xFFFF0000, v16;
	v27 =	vsub.f32 v27, v28;
	v23 =	vmul.f32 v35, v23;
	v26 =	vld [tilespmem:s3+$0xD200];
	s3 =	smov.u32 s12  }
0x18c: {  	v28 =	vmul.f32 v16, v22;
	v21 =	vadd.f32 v21, v34;
	v35 =	vsub.f32 v17, v38;
	v18 =	vld.idx.msk [tilespmem:v14+s24+$0x0], $0xffff  }
0x18d: {  	v24 =	vmul.f32 v24, v32;
	v32 =	vmul.f32 v15, v33;
	v27 =	vadd.f32 v37, v27;
	s0 =	sor.u32 s6, s9;
	v17 =	vld.idx.msk [tilespmem:v14+s23+$0x0], $0xffff  }
0x18e: {  	v20 =	vadd.f32 v20, v21;
	v34 =	vshra.s32 v36, $0x10;
	v14 =	vand.u32 $0xFFFF, v36;
	v36 =	vld [tilespmem:s0+$0xD200]  }
0x18f: {  	v21 =	vadd.f32 v23, v24;
	v13 =	vsub.f32 v13, v27;
	v37 =	vshra.s32 v19, $0x10;
	v38 =	vld [tilespmem:s0+$0xB200]  }
0x190: {  	v23 =	vadd.f32 v28, v32;
	v28 =	vsub.f32 v7, v20;
	v7 =	vmovc v29;
	v24 =	vand.u32 $0xFFFF, v19;
	v27 =	vld.idx.msk [tilespmem:v10+s24+$0x0], $0xffff  }
0x191: {  	v12 =	vsub.f32 v6, v12;
	v22 =	vmul.f32 v15, v22;
	v13 =	vmul.f32 v13, v13;
	v10 =	vmovc v34;
	v19 =	vld [tilespmem:s0+$0xD180]  }
0x192: {  	v6 =	vmovc v5;
	v21 =	vadd.f32 v21, v23;
	v23 =	vmul.f32 v28, v28;
	v28 =	vmul.f32 v3, v3;
	v20 =	vld [tilespmem:s0+$0xB180]  }
0x193: {  	v12 =	vmul.f32 v12, v12;
	v5 =	vmul.f32 v16, v33;
	v4 =	vadd.f32 v13, v4;
	v15 =	vld.idx.msk [tilespmem:v34+s7+$0x0], $0xffff  }
.Ltmp5:
0x194: {  	v3 =	vsub.f32 v31, v21;
	v1 =	vadd.f32 v23, v1;
	v16 =	vld.idx.msk [tilespmem:v37+s7+$0x0], $0xffff;
	(pc) =	sbr.rel @p0 .LBB2_13-.Ltmp5, $4  }
0x195: {  	v5 =	vsub.f32 v22, v5;
	v4 =	vadd.f32 v12, v4;
	v23 =	vld.idx.msk [tilespmem:v24+s23+$0x0], $0xffff  }
0x196: {  	v13 =	vsub.f32 v2, v26;
	v1 =	vadd.f32 v28, v1;
	v2 =	vmovc v25;
	v21 =	vand.u32 $0xFFFF0000, v18;
	v22 =	vld.idx.msk [tilespmem:v24+s24+$0x0], $0xffff  }
0x197: {  	v12 =	vadd.f32 v35, v5;
	v26 =	vshll.u32 v27, $0x10;
	v25 =	vand.u32 $0xFFFF0000, v27;
	v24 =	vld.idx.msk [tilespmem:v37+s24+$0x0], $0xffff  }
0x198: {  	s28 =	sadd.s32 $0x20, s28;
	v28 =	vand.u32 $0xFFFF0000, v17;
	v5 =	vsub.f32 v38, v36;
	v27 =	vshll.u32 v30, $0x10  }
0x199: {  	_ =	sdelay $0x1  }
0x19a: {  	v8 =	vsub.f32 v11, v8  }
0x19b: {  	v29 =	vld [tilespmem:s3+$0xD200];
	v11 =	vshll.u32 v18, $0x10;
	v18 =	vmul.f32 v26, v28;
	v31 =	vshll.u32 v16, $0x10  }
0x19c: {  	v30 =	vld.idx.msk [tilespmem:v14+s24+$0x0], $0xffff;
	v17 =	vshll.u32 v17, $0x10;
	v28 =	vmul.f32 v25, v28;
	s0 =	sor.u32 $0xC00, s31;
	v16 =	vand.u32 $0xFFFF0000, v16  }
0x19d: {  	v14 =	vld.idx.msk [tilespmem:v14+s23+$0x0], $0xffff;
	s10 =	simm.s32 $0x0;
	v6 =	vsub.f32 v6, v12;
	v32 =	vmul.f32 v9, v11;
	s1 =	sadd.s32 s4, s0;
	v11 =	vmul.f32 v27, v11  }
0x19e: {  	v10 =	vld.idx.msk [tilespmem:v10+s24+$0x0], $0xffff;
	v33 =	vshll.u32 v23, $0x10;
	v26 =	vmul.f32 v26, v17;
	v17 =	vmul.f32 v25, v17;
	[tilespmem:s13], [sflag:$0x1] =	stream.linear.gather [hbm4b:s1+s10], $0x1000, $0x38  }
0x19f: {  	v23 =	vand.u32 $0xFFFF0000, v23;
	v25 =	vmul.f32 v27, v21;
	s0 =	sadd.s32 s5, s0;
	v9 =	vmul.f32 v9, v21  }
0x1a0: {  	v34 =	vshll.u32 v22, $0x10;
	v22 =	vand.u32 $0xFFFF0000, v22;
	v27 =	vand.u32 $0xFFFF0000, v24;
	[tilespmem:s14], [sflag:$0x2] =	stream.linear.gather [hbm4b:s0+s10], $0x1000, $0x38;
	[tilespmem:$0xF200] =	vst v63  }
0x1a1: {  	v24 =	vshll.u32 v24, $0x10;
	v17 =	vsub.f32 v18, v17;
	v21 =	vsub.f32 v25, v32;
	_ =	swait.ge [sflag:s25], $0x1000  }
0x1a2: {  	v25 =	vadd.f32 v28, v26;
	v26 =	vmul.f32 v16, v22;
	v9 =	vadd.f32 v9, v11;
	[sflag:s25] =	ssyncset.done $0x0  }
0x1a3: {  	v18 =	vmul.f32 v24, v23;
	v23 =	vmul.f32 v27, v23;
	v11 =	vadd.f32 v17, v21;
	[sflag:s25] =	ssyncadd.s32 $0xFFFFF000  }
0x1a4: {  	s11 =	sand.u32 $0x780, s10;
	v17 =	vsub.f32 v20, v19;
	v19 =	vmul.f32 v24, v33;
	v20 =	vmul.f32 v31, v34;
	_ =	swait.ge [sflag:s26], $0x1000  }
0x1a5: {  	s12 =	sand.u32 $0x60, s10;
	v16 =	vmul.f32 v16, v34;
	s0 =	sadd.s32 $0x9980, s11;
	v9 =	vadd.f32 v25, v9;
	v11 =	vsub.f32 v13, v11;
	[sflag:s26] =	ssyncset.done $0x0  }
0x1a6: {  	s9 =	sor.u32 $0x10, s12;
	v21 =	vmul.f32 v27, v33;
	s6 =	sor.u32 s12, s0;
	v19 =	vadd.f32 v23, v19;
	v20 =	vadd.f32 v26, v20;
	[sflag:s26] =	ssyncadd.s32 $0xFFFFF000  }
0x1a7: {  	s3 =	sand.u32 $0xF00, s10;
	s0 =	sor.u32 s9, s0;
	v24 =	vshll.u32 v30, $0x10;
	v7 =	vsub.f32 v7, v9;
	v9 =	vmul.f32 v11, v11;
	v11 =	vld [tilespmem:s6+$0x0]  }
0x1a8: {  	s29 =	sor.u32 s12, s3;
	v13 =	vand.u32 $0xFFFF0000, v15;
	v18 =	vsub.f32 v18, v21;
	v12 =	vadd.f32 v19, v20;
	v19 =	vld [tilespmem:s0+$0x0]  }
0x1a9: {  	v21 =	vmul.f32 v31, v22;
	v22 =	vand.u32 $0xFFFF0000, v14;
	v20 =	vshll.u32 v10, $0x10;
	v23 =	vld [tilespmem:s29+$0xE180]  }
0x1aa: {  	s10 =	sor.u32 s3, s9;
	v14 =	vshll.u32 v14, $0x10;
	v10 =	vand.u32 $0xFFFF0000, v10;
	v25 =	vmul.f32 v20, v22;
	v26 =	vld [tilespmem:s29+$0xC180]  }
0x1ab: {  	v15 =	vshll.u32 v15, $0x10;
	v22 =	vmul.f32 v10, v22;
	v10 =	vmul.f32 v10, v14;
	v31 =	vld [tilespmem:s10+$0xE200]  }
0x1ac: {  	s11 =	simm.s32 $0x20;
	v4 =	vadd.f32 v9, v4;
	v9 =	vand.u32 $0xFFFF0000, v30;
	v30 =	vmul.f32 v13, v24;
	v61 =	vld [tilespmem:s10+$0xC200]  }
0x1ad: {  	s1 =	simm.s32 $0x40;
	v16 =	vsub.f32 v21, v16;
	v24 =	vmul.f32 v15, v24;
	v21 =	vld [tilespmem:s10+$0xC180];
	s0 =	sand.u32 $0x780, s11;
	v15 =	vmul.f32 v15, v9  }
0x1ae: {  	s12 =	sand.u32 $0xF00, s1;
	v14 =	vmul.f32 v20, v14;
	v9 =	vmul.f32 v13, v9;
	v13 =	vld [tilespmem:s10+$0xE180];
	s10 =	sand.u32 $0x60, s11;
	s0 =	sadd.s32 $0x9980, s0;
	v60 =	vshra.s32 v19, $0x10  }
0x1af: {  	v27 =	vld [tilespmem:s29+$0xC200];
	v10 =	vsub.f32 v25, v10;
	s3 =	sor.u32 s10, s12;
	s11 =	sor.u32 s10, s0;
	s10 =	sor.u32 $0x10, s10;
	v15 =	vsub.f32 v15, v30;
	v19 =	vand.u32 $0xFFFF, v19  }
0x1b0: {  	v6 =	vmul.f32 v6, v6;
	v14 =	vadd.f32 v22, v14;
	v22 =	vld [tilespmem:s29+$0xE200];
	v9 =	vadd.f32 v9, v24;
	s29 =	sor.u32 s12, s10  }
0x1b1: {  	v2 =	vsub.f32 v2, v29;
	v7 =	vmul.f32 v7, v7;
	v29 =	vld [tilespmem:s29+$0xE200];
	v10 =	vadd.f32 v10, v15  }
0x1b2: {  	v4 =	vadd.f32 v6, v4;
	v36 =	vld [tilespmem:s29+$0xC200];
	v9 =	vadd.f32 v14, v9;
	v6 =	vand.u32 $0xFFFF, v11  }
0x1b3: {  	v16 =	vadd.f32 v18, v16;
	v2 =	vsub.f32 v2, v10;
	v15 =	vld.idx.msk [tilespmem:v60+s7+$0x0], $0xffff  }
0x1b4: {  	v3 =	vmul.f32 v3, v3;
	v1 =	vadd.f32 v7, v1;
	v7 =	vsub.f32 v8, v9;
	v14 =	vld.idx.msk [tilespmem:v19+s23+$0x0], $0xffff  }
0x1b5: {  	v5 =	vsub.f32 v5, v16;
	v2 =	vmul.f32 v2, v2;
	v10 =	vld.idx.msk [tilespmem:v19+s24+$0x0], $0xffff  }
0x1b6: {  	v12 =	vsub.f32 v17, v12;
	v1 =	vadd.f32 v3, v1;
	v3 =	vmul.f32 v7, v7;
	v9 =	vld.idx.msk [tilespmem:v60+s24+$0x0], $0xffff  }
0x1b7: {  	v5 =	vmul.f32 v5, v5;
	v18 =	vld.idx.msk [tilespmem:v6+s24+$0x0], $0xffff;
	v4 =	vadd.f32 v2, v4  }
0x1b8: {  	s0 =	sor.u32 s10, s0;
	v28 =	vshra.s32 v11, $0x10;
	v7 =	vmul.f32 v12, v12;
	v1 =	vadd.f32 v3, v1;
	v3 =	vld [tilespmem:s11+$0x0]  }
0x1b9: {  	v4 =	vadd.f32 v5, v4;
	v5 =	vld [tilespmem:s0+$0x0]  }
0x1ba: {  	v17 =	vld.idx.msk [tilespmem:v6+s23+$0x0], $0xffff;
	v6 =	vsub.f32 v61, v31;
	v1 =	vadd.f32 v7, v1;
	v12 =	vshll.u32 v15, $0x10  }
0x1bb: {  	v11 =	vld [tilespmem:s3+$0xC180];
	v7 =	vshll.u32 v14, $0x10;
	v16 =	vshll.u32 v10, $0x10;
	v14 =	vand.u32 $0xFFFF0000, v14  }
0x1bc: {  	v8 =	vld [tilespmem:s3+$0xE180];
	v20 =	vand.u32 $0xFFFF0000, v10;
	v19 =	vand.u32 $0xFFFF0000, v9;
	v9 =	vshll.u32 v9, $0x10  }
0x1bd: {  	v30 =	vld.idx.msk [tilespmem:v28+s7+$0x0], $0xffff;
	v15 =	vand.u32 $0xFFFF0000, v15;
	v24 =	vmul.f32 v19, v14;
	v10 =	vshra.s32 v3, $0x10  }
0x1be: {  	v28 =	vld.idx.msk [tilespmem:v28+s24+$0x0], $0xffff;
	v25 =	vmul.f32 v15, v20;
	v62 =	vmul.f32 v9, v7;
	v35 =	vshra.s32 v5, $0x10  }
0x1bf: {  	v2 =	vld [tilespmem:s3+$0xC200];
	v63 =	vmul.f32 v12, v16;
	v31 =	vmul.f32 v19, v7;
	v5 =	vand.u32 $0xFFFF, v5  }
0x1c0: {  	v19 =	vld [tilespmem:s29+$0xE180];
	v7 =	vsub.f32 v26, v23;
	v12 =	vmul.f32 v12, v20;
	v23 =	vmul.f32 v15, v16  }
0x1c1: {  	v14 =	vmul.f32 v9, v14;
	v20 =	vld [tilespmem:s29+$0xC180];
	v24 =	vadd.f32 v24, v62;
	v25 =	vadd.f32 v25, v63  }
0x1c2: {  	v13 =	vsub.f32 v21, v13;
	v9 =	vand.u32 $0xFFFF0000, v30;
	v12 =	vsub.f32 v12, v23;
	v15 =	vld.idx.msk [tilespmem:v10+s7+$0x0], $0xffff  }
0x1c3: {  	v26 =	vshll.u32 v28, $0x10;
	v21 =	vadd.f32 v24, v25;
	v24 =	vsub.f32 v14, v31;
	v16 =	vld.idx.msk [tilespmem:v35+s7+$0x0], $0xffff  }
0x1c4: {  	v14 =	vand.u32 $0xFFFF, v3;
	v25 =	vand.u32 $0xFFFF0000, v28;
	v28 =	vand.u32 $0xFFFF0000, v17;
	v23 =	vld.idx.msk [tilespmem:v5+s23+$0x0], $0xffff  }
0x1c5: {  	v3 =	vsub.f32 v13, v21;
	v21 =	vand.u32 $0xFFFF0000, v18;
	v13 =	vsub.f32 v27, v22;
	v22 =	vld.idx.msk [tilespmem:v5+s24+$0x0], $0xffff  }
0x1c6: {  	s28 =	simm.s32 $0x40;
	s11 =	simm.s32 $0x2;
	v12 =	vadd.f32 v24, v12;
	v27 =	vshll.u32 v30, $0x10;
	v24 =	vld.idx.msk [tilespmem:v35+s24+$0x0], $0xffff;
	v5 =	vsub.f32 v36, v29  }
.LBB2_15:
0x1c7: {  	s0 =	sand.u32 $0x780, s28;
	s11 =	sadd.s32 $0x2, s11;
	v29 =	vsub.f32 v11, v8;
	s1 =	sadd.s32 $0x40, s1;
	v11 =	vshll.u32 v18, $0x10;
	v18 =	vmul.f32 v26, v28;
	v30 =	vmovc v15  }
0x1c8: {  	s9 =	sand.u32 $0x60, s28;
	v15 =	vshll.u32 v16, $0x10;
	v31 =	vsub.f32 v20, v19;
	v17 =	vshll.u32 v17, $0x10;
	s6 =	sand.u32 $0xF00, s1;
	s0 =	sadd.s32 $0x9980, s0  }
0x1c9: {  	v20 =	vmul.f32 v25, v28;
	v19 =	vand.u32 $0xFFFF0000, v30;
	v28 =	vmul.f32 v9, v11;
	s10 =	sor.u32 s9, s0;
	s12 =	sor.u32 s9, s6;
	s9 =	sor.u32 $0x10, s9  }
0x1ca: {  	p0 =	slt.u32 s11, $0x7E;
	v32 =	vshll.u32 v23, $0x10;
	v34 =	vmul.f32 v27, v11;
	v33 =	vshll.u32 v22, $0x10;
	v8 =	vld [tilespmem:s12+$0xE180];
	s0 =	sor.u32 s9, s0  }
0x1cb: {  	v23 =	vand.u32 $0xFFFF0000, v23;
	v26 =	vmul.f32 v26, v17;
	v17 =	vmul.f32 v25, v17;
	v11 =	vld [tilespmem:s12+$0xC180]  }
0x1cc: {  	v27 =	vmul.f32 v27, v21;
	v22 =	vand.u32 $0xFFFF0000, v22;
	v35 =	vand.u32 $0xFFFF0000, v24;
	v25 =	vld [tilespmem:s12+$0xC200]  }
0x1cd: {  	v21 =	vmul.f32 v9, v21;
	v9 =	vmovc v19;
	v24 =	vshll.u32 v24, $0x10;
	v37 =	vsub.f32 v18, v17;
	v36 =	vld [tilespmem:s10+$0x0]  }
0x1ce: {  	v20 =	vadd.f32 v20, v26;
	v17 =	vmul.f32 v24, v23;
	v38 =	vmul.f32 v35, v32;
	v19 =	vld [tilespmem:s0+$0x0]  }
0x1cf: {  	v16 =	vand.u32 $0xFFFF0000, v16;
	v27 =	vsub.f32 v27, v28;
	v23 =	vmul.f32 v35, v23;
	v26 =	vld [tilespmem:s3+$0xE200];
	s3 =	smov.u32 s12  }
0x1d0: {  	v28 =	vmul.f32 v16, v22;
	v21 =	vadd.f32 v21, v34;
	v35 =	vsub.f32 v17, v38;
	v18 =	vld.idx.msk [tilespmem:v14+s24+$0x0], $0xffff  }
0x1d1: {  	v24 =	vmul.f32 v24, v32;
	v32 =	vmul.f32 v15, v33;
	v27 =	vadd.f32 v37, v27;
	s0 =	sor.u32 s6, s9;
	v17 =	vld.idx.msk [tilespmem:v14+s23+$0x0], $0xffff  }
0x1d2: {  	v20 =	vadd.f32 v20, v21;
	v34 =	vshra.s32 v36, $0x10;
	v14 =	vand.u32 $0xFFFF, v36;
	v36 =	vld [tilespmem:s0+$0xE200]  }
0x1d3: {  	v21 =	vadd.f32 v23, v24;
	v13 =	vsub.f32 v13, v27;
	v37 =	vshra.s32 v19, $0x10;
	v38 =	vld [tilespmem:s0+$0xC200]  }
0x1d4: {  	v23 =	vadd.f32 v28, v32;
	v28 =	vsub.f32 v7, v20;
	v7 =	vmovc v29;
	v24 =	vand.u32 $0xFFFF, v19;
	v27 =	vld.idx.msk [tilespmem:v10+s24+$0x0], $0xffff  }
0x1d5: {  	v12 =	vsub.f32 v6, v12;
	v22 =	vmul.f32 v15, v22;
	v13 =	vmul.f32 v13, v13;
	v10 =	vmovc v34;
	v19 =	vld [tilespmem:s0+$0xE180]  }
0x1d6: {  	v6 =	vmovc v5;
	v21 =	vadd.f32 v21, v23;
	v23 =	vmul.f32 v28, v28;
	v28 =	vmul.f32 v3, v3;
	v20 =	vld [tilespmem:s0+$0xC180]  }
0x1d7: {  	v12 =	vmul.f32 v12, v12;
	v5 =	vmul.f32 v16, v33;
	v4 =	vadd.f32 v13, v4;
	v15 =	vld.idx.msk [tilespmem:v34+s7+$0x0], $0xffff  }
.Ltmp6:
0x1d8: {  	v3 =	vsub.f32 v31, v21;
	v1 =	vadd.f32 v23, v1;
	v16 =	vld.idx.msk [tilespmem:v37+s7+$0x0], $0xffff;
	(pc) =	sbr.rel @p0 .LBB2_15-.Ltmp6, $4  }
0x1d9: {  	v5 =	vsub.f32 v22, v5;
	v4 =	vadd.f32 v12, v4;
	v23 =	vld.idx.msk [tilespmem:v24+s23+$0x0], $0xffff  }
0x1da: {  	v13 =	vsub.f32 v2, v26;
	v1 =	vadd.f32 v28, v1;
	v2 =	vmovc v25;
	v21 =	vand.u32 $0xFFFF0000, v18;
	v22 =	vld.idx.msk [tilespmem:v24+s24+$0x0], $0xffff  }
0x1db: {  	v12 =	vadd.f32 v35, v5;
	v26 =	vshll.u32 v27, $0x10;
	v25 =	vand.u32 $0xFFFF0000, v27;
	v24 =	vld.idx.msk [tilespmem:v37+s24+$0x0], $0xffff  }
0x1dc: {  	s28 =	sadd.s32 $0x20, s28;
	v28 =	vand.u32 $0xFFFF0000, v17;
	v5 =	vsub.f32 v38, v36;
	v27 =	vshll.u32 v30, $0x10  }
0x1dd: {  	_ = 	snop  }
0x1de: {  	v8 =	vsub.f32 v11, v8;
	v11 =	vshll.u32 v18, $0x10;
	v18 =	vmul.f32 v26, v28  }
0x1df: {  	v31 =	vshll.u32 v16, $0x10;
	v17 =	vshll.u32 v17, $0x10;
	v28 =	vmul.f32 v25, v28  }
0x1e0: {  	v29 =	vld [tilespmem:s3+$0xE200];
	v16 =	vand.u32 $0xFFFF0000, v16;
	v32 =	vmul.f32 v9, v11;
	v11 =	vmul.f32 v27, v11  }
0x1e1: {  	v30 =	vld.idx.msk [tilespmem:v14+s24+$0x0], $0xffff;
	s0 =	sor.u32 $0xE00, s31;
	v33 =	vshll.u32 v23, $0x10;
	v26 =	vmul.f32 v26, v17;
	v17 =	vmul.f32 v25, v17  }
0x1e2: {  	v14 =	vld.idx.msk [tilespmem:v14+s23+$0x0], $0xffff;
	s11 =	simm.s32 $0x0;
	s1 =	sadd.s32 s4, s0;
	v23 =	vand.u32 $0xFFFF0000, v23;
	v25 =	vmul.f32 v27, v21;
	v9 =	vmul.f32 v9, v21  }
0x1e3: {  	v10 =	vld.idx.msk [tilespmem:v10+s24+$0x0], $0xffff;
	v34 =	vshll.u32 v22, $0x10;
	[tilespmem:s19], [sflag:$0x3] =	stream.linear.gather [hbm4b:s1+s11], $0x1000, $0x38;
	v22 =	vand.u32 $0xFFFF0000, v22;
	v27 =	vand.u32 $0xFFFF0000, v24  }
0x1e4: {  	s0 =	sadd.s32 s5, s0;
	v24 =	vshll.u32 v24, $0x10;
	v17 =	vsub.f32 v18, v17;
	v21 =	vsub.f32 v25, v32  }
0x1e5: {  	v25 =	vadd.f32 v28, v26;
	v26 =	vmul.f32 v16, v22;
	v16 =	vmul.f32 v16, v34;
	[tilespmem:s20], [sflag:$0x4] =	stream.linear.gather [hbm4b:s0+s11], $0x1000, $0x38;
	[tilespmem:$0xF200] =	vst v63  }
0x1e6: {  	v9 =	vadd.f32 v9, v11;
	v18 =	vmul.f32 v24, v23;
	v23 =	vmul.f32 v27, v23;
	_ =	swait.ge [sflag:s21], $0x1000  }
0x1e7: {  	v11 =	vadd.f32 v17, v21;
	v17 =	vsub.f32 v20, v19;
	v19 =	vmul.f32 v24, v33;
	[sflag:s21] =	ssyncset.done $0x0  }
0x1e8: {  	v6 =	vsub.f32 v6, v12;
	v20 =	vmul.f32 v31, v34;
	v21 =	vmul.f32 v27, v33;
	[sflag:s21] =	ssyncadd.s32 $0xFFFFF000  }
0x1e9: {  	s12 =	sand.u32 $0x780, s11;
	v9 =	vadd.f32 v25, v9;
	v24 =	vshll.u32 v30, $0x10;
	v11 =	vsub.f32 v13, v11;
	_ =	swait.ge [sflag:s22], $0x1000  }
0x1ea: {  	s28 =	sand.u32 $0x60, s11;
	s0 =	sadd.s32 $0xA180, s12;
	v13 =	vand.u32 $0xFFFF0000, v15;
	v19 =	vadd.f32 v23, v19;
	v20 =	vadd.f32 v26, v20;
	[sflag:s22] =	ssyncset.done $0x0  }
0x1eb: {  	s9 =	sor.u32 $0x10, s28;
	s6 =	sor.u32 s28, s0;
	v18 =	vsub.f32 v18, v21;
	v7 =	vsub.f32 v7, v9;
	v21 =	vmul.f32 v31, v22;
	[sflag:s22] =	ssyncadd.s32 $0xFFFFF000  }
0x1ec: {  	s29 =	sand.u32 $0xF00, s11;
	s0 =	sor.u32 s9, s0;
	v22 =	vand.u32 $0xFFFF0000, v14;
	v15 =	vshll.u32 v15, $0x10;
	v9 =	vmul.f32 v11, v11;
	v11 =	vld [tilespmem:s6+$0x0]  }
0x1ed: {  	s3 =	sor.u32 s28, s29;
	v12 =	vadd.f32 v19, v20;
	v20 =	vshll.u32 v10, $0x10;
	v10 =	vand.u32 $0xFFFF0000, v10;
	v19 =	vld [tilespmem:s0+$0x0]  }
0x1ee: {  	v14 =	vshll.u32 v14, $0x10;
	v25 =	vmul.f32 v20, v22;
	v22 =	vmul.f32 v10, v22;
	v23 =	vld [tilespmem:s3+$0xD180]  }
0x1ef: {  	v10 =	vmul.f32 v10, v14;
	v14 =	vmul.f32 v20, v14;
	v4 =	vadd.f32 v9, v4;
	v26 =	vld [tilespmem:s3+$0xB180]  }
0x1f0: {  	s10 =	sor.u32 s29, s9;
	s11 =	simm.s32 $0x20;
	v9 =	vand.u32 $0xFFFF0000, v30;
	v27 =	vld [tilespmem:s3+$0xB200];
	v30 =	vmul.f32 v13, v24;
	v24 =	vmul.f32 v15, v24  }
0x1f1: {  	s1 =	simm.s32 $0x40;
	s28 =	sand.u32 $0x60, s11;
	v31 =	vld [tilespmem:s10+$0xD200];
	v15 =	vmul.f32 v15, v9;
	v9 =	vmul.f32 v13, v9  }
0x1f2: {  	s12 =	sand.u32 $0xF00, s1;
	v2 =	vsub.f32 v2, v29;
	s9 =	sor.u32 $0x10, s28;
	v16 =	vsub.f32 v21, v16;
	v60 =	vld [tilespmem:s10+$0xB200]  }
0x1f3: {  	s29 =	sor.u32 s12, s9;
	v21 =	vld [tilespmem:s10+$0xB180];
	v14 =	vadd.f32 v22, v14;
	v9 =	vadd.f32 v9, v24  }
0x1f4: {  	v29 =	vld [tilespmem:s29+$0xD200];
	v10 =	vsub.f32 v25, v10;
	v15 =	vsub.f32 v15, v30;
	v59 =	vshra.s32 v19, $0x10  }
0x1f5: {  	v7 =	vmul.f32 v7, v7;
	v36 =	vld [tilespmem:s29+$0xB200];
	v19 =	vand.u32 $0xFFFF, v19;
	v9 =	vadd.f32 v14, v9  }
0x1f6: {  	s31 =	sor.u32 s28, s12;
	v13 =	vld [tilespmem:s10+$0xD180];
	v10 =	vadd.f32 v10, v15  }
0x1f7: {  	v1 =	vadd.f32 v7, v1;
	v7 =	vsub.f32 v8, v9;
	v9 =	vld [tilespmem:s31+$0xD180]  }
0x1f8: {  	v6 =	vmul.f32 v6, v6;
	v16 =	vadd.f32 v18, v16;
	v2 =	vsub.f32 v2, v10;
	v10 =	vld [tilespmem:s31+$0xB180]  }
0x1f9: {  	v3 =	vmul.f32 v3, v3;
	v12 =	vsub.f32 v17, v12;
	v15 =	vld.idx.msk [tilespmem:v59+s7+$0x0], $0xffff  }
0x1fa: {  	s0 =	sand.u32 $0x780, s11;
	v4 =	vadd.f32 v6, v4;
	v5 =	vsub.f32 v5, v16;
	v2 =	vmul.f32 v2, v2;
	v14 =	vld.idx.msk [tilespmem:v19+s23+$0x0], $0xffff  }
0x1fb: {  	s0 =	sadd.s32 $0xA180, s0;
	v1 =	vadd.f32 v3, v1;
	v28 =	vshra.s32 v11, $0x10;
	v3 =	vmul.f32 v7, v7;
	v17 =	vld.idx.msk [tilespmem:v19+s24+$0x0], $0xffff  }
0x1fc: {  	s10 =	sor.u32 s28, s0;
	v5 =	vmul.f32 v5, v5;
	v6 =	vand.u32 $0xFFFF, v11;
	v8 =	vld.idx.msk [tilespmem:v59+s24+$0x0], $0xffff;
	v4 =	vadd.f32 v2, v4  }
0x1fd: {  	s0 =	sor.u32 s9, s0;
	v7 =	vmul.f32 v12, v12;
	v1 =	vadd.f32 v3, v1;
	v3 =	vld [tilespmem:s10+$0x0]  }
0x1fe: {  	v4 =	vadd.f32 v5, v4;
	v5 =	vld [tilespmem:s0+$0x0]  }
0x1ff: {  	v21 =	vsub.f32 v21, v13;
	v12 =	vld [tilespmem:s3+$0xD200];
	v1 =	vadd.f32 v7, v1;
	v11 =	vshll.u32 v15, $0x10  }
0x200: {  	v30 =	vld.idx.msk [tilespmem:v28+s7+$0x0], $0xffff;
	v7 =	vshll.u32 v14, $0x10;
	v18 =	vshll.u32 v17, $0x10;
	v14 =	vand.u32 $0xFFFF0000, v14  }
0x201: {  	v16 =	vld.idx.msk [tilespmem:v6+s23+$0x0], $0xffff;
	v20 =	vand.u32 $0xFFFF0000, v17;
	v19 =	vand.u32 $0xFFFF0000, v8;
	v22 =	vshll.u32 v8, $0x10  }
0x202: {  	v17 =	vld.idx.msk [tilespmem:v6+s24+$0x0], $0xffff;
	v15 =	vand.u32 $0xFFFF0000, v15;
	v6 =	vsub.f32 v60, v31;
	v8 =	vshra.s32 v3, $0x10  }
0x203: {  	v28 =	vld.idx.msk [tilespmem:v28+s24+$0x0], $0xffff;
	v24 =	vmul.f32 v19, v14;
	v25 =	vmul.f32 v15, v20;
	v35 =	vshra.s32 v5, $0x10  }
0x204: {  	v2 =	vld [tilespmem:s31+$0xB200];
	v61 =	vmul.f32 v22, v7;
	v62 =	vmul.f32 v11, v18;
	v5 =	vand.u32 $0xFFFF, v5  }
0x205: {  	v14 =	vmul.f32 v22, v14;
	v22 =	vmul.f32 v19, v7;
	v19 =	vld [tilespmem:s29+$0xD180];
	v7 =	vsub.f32 v26, v23  }
0x206: {  	v23 =	vmul.f32 v11, v20;
	v20 =	vld [tilespmem:s29+$0xB180];
	v26 =	vmul.f32 v15, v18;
	v24 =	vadd.f32 v24, v61  }
0x207: {  	v11 =	vand.u32 $0xFFFF0000, v30;
	v25 =	vadd.f32 v25, v62;
	v31 =	vsub.f32 v14, v22;
	v15 =	vld.idx.msk [tilespmem:v8+s7+$0x0], $0xffff  }
0x208: {  	v13 =	vand.u32 $0xFFFF, v3;
	v63 =	vsub.f32 v23, v26;
	v14 =	vsub.f32 v27, v12;
	v18 =	vld.idx.msk [tilespmem:v35+s7+$0x0], $0xffff  }
0x209: {  	v26 =	vshll.u32 v28, $0x10;
	v27 =	vshll.u32 v30, $0x10;
	v24 =	vadd.f32 v24, v25;
	v23 =	vld.idx.msk [tilespmem:v5+s23+$0x0], $0xffff  }
0x20a: {  	v25 =	vand.u32 $0xFFFF0000, v28;
	v12 =	vadd.f32 v31, v63;
	v28 =	vand.u32 $0xFFFF0000, v16;
	v22 =	vld.idx.msk [tilespmem:v5+s24+$0x0], $0xffff  }
0x20b: {  	s11 =	simm.s32 $0x40;
	s3 =	simm.s32 $0x2;
	v3 =	vsub.f32 v21, v24;
	v21 =	vand.u32 $0xFFFF0000, v17;
	v24 =	vld.idx.msk [tilespmem:v35+s24+$0x0], $0xffff;
	v5 =	vsub.f32 v36, v29  }
.LBB2_17:
0x20c: {  	s0 =	sand.u32 $0x780, s11;
	s3 =	sadd.s32 $0x2, s3;
	v29 =	vsub.f32 v10, v9;
	s1 =	sadd.s32 $0x40, s1;
	v10 =	vshll.u32 v17, $0x10;
	v17 =	vmul.f32 v26, v28;
	v30 =	vmovc v15  }
0x20d: {  	s9 =	sand.u32 $0x60, s11;
	v15 =	vshll.u32 v18, $0x10;
	v31 =	vsub.f32 v20, v19;
	v16 =	vshll.u32 v16, $0x10;
	s6 =	sand.u32 $0xF00, s1;
	s0 =	sadd.s32 $0xA180, s0  }
0x20e: {  	v20 =	vmul.f32 v25, v28;
	v19 =	vand.u32 $0xFFFF0000, v30;
	v28 =	vmul.f32 v11, v10;
	s10 =	sor.u32 s9, s0;
	s12 =	sor.u32 s9, s6;
	s9 =	sor.u32 $0x10, s9  }
0x20f: {  	p0 =	slt.u32 s3, $0x7E;
	v32 =	vshll.u32 v23, $0x10;
	v34 =	vmul.f32 v27, v10;
	v33 =	vshll.u32 v22, $0x10;
	v9 =	vld [tilespmem:s12+$0xD180];
	s0 =	sor.u32 s9, s0  }
0x210: {  	v23 =	vand.u32 $0xFFFF0000, v23;
	v26 =	vmul.f32 v26, v16;
	v16 =	vmul.f32 v25, v16;
	v10 =	vld [tilespmem:s12+$0xB180]  }
0x211: {  	v27 =	vmul.f32 v27, v21;
	v22 =	vand.u32 $0xFFFF0000, v22;
	v35 =	vand.u32 $0xFFFF0000, v24;
	v25 =	vld [tilespmem:s12+$0xB200]  }
0x212: {  	v21 =	vmul.f32 v11, v21;
	v11 =	vmovc v19;
	v24 =	vshll.u32 v24, $0x10;
	v37 =	vsub.f32 v17, v16;
	v36 =	vld [tilespmem:s10+$0x0]  }
0x213: {  	v20 =	vadd.f32 v20, v26;
	v16 =	vmul.f32 v24, v23;
	v38 =	vmul.f32 v35, v32;
	v19 =	vld [tilespmem:s0+$0x0]  }
0x214: {  	v18 =	vand.u32 $0xFFFF0000, v18;
	v27 =	vsub.f32 v27, v28;
	v23 =	vmul.f32 v35, v23;
	v26 =	vld [tilespmem:s31+$0xD200];
	s31 =	smov.u32 s12  }
0x215: {  	v28 =	vmul.f32 v18, v22;
	v21 =	vadd.f32 v21, v34;
	v35 =	vsub.f32 v16, v38;
	v17 =	vld.idx.msk [tilespmem:v13+s24+$0x0], $0xffff  }
0x216: {  	v24 =	vmul.f32 v24, v32;
	v32 =	vmul.f32 v15, v33;
	v27 =	vadd.f32 v37, v27;
	s0 =	sor.u32 s6, s9;
	v16 =	vld.idx.msk [tilespmem:v13+s23+$0x0], $0xffff  }
0x217: {  	v20 =	vadd.f32 v20, v21;
	v34 =	vshra.s32 v36, $0x10;
	v13 =	vand.u32 $0xFFFF, v36;
	v36 =	vld [tilespmem:s0+$0xD200]  }
0x218: {  	v21 =	vadd.f32 v23, v24;
	v14 =	vsub.f32 v14, v27;
	v37 =	vshra.s32 v19, $0x10;
	v38 =	vld [tilespmem:s0+$0xB200]  }
0x219: {  	v23 =	vadd.f32 v28, v32;
	v28 =	vsub.f32 v7, v20;
	v7 =	vmovc v29;
	v24 =	vand.u32 $0xFFFF, v19;
	v27 =	vld.idx.msk [tilespmem:v8+s24+$0x0], $0xffff  }
0x21a: {  	v12 =	vsub.f32 v6, v12;
	v22 =	vmul.f32 v15, v22;
	v14 =	vmul.f32 v14, v14;
	v8 =	vmovc v34;
	v19 =	vld [tilespmem:s0+$0xD180]  }
0x21b: {  	v6 =	vmovc v5;
	v21 =	vadd.f32 v21, v23;
	v23 =	vmul.f32 v28, v28;
	v28 =	vmul.f32 v3, v3;
	v20 =	vld [tilespmem:s0+$0xB180]  }
0x21c: {  	v12 =	vmul.f32 v12, v12;
	v5 =	vmul.f32 v18, v33;
	v4 =	vadd.f32 v14, v4;
	v15 =	vld.idx.msk [tilespmem:v34+s7+$0x0], $0xffff  }
.Ltmp7:
0x21d: {  	v3 =	vsub.f32 v31, v21;
	v1 =	vadd.f32 v23, v1;
	v18 =	vld.idx.msk [tilespmem:v37+s7+$0x0], $0xffff;
	(pc) =	sbr.rel @p0 .LBB2_17-.Ltmp7, $4  }
0x21e: {  	v5 =	vsub.f32 v22, v5;
	v4 =	vadd.f32 v12, v4;
	v23 =	vld.idx.msk [tilespmem:v24+s23+$0x0], $0xffff  }
0x21f: {  	v14 =	vsub.f32 v2, v26;
	v1 =	vadd.f32 v28, v1;
	v2 =	vmovc v25;
	v21 =	vand.u32 $0xFFFF0000, v17;
	v22 =	vld.idx.msk [tilespmem:v24+s24+$0x0], $0xffff  }
0x220: {  	v12 =	vadd.f32 v35, v5;
	v26 =	vshll.u32 v27, $0x10;
	v25 =	vand.u32 $0xFFFF0000, v27;
	v24 =	vld.idx.msk [tilespmem:v37+s24+$0x0], $0xffff  }
0x221: {  	s11 =	sadd.s32 $0x20, s11;
	v28 =	vand.u32 $0xFFFF0000, v16;
	v5 =	vsub.f32 v38, v36;
	v27 =	vshll.u32 v30, $0x10  }
0x222: {  	v9 =	vsub.f32 v10, v9  }
0x223: {  	v10 =	vshll.u32 v17, $0x10;
	v17 =	vmul.f32 v26, v28;
	v29 =	vshll.u32 v18, $0x10  }
0x224: {  	v16 =	vshll.u32 v16, $0x10;
	v28 =	vmul.f32 v25, v28;
	v18 =	vand.u32 $0xFFFF0000, v18  }
0x225: {  	v6 =	vsub.f32 v6, v12;
	v3 =	vmul.f32 v3, v3;
	v30 =	vmul.f32 v11, v10  }
0x226: {  	v31 =	vshll.u32 v23, $0x10;
	v10 =	vmul.f32 v27, v10;
	v26 =	vmul.f32 v26, v16  }
0x227: {  	v33 =	vld [tilespmem:s31+$0xD200];
	v23 =	vand.u32 $0xFFFF0000, v23;
	v16 =	vmul.f32 v25, v16;
	v25 =	vmul.f32 v27, v21  }
0x228: {  	v34 =	vld.idx.msk [tilespmem:v13+s24+$0x0], $0xffff;
	v11 =	vmul.f32 v11, v21;
	v32 =	vshll.u32 v22, $0x10;
	v22 =	vand.u32 $0xFFFF0000, v22  }
0x229: {  	v13 =	vld.idx.msk [tilespmem:v13+s23+$0x0], $0xffff;
	v27 =	vand.u32 $0xFFFF0000, v24;
	v24 =	vshll.u32 v24, $0x10;
	v16 =	vsub.f32 v17, v16  }
0x22a: {  	v8 =	vld.idx.msk [tilespmem:v8+s24+$0x0], $0xffff;
	_ =	swait.ge [sflag:s25], $0x1000;
	v21 =	vsub.f32 v25, v30;
	v25 =	vadd.f32 v28, v26;
	v26 =	vmul.f32 v18, v22  }
0x22b: {  	s0 =	simm.s32 $0x0;
	[sflag:s25] =	ssyncset.done $0x0;
	v10 =	vadd.f32 v11, v10;
	v18 =	vmul.f32 v18, v32;
	v17 =	vmul.f32 v24, v23  }
0x22c: {  	s1 =	sand.u32 $0x780, s0;
	[sflag:s25] =	ssyncadd.s32 $0xFFFFF000;
	v23 =	vmul.f32 v27, v23;
	v11 =	vadd.f32 v16, v21;
	v16 =	vsub.f32 v20, v19  }
0x22d: {  	s3 =	sand.u32 $0x60, s0;
	s0 =	sand.u32 $0xF00, s0;
	_ =	swait.ge [sflag:s26], $0x1000;
	v19 =	vmul.f32 v24, v31;
	v20 =	vmul.f32 v29, v32;
	v10 =	vadd.f32 v25, v10  }
0x22e: {  	s1 =	sadd.s32 $0xA980, s1;
	s9 =	sor.u32 $0x10, s3;
	[sflag:s26] =	ssyncset.done $0x0;
	v21 =	vmul.f32 v27, v31;
	v2 =	vsub.f32 v2, v33;
	v11 =	vsub.f32 v14, v11  }
0x22f: {  	s6 =	sor.u32 s3, s1;
	s3 =	sor.u32 s3, s0;
	[sflag:s26] =	ssyncadd.s32 $0xFFFFF000;
	v24 =	vshll.u32 v34, $0x10;
	v19 =	vadd.f32 v23, v19;
	v20 =	vadd.f32 v26, v20  }
0x230: {  	s0 =	sor.u32 s0, s9;
	v27 =	vld [tilespmem:s3+$0xC200];
	v14 =	vand.u32 $0xFFFF0000, v15;
	v17 =	vsub.f32 v17, v21;
	v7 =	vsub.f32 v7, v10  }
0x231: {  	v30 =	vld [tilespmem:s0+$0xE200];
	v21 =	vmul.f32 v29, v22;
	v22 =	vand.u32 $0xFFFF0000, v13;
	v15 =	vshll.u32 v15, $0x10  }
0x232: {  	s1 =	sor.u32 s9, s1;
	v61 =	vld [tilespmem:s0+$0xC200];
	v13 =	vshll.u32 v13, $0x10;
	v29 =	vmul.f32 v14, v24;
	v24 =	vmul.f32 v15, v24  }
0x233: {  	v10 =	vmul.f32 v11, v11;
	v12 =	vadd.f32 v19, v20;
	v19 =	vld [tilespmem:s1+$0x0];
	v20 =	vshll.u32 v8, $0x10  }
0x234: {  	v23 =	vld [tilespmem:s3+$0xE180];
	v8 =	vand.u32 $0xFFFF0000, v8;
	v7 =	vmul.f32 v7, v7;
	v25 =	vmul.f32 v20, v22  }
0x235: {  	s11 =	simm.s32 $0x20;
	v26 =	vld [tilespmem:s3+$0xC180];
	v22 =	vmul.f32 v8, v22;
	v4 =	vadd.f32 v10, v4;
	v10 =	vand.u32 $0xFFFF0000, v34  }
0x236: {  	s28 =	sand.u32 $0x60, s11;
	v11 =	vld [tilespmem:s6+$0x0];
	v18 =	vsub.f32 v21, v18;
	s1 =	simm.s32 $0x40;
	v8 =	vmul.f32 v8, v13;
	v15 =	vmul.f32 v15, v10  }
0x237: {  	s9 =	sor.u32 $0x10, s28;
	v21 =	vld [tilespmem:s0+$0xC180];
	v13 =	vmul.f32 v20, v13;
	s12 =	sand.u32 $0xF00, s1;
	v1 =	vadd.f32 v7, v1;
	v10 =	vmul.f32 v14, v10  }
0x238: {  	s29 =	sor.u32 s12, s9;
	v14 =	vld [tilespmem:s0+$0xE180];
	v8 =	vsub.f32 v25, v8;
	v31 =	vshra.s32 v19, $0x10;
	v15 =	vsub.f32 v15, v29  }
0x239: {  	s31 =	sor.u32 s28, s12;
	v13 =	vadd.f32 v22, v13;
	s0 =	sand.u32 $0x780, s11;
	v36 =	vld [tilespmem:s29+$0xC200];
	v19 =	vand.u32 $0xFFFF, v19;
	v10 =	vadd.f32 v10, v24  }
0x23a: {  	v3 =	vadd.f32 v3, v1;
	s0 =	sadd.s32 $0xA980, s0;
	v1 =	vld [tilespmem:s31+$0xC200];
	v8 =	vadd.f32 v8, v15  }
0x23b: {  	v6 =	vmul.f32 v6, v6;
	v12 =	vsub.f32 v16, v12;
	s10 =	sor.u32 s28, s0;
	v24 =	vld [tilespmem:s3+$0xE200];
	v10 =	vadd.f32 v13, v10  }
0x23c: {  	v16 =	vadd.f32 v17, v18;
	v17 =	vld [tilespmem:s10+$0x0];
	v2 =	vsub.f32 v2, v8  }
0x23d: {  	v4 =	vadd.f32 v6, v4;
	v7 =	vsub.f32 v9, v10;
	v15 =	vld.idx.msk [tilespmem:v31+s7+$0x0], $0xffff  }
0x23e: {  	v5 =	vsub.f32 v5, v16;
	v28 =	vshra.s32 v11, $0x10;
	v13 =	vld.idx.msk [tilespmem:v19+s23+$0x0], $0xffff;
	v2 =	vmul.f32 v2, v2  }
0x23f: {  	v8 =	vld.idx.msk [tilespmem:v19+s24+$0x0], $0xffff;
	v6 =	vmul.f32 v7, v7  }
0x240: {  	v10 =	vld.idx.msk [tilespmem:v31+s24+$0x0], $0xffff;
	v7 =	vand.u32 $0xFFFF, v11;
	v2 =	vadd.f32 v2, v4;
	v4 =	vmul.f32 v5, v5  }
0x241: {  	s0 =	sor.u32 s9, s0;
	v9 =	vld [tilespmem:s31+$0xE180];
	v5 =	vmul.f32 v12, v12;
	v6 =	vadd.f32 v6, v3  }
0x242: {  	v3 =	vadd.f32 v4, v2;
	v4 =	vld [tilespmem:s0+$0x0]  }
0x243: {  	v14 =	vsub.f32 v21, v14;
	v29 =	vld.idx.msk [tilespmem:v28+s7+$0x0], $0xffff;
	v2 =	vadd.f32 v5, v6;
	v12 =	vshll.u32 v15, $0x10  }
0x244: {  	v28 =	vld.idx.msk [tilespmem:v28+s24+$0x0], $0xffff;
	v6 =	vshll.u32 v13, $0x10;
	v18 =	vshll.u32 v8, $0x10;
	v13 =	vand.u32 $0xFFFF0000, v13  }
0x245: {  	v8 =	vand.u32 $0xFFFF0000, v8;
	v19 =	vand.u32 $0xFFFF0000, v10;
	v10 =	vshll.u32 v10, $0x10;
	v16 =	vld.idx.msk [tilespmem:v7+s24+$0x0], $0xffff  }
0x246: {  	v25 =	vand.u32 $0xFFFF0000, v15;
	v15 =	vld.idx.msk [tilespmem:v7+s23+$0x0], $0xffff;
	v20 =	vmul.f32 v19, v13;
	v7 =	vshra.s32 v17, $0x10  }
0x247: {  	v31 =	vld [tilespmem:s29+$0xE200];
	v22 =	vmul.f32 v25, v8;
	v63 =	vmul.f32 v12, v18;
	v35 =	vshra.s32 v4, $0x10  }
0x248: {  	v11 =	vld [tilespmem:s31+$0xC180];
	v62 =	vmul.f32 v10, v6;
	v10 =	vmul.f32 v10, v13;
	v13 =	vand.u32 $0xFFFF, v4  }
0x249: {  	v5 =	vsub.f32 v61, v30;
	v8 =	vmul.f32 v12, v8;
	v30 =	vadd.f32 v22, v63;
	v22 =	vld [tilespmem:s29+$0xC180]  }
0x24a: {  	v12 =	vand.u32 $0xFFFF0000, v29;
	v4 =	vmul.f32 v19, v6;
	v19 =	vadd.f32 v20, v62;
	v20 =	vld [tilespmem:s29+$0xE180]  }
0x24b: {  	v6 =	vsub.f32 v26, v23;
	v23 =	vmul.f32 v25, v18;
	v25 =	vshll.u32 v28, $0x10;
	v18 =	vld.idx.msk [tilespmem:v7+s7+$0x0], $0xffff  }
0x24c: {  	v19 =	vadd.f32 v19, v30;
	v30 =	vsub.f32 v10, v4;
	v10 =	vand.u32 $0xFFFF, v17;
	v17 =	vld.idx.msk [tilespmem:v35+s7+$0x0], $0xffff  }
0x24d: {  	v26 =	vand.u32 $0xFFFF0000, v28;
	v28 =	vand.u32 $0xFFFF0000, v15;
	v8 =	vsub.f32 v8, v23;
	v23 =	vld.idx.msk [tilespmem:v13+s23+$0x0], $0xffff  }
0x24e: {  	v4 =	vsub.f32 v14, v19;
	v19 =	vand.u32 $0xFFFF0000, v16;
	v14 =	vsub.f32 v27, v24;
	v21 =	vld.idx.msk [tilespmem:v13+s24+$0x0], $0xffff  }
0x24f: {  	s11 =	simm.s32 $0x40;
	s3 =	simm.s32 $0x2;
	v27 =	vshll.u32 v29, $0x10;
	v13 =	vadd.f32 v30, v8;
	v24 =	vld.idx.msk [tilespmem:v35+s24+$0x0], $0xffff;
	v8 =	vsub.f32 v36, v31  }
.LBB2_19:
0x250: {  	s0 =	sand.u32 $0x780, s11;
	s3 =	sadd.s32 $0x2, s3;
	v29 =	vsub.f32 v11, v9;
	s1 =	sadd.s32 $0x40, s1;
	v11 =	vshll.u32 v16, $0x10;
	v16 =	vmul.f32 v25, v28;
	v30 =	vmovc v18  }
0x251: {  	s9 =	sand.u32 $0x60, s11;
	v18 =	vshll.u32 v17, $0x10;
	v31 =	vsub.f32 v22, v20;
	v15 =	vshll.u32 v15, $0x10;
	s6 =	sand.u32 $0xF00, s1;
	s0 =	sadd.s32 $0xA980, s0  }
0x252: {  	v22 =	vmul.f32 v26, v28;
	v20 =	vand.u32 $0xFFFF0000, v30;
	v28 =	vmul.f32 v12, v11;
	s10 =	sor.u32 s9, s0;
	s12 =	sor.u32 s9, s6;
	s9 =	sor.u32 $0x10, s9  }
0x253: {  	p0 =	slt.u32 s3, $0x7E;
	v32 =	vshll.u32 v23, $0x10;
	v34 =	vmul.f32 v27, v11;
	v33 =	vshll.u32 v21, $0x10;
	v9 =	vld [tilespmem:s12+$0xE180];
	s0 =	sor.u32 s9, s0  }
0x254: {  	v23 =	vand.u32 $0xFFFF0000, v23;
	v25 =	vmul.f32 v25, v15;
	v15 =	vmul.f32 v26, v15;
	v11 =	vld [tilespmem:s12+$0xC180]  }
0x255: {  	v27 =	vmul.f32 v27, v19;
	v21 =	vand.u32 $0xFFFF0000, v21;
	v35 =	vand.u32 $0xFFFF0000, v24;
	v26 =	vld [tilespmem:s12+$0xC200]  }
0x256: {  	v19 =	vmul.f32 v12, v19;
	v12 =	vmovc v20;
	v24 =	vshll.u32 v24, $0x10;
	v37 =	vsub.f32 v16, v15;
	v36 =	vld [tilespmem:s10+$0x0]  }
0x257: {  	v22 =	vadd.f32 v22, v25;
	v15 =	vmul.f32 v24, v23;
	v38 =	vmul.f32 v35, v32;
	v20 =	vld [tilespmem:s0+$0x0]  }
0x258: {  	v17 =	vand.u32 $0xFFFF0000, v17;
	v27 =	vsub.f32 v27, v28;
	v23 =	vmul.f32 v35, v23;
	v25 =	vld [tilespmem:s31+$0xE200];
	s31 =	smov.u32 s12  }
0x259: {  	v28 =	vmul.f32 v17, v21;
	v19 =	vadd.f32 v19, v34;
	v35 =	vsub.f32 v15, v38;
	v16 =	vld.idx.msk [tilespmem:v10+s24+$0x0], $0xffff  }
0x25a: {  	v24 =	vmul.f32 v24, v32;
	v32 =	vmul.f32 v18, v33;
	v27 =	vadd.f32 v37, v27;
	s0 =	sor.u32 s6, s9;
	v15 =	vld.idx.msk [tilespmem:v10+s23+$0x0], $0xffff  }
0x25b: {  	v19 =	vadd.f32 v22, v19;
	v34 =	vshra.s32 v36, $0x10;
	v10 =	vand.u32 $0xFFFF, v36;
	v36 =	vld [tilespmem:s0+$0xE200]  }
0x25c: {  	v23 =	vadd.f32 v23, v24;
	v14 =	vsub.f32 v14, v27;
	v37 =	vshra.s32 v20, $0x10;
	v38 =	vld [tilespmem:s0+$0xC200]  }
0x25d: {  	v28 =	vadd.f32 v28, v32;
	v19 =	vsub.f32 v6, v19;
	v6 =	vmovc v29;
	v24 =	vand.u32 $0xFFFF, v20;
	v27 =	vld.idx.msk [tilespmem:v7+s24+$0x0], $0xffff  }
0x25e: {  	v13 =	vsub.f32 v5, v13;
	v21 =	vmul.f32 v18, v21;
	v14 =	vmul.f32 v14, v14;
	v7 =	vmovc v34;
	v20 =	vld [tilespmem:s0+$0xE180]  }
0x25f: {  	v5 =	vmovc v8;
	v23 =	vadd.f32 v23, v28;
	v28 =	vmul.f32 v4, v4;
	v19 =	vmul.f32 v19, v19;
	v22 =	vld [tilespmem:s0+$0xC180]  }
0x260: {  	v13 =	vmul.f32 v13, v13;
	v8 =	vmul.f32 v17, v33;
	v3 =	vadd.f32 v14, v3;
	v18 =	vld.idx.msk [tilespmem:v34+s7+$0x0], $0xffff  }
.Ltmp8:
0x261: {  	v4 =	vsub.f32 v31, v23;
	v2 =	vadd.f32 v19, v2;
	v17 =	vld.idx.msk [tilespmem:v37+s7+$0x0], $0xffff;
	(pc) =	sbr.rel @p0 .LBB2_19-.Ltmp8, $4  }
0x262: {  	v8 =	vsub.f32 v21, v8;
	v3 =	vadd.f32 v13, v3;
	v23 =	vld.idx.msk [tilespmem:v24+s23+$0x0], $0xffff  }
0x263: {  	v14 =	vsub.f32 v1, v25;
	v2 =	vadd.f32 v28, v2;
	v1 =	vmovc v26;
	v19 =	vand.u32 $0xFFFF0000, v16;
	v21 =	vld.idx.msk [tilespmem:v24+s24+$0x0], $0xffff  }
0x264: {  	v13 =	vadd.f32 v35, v8;
	v25 =	vshll.u32 v27, $0x10;
	v26 =	vand.u32 $0xFFFF0000, v27;
	v24 =	vld.idx.msk [tilespmem:v37+s24+$0x0], $0xffff  }
0x265: {  	s11 =	sadd.s32 $0x20, s11;
	v28 =	vand.u32 $0xFFFF0000, v15;
	v8 =	vsub.f32 v38, v36;
	v27 =	vshll.u32 v30, $0x10  }
0x266: {  	v9 =	vsub.f32 v11, v9;
	v54 =	vshll.u32 v16, $0x10;
	v55 =	vmul.f32 v25, v28  }
0x267: {  	v29 =	vshll.u32 v17, $0x10;
	v20 =	vsub.f32 v22, v20;
	v56 =	vmul.f32 v26, v28  }
0x268: {  	v15 =	vshll.u32 v15, $0x10;
	v60 =	vmul.f32 v27, v19;
	v63 =	vmul.f32 v12, v19  }
0x269: {  	v36 =	vand.u32 $0xFFFF0000, v17;
	v42 =	vand.u32 $0xFFFF0000, v18;
	v5 =	vsub.f32 v5, v13  }
0x26a: {  	v51 =	vshll.u32 v18, $0x10;
	v57 =	vmul.f32 v12, v54;
	v30 =	vshll.u32 v23, $0x10  }
0x26b: {  	v11 =	vmul.f32 v27, v54;
	v58 =	vand.u32 $0xFFFF0000, v23;
	v59 =	vmul.f32 v26, v15  }
0x26c: {  	v7 =	vld.idx.msk [tilespmem:v7+s24+$0x0], $0xffff;
	v15 =	vmul.f32 v25, v15;
	v31 =	vshll.u32 v21, $0x10;
	v33 =	vand.u32 $0xFFFF0000, v21  }
0x26d: {  	v39 =	vld.idx.msk [tilespmem:v10+s23+$0x0], $0xffff;
	v61 =	vand.u32 $0xFFFF0000, v24;
	v62 =	vshll.u32 v24, $0x10;
	v16 =	vsub.f32 v55, v59  }
0x26e: {  	v43 =	vld.idx.msk [tilespmem:v10+s24+$0x0], $0xffff;
	v32 =	vsub.f32 v60, v57;
	v38 =	vmul.f32 v36, v33;
	v41 =	vmul.f32 v29, v31  }
0x26f: {  	v15 =	vadd.f32 v56, v15;
	v47 =	vmul.f32 v29, v33;
	v34 =	vmul.f32 v62, v58  }
0x270: {  	v11 =	vadd.f32 v63, v11;
	v35 =	vmul.f32 v61, v30;
	v37 =	vmul.f32 v61, v58  }
0x271: {  	v40 =	vmul.f32 v62, v30;
	v58 =	vmul.f32 v36, v31;
	v16 =	vadd.f32 v16, v32  }
0x272: {  	v11 =	vadd.f32 v15, v11;
	v46 =	vadd.f32 v38, v41;
	v49 =	vshll.u32 v7, $0x10  }
0x273: {  	v54 =	vld [tilespmem:s31+$0xE200];
	v7 =	vand.u32 $0xFFFF0000, v7;
	v50 =	vand.u32 $0xFFFF0000, v39;
	v52 =	vshll.u32 v43, $0x10  }
0x274: {  	v12 =	vshll.u32 v39, $0x10;
	v10 =	vand.u32 $0xFFFF0000, v43;
	v53 =	vmul.f32 v49, v50  }
0x275: {  	v15 =	vmul.f32 v7, v50;
	v55 =	vmul.f32 v42, v52;
	v14 =	vsub.f32 v14, v16  }
0x276: {  	v44 =	vsub.f32 v34, v35;
	v19 =	vmul.f32 v51, v52;
	v7 =	vmul.f32 v7, v12  }
0x277: {  	v45 =	vadd.f32 v37, v40;
	v57 =	vmul.f32 v51, v10;
	v14 =	vmul.f32 v14, v14  }
0x278: {  	v10 =	vmul.f32 v42, v10;
	v1 =	vsub.f32 v1, v54;
	v6 =	vsub.f32 v6, v11  }
0x279: {  	v11 =	vsub.f32 v47, v58;
	v3 =	vadd.f32 v14, v3;
	v14 =	vmul.f32 v49, v12  }
0x27a: {  	v7 =	vsub.f32 v53, v7;
	v13 =	vsub.f32 v57, v55  }
0x27b: {  	v10 =	vadd.f32 v10, v19;
	v14 =	vadd.f32 v15, v14  }
0x27c: {  	v48 =	vadd.f32 v45, v46;
	v6 =	vmul.f32 v6, v6;
	v59 =	vadd.f32 v44, v11  }
0x27d: {  	v7 =	vadd.f32 v7, v13;
	v10 =	vadd.f32 v14, v10  }
0x27e: {  	v5 =	vmul.f32 v5, v5;
	v56 =	vsub.f32 v20, v48;
	v2 =	vadd.f32 v6, v2  }
0x27f: {  	v4 =	vmul.f32 v4, v4;
	s30 =	sadd.s32 $0x1, s30;
	v1 =	vsub.f32 v1, v7;
	v60 =	vsub.f32 v9, v10  }
0x280: {  	p0 =	sne.s32 s30, $0x8;
	v61 =	vsub.f32 v8, v59;
	v3 =	vadd.f32 v5, v3  }
.Ltmp9:
0x281: {  	v2 =	vadd.f32 v4, v2;
	v1 =	vmul.f32 v1, v1;
	v62 =	vmul.f32 v60, v60;
	(pc) =	sbr.rel @p0 .LBB2_2-.Ltmp9, $3  }
0x282: {  	v63 =	vmul.f32 v56, v56  }
0x283: {  	v1 =	vadd.f32 v1, v3;
	v3 =	vmul.f32 v61, v61;
	v2 =	vadd.f32 v62, v2;
	_ =	sdelay $0x1  }
0x284: {  	v1 =	vadd.f32 v3, v1;
	v2 =	vadd.f32 v63, v2  }
0x285: {  	_ = 	snop  }
0x286: {  	v1 =	vadd.f32 v1, v2;
	_ =	sdelay $0x1  }
0x287: {  	s0 =	rddreg [dreg:$0x6];
	s1 =	simm.s32 $0xF180;
	s3 =	simm.s32 $0x7;
	[tilespmem:$0xF180] =	vst v1  }
0x288: {  	[hbm4b:s0+s7] =	stream.linear.scatter [tilespmem:s1], [sflag:$0x7], $0x80, $0x38;
	[tilespmem:$0xF200] =	vst v63  }
0x289: {  	_ =	swait.ge [sflag:s3], $0x80  }
0x28a: {  	s30 =	rddreg [dreg:$0x8]  }
0x28b: {  	s31 =	rddreg [dreg:$0x7];
	s1 =	sadd.s32 $0x1, s30  }
0x28c: {  	p0 =	sne.s32 s1, s31  }
.Ltmp10:
0x28d: {  	_ = 	snop;
	(pc) =	sbr.rel @p0 .LBB2_1-.Ltmp10, $3  }
0x28e: {  	_ =	sdelay $0x1  }
0x28f: {  	[sflag:s3] =	ssyncset.done $0x0  }
0x290: {  	[sflag:s3] =	ssyncadd.s32 $0xFFFFFF80  }
0x291: {  	_ =	sfence.sel $0x180000  }
0x292: {  	[bflag:$0x0] =	sbarrier.arrive $0xFFFF  }
0x293: {  	_ =	strace $0x90000047  }
0x294: {  	s0 =	stileid.u32;
	[bflag:$0x2] =	sbarrier.arrive $0xFFFF  }
0x295: {  	p0 =	sne.s32 s0, $0x0;
	s0 =	rddreg [dreg:$0x5]  }
0x296: {  	s0 =	sadd.s32 @!p0 $0x100000, s0  }
0x297: {  	[sflag:s0] =	ssyncadd.tile.s32 @!p0 $0x1;
	_ =	shalt  }
.Lfunc_end2:
_tile_overlayer_lowered:
.L_overlay_start_2:
0x298: {  	(tag) =	ssettag $0x2  }
0x299: {  	s0 =	rddreg [dreg:$0x0];
	s2 =	stileid.u32  }
0x29a: {  	s1 =	rddreg [dreg:$0x1];
	p0 =	sne.s32 s2, $0x0  }
0x29b: {  	s3 =	rddreg [dreg:$0x2];
	[bflag:$0x3] =	sbarrier.arrive $0xFFFF;
	s2 =	simm.s32 @!p0 $0x1C07  }
0x29c: {  	[timem:s3], [sflag:s2] =	dma.local @!p0 [hbm:s0], s1  }
0x29d: {  	s0 =	simm.s32 @!p0 $0x7  }
0x29e: {  	_ =	swait.ge @!p0 [sflag:s0], s1  }
0x29f: {  	s1 =	ssub.s32 @!p0 $0x0, s1;
	[sflag:s0] =	ssyncset.done @!p0 $0x0  }
0x2a0: {  	[sflag:s0] =	ssyncadd.s32 @!p0 s1  }
0x2a1: {  	[bflag:$0x3] =	sbarrier.arrive $0xFFFF  }
0x2a2: {  	_ =	shalt  }

</sc_bundles>
